<compile_context>
chip_gen: v7x
topology: tpu7x:2x2x1
jax: 0.10.2.dev20260603
libtpu: 0.0.44.dev20260713+nightly
codegen_flags: <defaults>
</compile_context>

<pallas_src>
import functools

import jax
import jax.numpy as jnp
from jax import lax
from jax.experimental import pallas as pl
from jax.experimental.pallas import tpu as pltpu
from jax.experimental.pallas import tpu_sc as plsc

_N = 10000
_D = 256
_H = 128
_E = 160000
_R = 3
_B = 50000
_EMB = 128

_NC = 2
_NS = 16
_EPT = _E // _NS
_CH = 80
_NCHUNK = _EPT // _CH
_NG = _N // 8
_GPT = _NG // _NS

_BP = 50176
_GCH = 112
_GPW = _BP // (_NC * _NS)
_GNCH = _GPW // _GCH

def _sc_mesh():
    return plsc.VectorSubcoreMesh(
        core_axis_name="c", subcore_axis_name="s",
        num_cores=_NC, num_subcores=_NS,
    )


def _aggregate_body(flo, fhi, srcs, dsts, rowids, sums_out,
                    counts_out, src_v, dst_v, rows_v, idx_v, idx16_v,
                    zbuf, zbuf_c, ones_v, stage_c, cnt_v, acc, cacc, sem):
    cid = lax.axis_index("c")
    tid = lax.axis_index("s")
    zero16 = jnp.zeros((16,), jnp.float32)

    def _zrow(i, _):
        for j in range(_H // 16):
            zbuf[i, pl.ds(j * 16, 16)] = zero16
        return 0
    lax.fori_loop(0, _CH, _zrow, 0)

    def _zrow_c(i, _):
        zbuf_c[i, :] = zero16
        return 0
    lax.fori_loop(0, 16, _zrow_c, 0)

    onerow16 = jnp.where(lax.iota(jnp.int32, 16) == 0, 1.0, 0.0)

    def _orow(i, _):
        ones_v[i, :] = onerow16
        return 0
    lax.fori_loop(0, _CH, _orow, 0)

    rbase = tid * 640
    nrch = jnp.where(tid == _NS - 1, (_N - 640 * (_NS - 1)) // _CH,
                     640 // _CH)

    ebase = tid * _EPT
    for r in range(_R):
        if True:
            def _zero(k, _):
                pltpu.sync_copy(rowids.at[pl.ds(rbase + k * _CH, _CH)],
                                idx_v)
                pltpu.sync_copy(zbuf, acc.at[idx_v])
                return 0
            lax.fori_loop(0, nrch, _zero, 0)

            @pl.when(cid == 0)
            def _():
                def _zero_c(k, _):
                    pltpu.sync_copy(rowids.at[pl.ds(rbase + k * 16, 16)],
                                    idx16_v)
                    pltpu.sync_copy(zbuf_c, cacc.at[idx16_v])
                    return 0
                lax.fori_loop(0, nrch * 5, _zero_c, 0)
        if True:
            plsc.subcore_barrier()

        if True:
            def _chunk(j, _):
                off = r * _E + ebase + j * _CH
                pltpu.sync_copy(srcs.at[pl.ds(off, _CH)], src_v)
                pltpu.sync_copy(dsts.at[pl.ds(off, _CH)], dst_v)

                if True:
                    @pl.when(cid == 0)
                    def _():
                        pltpu.async_copy(flo.at[src_v], rows_v, sem).wait()

                    @pl.when(cid == 1)
                    def _():
                        pltpu.async_copy(fhi.at[src_v], rows_v, sem).wait()

                if True:
                    pltpu.sync_copy(rows_v, acc.at[dst_v], add=True)

                if True:
                    @pl.when(cid == 0)
                    def _():
                        pltpu.sync_copy(ones_v, cacc.at[dst_v], add=True)
                return 0
            lax.fori_loop(0, _NCHUNK, _chunk, 0)
        if True:
            plsc.subcore_barrier()

        if True:
            def _drain(k, _):
                hoff = rbase + k * _CH
                pltpu.sync_copy(rowids.at[pl.ds(hoff, _CH)], idx_v)
                pltpu.sync_copy(acc.at[idx_v], rows_v)

                @pl.when(cid == 0)
                def _():
                    pltpu.sync_copy(rows_v,
                                    sums_out.at[r, 0, pl.ds(hoff, _CH)])

                @pl.when(cid == 1)
                def _():
                    pltpu.sync_copy(rows_v,
                                    sums_out.at[r, 1, pl.ds(hoff, _CH)])
                return 0
            lax.fori_loop(0, nrch, _drain, 0)

            @pl.when(cid == 0)
            def _():
                lane = lax.iota(jnp.int32, 16)
                col0 = jnp.zeros((16,), jnp.int32)

                def _drain_c(k, _):
                    pltpu.sync_copy(rowids.at[pl.ds(rbase + k * 16, 16)],
                                    idx16_v)
                    pltpu.sync_copy(cacc.at[idx16_v], stage_c)
                    cnt_v[pl.ds(k * 16, 16)] = plsc.load_gather(
                        stage_c, [lane, col0])
                    return 0
                lax.fori_loop(0, nrch * 5, _drain_c, 0)

                @pl.when(tid < _NS - 1)
                def _():
                    pltpu.sync_copy(cnt_v,
                                    counts_out.at[pl.ds(r * _N + rbase, 640)])

                @pl.when(tid == _NS - 1)
                def _():
                    pltpu.sync_copy(cnt_v.at[pl.ds(0, 400)],
                                    counts_out.at[pl.ds(r * _N + rbase, 400)])

        if True:
            plsc.subcore_barrier()


@functools.cache
def _aggregate_kernel():
    return pl.kernel(
        _aggregate_body,
        out_type=(
            jax.ShapeDtypeStruct((_R, _NC, _N, _H), jnp.float32),
            jax.ShapeDtypeStruct((_R * _N,), jnp.float32),
        ),
        mesh=_sc_mesh(),
        compiler_params=pltpu.CompilerParams(needs_layout_passes=False),
        scratch_types=[
            pltpu.VMEM((_CH,), jnp.int32),
            pltpu.VMEM((_CH,), jnp.int32),
            pltpu.VMEM((_CH, _H), jnp.float32),
            pltpu.VMEM((_CH,), jnp.int32),
            pltpu.VMEM((16,), jnp.int32),
            pltpu.VMEM((_CH, _H), jnp.float32),
            pltpu.VMEM((16, 16), jnp.float32),
            pltpu.VMEM((_CH, 16), jnp.float32),
            pltpu.VMEM((16, 16), jnp.float32),
            pltpu.VMEM((640,), jnp.float32),
            pltpu.VMEM_SHARED((_N, _H), jnp.float32),
            pltpu.VMEM_SHARED((_N, 16), jnp.float32),
            pltpu.SemaphoreType.DMA,
        ],
    )


_NB = 1000


def _dense_body(f_ref, s_ref, c_ref, w1_ref, b1_ref, w2_ref, b2_ref, o_ref):
    parts = [f_ref[...]]
    for r in range(_R):
        inv = 1.0 / jnp.maximum(c_ref[r, :, 0:1], 1.0)
        parts.append(s_ref[r, 0] * inv)
        parts.append(s_ref[r, 1] * inv)
    x = jnp.concatenate(parts, axis=1)
    h = jnp.tanh(
        jnp.dot(x, w1_ref[...], preferred_element_type=jnp.float32) + b1_ref[...]
    )
    o_ref[...] = (
        jnp.dot(h, w2_ref[...], preferred_element_type=jnp.float32) + b2_ref[...]
    )


def _dense(features, sums, counts, W1, b1, W2, b2, interpret=False):
    grid = _N // _NB
    return pl.pallas_call(
        _dense_body,
        grid=(grid,),
        in_specs=[
            pl.BlockSpec((_NB, _D), lambda i: (i, 0)),
            pl.BlockSpec((_R, _NC, _NB, _H), lambda i: (0, 0, i, 0)),
            pl.BlockSpec((_R, _NB, 1), lambda i: (0, i, 0)),
            pl.BlockSpec(((_R + 1) * _D, _D), lambda i: (0, 0)),
            pl.BlockSpec((1, _D), lambda i: (0, 0)),
            pl.BlockSpec((_D, _EMB), lambda i: (0, 0)),
            pl.BlockSpec((1, _EMB), lambda i: (0, 0)),
        ],
        out_specs=pl.BlockSpec((_NB, _EMB), lambda i: (i, 0)),
        out_shape=jax.ShapeDtypeStruct((_N, _EMB), jnp.float32),
        interpret=interpret,
    )(features, sums, counts, W1, b1, W2, b2)


def _gather_rows_body(table, idx, out, idx_v, rows_v, sem):
    wid = lax.axis_index("s") * _NC + lax.axis_index("c")
    base = wid * _GPW

    def _chunk(j, _):
        off = base + j * _GCH
        pltpu.sync_copy(idx.at[pl.ds(off, _GCH)], idx_v)
        pltpu.async_copy(table.at[idx_v], rows_v, sem).wait()
        pltpu.sync_copy(rows_v, out.at[pl.ds(off, _GCH)])
        return 0
    lax.fori_loop(0, _GNCH, _chunk, 0)


@functools.cache
def _gather_rows_kernel():
    return pl.kernel(
        _gather_rows_body,
        out_type=jax.ShapeDtypeStruct((_BP, _EMB), jnp.float32),
        mesh=_sc_mesh(),
        scratch_types=[
            pltpu.VMEM((_GCH,), jnp.int32),
            pltpu.VMEM((_GCH, _EMB), jnp.float32),
            pltpu.SemaphoreType.DMA,
        ],
    )


def kernel(nodes, features, edge_index_0, edge_index_1, edge_index_2,
           W1, b1, W2, b2):
    flo = features[:, :_H]
    fhi = features[:, _H:]
    srcs = jnp.concatenate(
        [edge_index_0[0], edge_index_1[0], edge_index_2[0]]).astype(jnp.int32)
    dsts = jnp.concatenate(
        [edge_index_0[1], edge_index_1[1], edge_index_2[1]]).astype(jnp.int32)
    rowids = jnp.arange(640 * _NS, dtype=jnp.int32)

    sums, counts = _aggregate_kernel()(flo, fhi, srcs, dsts, rowids)
    q = _dense(features, sums, counts.reshape(_R, _N, 1), W1,
               b1.reshape(1, _D), W2, b2.reshape(1, _EMB))
    nodes_pad = jnp.concatenate(
        [nodes.astype(jnp.int32), jnp.zeros((_BP - _B,), jnp.int32)])
    out = _gather_rows_kernel()(q, nodes_pad)
    return out[:_B]

# --- scband reference (transcript-rebuilt; emitter-appended) ---
"""Pipeline reference for scband-encoder-41412074668236 (READ-ONLY COPY).

The authoritative reference and input builder live on the scoring server;
editing this copy changes nothing except your own understanding.
"""

import jax, jax.numpy as jnp
import numpy as np

N_NODES = 10000
D_FEAT = 256
EMBED_DIM = 128
N_REL = 3
N_EDGES = N_NODES * 16
BATCH = 50000


def setup_inputs(seed: int = 0) -> dict:
    key = jax.random.key(seed)
    ks = jax.random.split(key, 10)
    nodes = jax.random.randint(ks[0], (BATCH,), 0, N_NODES, dtype=jnp.int64) if jax.config.jax_enable_x64 else jax.random.randint(ks[0], (BATCH,), 0, N_NODES).astype(jnp.int32)
    features = jax.random.normal(ks[1], (N_NODES, D_FEAT), dtype=jnp.float32)
    edge_index_0 = jax.random.randint(ks[2], (2, N_EDGES), 0, N_NODES)
    edge_index_1 = jax.random.randint(ks[3], (2, N_EDGES), 0, N_NODES)
    edge_index_2 = jax.random.randint(ks[4], (2, N_EDGES), 0, N_NODES)
    # proj = Linear((R+1)*d -> d), Tanh, Linear(d -> embed_dim); kaiming-like init
    W1 = jax.random.normal(ks[5], ((N_REL + 1) * D_FEAT, D_FEAT), dtype=jnp.float32) * np.sqrt(2.0 / ((N_REL + 1) * D_FEAT))
    b1 = jax.random.uniform(ks[6], (D_FEAT,), minval=-1.0, maxval=1.0, dtype=jnp.float32) / np.sqrt((N_REL + 1) * D_FEAT)
    W2 = jax.random.normal(ks[7], (D_FEAT, EMBED_DIM), dtype=jnp.float32) * np.sqrt(2.0 / D_FEAT)
    b2 = jax.random.uniform(ks[8], (EMBED_DIM,), minval=-1.0, maxval=1.0, dtype=jnp.float32) / np.sqrt(D_FEAT)
    return {"nodes": nodes, "features": features, "edge_index_0": edge_index_0,
            "edge_index_1": edge_index_1, "edge_index_2": edge_index_2,
            "W1": W1, "b1": b1, "W2": W2, "b2": b2}


def _mean_aggregate(features, edge_index, nodes):
    # MeanAggregator over one relation: mean of neighbor (src) features at each dst node,
    # then gather rows for the query batch `nodes`.
    src = edge_index[0]
    dst = edge_index[1]
    msgs = jnp.take(features, src, axis=0)
    summed = jax.ops.segment_sum(msgs, dst, num_segments=N_NODES)
    counts = jax.ops.segment_sum(jnp.ones((src.shape[0], 1), dtype=features.dtype), dst, num_segments=N_NODES)
    mean = summed / jnp.clip(counts, 1.0)
    return jnp.take(mean, nodes, axis=0)


def reference(nodes, features, edge_index_0, edge_index_1, edge_index_2, W1, b1, W2, b2):
    neigh_feats = [_mean_aggregate(features, ei, nodes)
                   for ei in (edge_index_0, edge_index_1, edge_index_2)]
    self_feats = jnp.take(features, nodes, axis=0)
    X = jnp.concatenate([self_feats] + neigh_feats, axis=1)
    h = jnp.tanh(X @ W1 + b1)
    return h @ W2 + b2

if __name__ == "__main__":
    import jax
    _d = setup_inputs()
    print(jax.jit(kernel)(*tuple(_d.values())))

</pallas_src>

<mosaic_0001>
#map = affine_map<(d0, d1) -> (0, 0)>
#map1 = affine_map<(d0, d1) -> (0)>
#map2 = affine_map<(d0, d1) -> (0, 0, 0, 0)>
module attributes {stable_mosaic.version = 14 : i64} {
  func.func @_aggregate_body(%arg0: i32, %arg1: i32, %arg2: memref<10000x128xf32, #tpu.memory_space<hbm>>, %arg3: memref<10000x128xf32, #tpu.memory_space<hbm>>, %arg4: memref<480000xi32, #tpu.memory_space<hbm>>, %arg5: memref<480000xi32, #tpu.memory_space<hbm>>, %arg6: memref<10240xi32, #tpu.memory_space<hbm>>, %arg7: memref<3x2x10000x128xf32, #tpu.memory_space<hbm>>, %arg8: memref<30000xf32, #tpu.memory_space<hbm>>, %arg9: memref<80xi32, #tpu.memory_space<vmem>>, %arg10: memref<80xi32, #tpu.memory_space<vmem>>, %arg11: memref<80x128xf32, #tpu.memory_space<vmem>>, %arg12: memref<80xi32, #tpu.memory_space<vmem>>, %arg13: memref<16xi32, #tpu.memory_space<vmem>>, %arg14: memref<80x128xf32, #tpu.memory_space<vmem>>, %arg15: memref<16x16xf32, #tpu.memory_space<vmem>>, %arg16: memref<80x16xf32, #tpu.memory_space<vmem>>, %arg17: memref<16x16xf32, #tpu.memory_space<vmem>>, %arg18: memref<640xf32, #tpu.memory_space<vmem>>, %arg19: memref<10000x128xf32, #tpu.memory_space<vmem_shared>>, %arg20: memref<10000x16xf32, #tpu.memory_space<vmem_shared>>, %arg21: memref<!tpu.dma_semaphore, #tpu.memory_space<semaphore_mem>>) attributes {dimension_semantics = [#tpu.dimension_semantics<core_parallel>, #tpu.dimension_semantics<subcore_parallel>], iteration_bounds = array<i64: 2, 16>, scalar_prefetch = 0 : i64, scratch_operands = 13 : i64, tpu.core_type = #tpu.core_type<sc_vector_subcore>, window_params = [{transform_indices = #map}, {transform_indices = #map}, {transform_indices = #map1}, {transform_indices = #map1}, {transform_indices = #map1}, {transform_indices = #map2}, {transform_indices = #map1}]} {
    %broadcast_in_dim3A = arith.constant 0.000000e+00 : f32
    %broadcast_in_dim3A_0 = vector.broadcast %broadcast_in_dim3A : f32 to vector<16xf32>
    %scan3A = arith.constant 0 : i32
    %scan3A_1 = arith.constant 0 : i32
    %scan3A_2 = arith.constant 80 : i32
    %scan3A_3 = arith.addi %scan3A_1, %scan3A_2 : i32
    %scan3A_4 = arith.constant 1 : i32
    %scan3A_5 = scf.for %scan3A_162 = %scan3A_1 to %scan3A_3 step %scan3A_4 iter_args(%scan3A_163 = %scan3A) -> (i32)  : i32 {
      %swap3A = arith.index_cast %scan3A_162 : i32 to index
      %swap3A_164 = arith.constant 0 : index
      %swap3A_165 = tpu.vector_load %arg14[%swap3A, %swap3A_164] {strides = array<i32>} : memref<80x128xf32, #tpu.memory_space<vmem>>, vector<16xf32>,
      tpu.vector_store %arg14[%swap3A, %swap3A_164], %broadcast_in_dim3A_0 {strides = array<i32>} : memref<80x128xf32, #tpu.memory_space<vmem>>, vector<16xf32>,
      %swap3A_166 = arith.index_cast %scan3A_162 : i32 to index
      %swap3A_167 = arith.constant 16 : index
      %swap3A_168 = tpu.vector_load %arg14[%swap3A_166, %swap3A_167] {strides = array<i32>} : memref<80x128xf32, #tpu.memory_space<vmem>>, vector<16xf32>,
      tpu.vector_store %arg14[%swap3A_166, %swap3A_167], %broadcast_in_dim3A_0 {strides = array<i32>} : memref<80x128xf32, #tpu.memory_space<vmem>>, vector<16xf32>,
      %swap3A_169 = arith.index_cast %scan3A_162 : i32 to index
      %swap3A_170 = arith.constant 32 : index
      %swap3A_171 = tpu.vector_load %arg14[%swap3A_169, %swap3A_170] {strides = array<i32>} : memref<80x128xf32, #tpu.memory_space<vmem>>, vector<16xf32>,
      tpu.vector_store %arg14[%swap3A_169, %swap3A_170], %broadcast_in_dim3A_0 {strides = array<i32>} : memref<80x128xf32, #tpu.memory_space<vmem>>, vector<16xf32>,
      %swap3A_172 = arith.index_cast %scan3A_162 : i32 to index
      %swap3A_173 = arith.constant 48 : index
      %swap3A_174 = tpu.vector_load %arg14[%swap3A_172, %swap3A_173] {strides = array<i32>} : memref<80x128xf32, #tpu.memory_space<vmem>>, vector<16xf32>,
      tpu.vector_store %arg14[%swap3A_172, %swap3A_173], %broadcast_in_dim3A_0 {strides = array<i32>} : memref<80x128xf32, #tpu.memory_space<vmem>>, vector<16xf32>,
      %swap3A_175 = arith.index_cast %scan3A_162 : i32 to index
      %swap3A_176 = arith.constant 64 : index
      %swap3A_177 = tpu.vector_load %arg14[%swap3A_175, %swap3A_176] {strides = array<i32>} : memref<80x128xf32, #tpu.memory_space<vmem>>, vector<16xf32>,
      tpu.vector_store %arg14[%swap3A_175, %swap3A_176], %broadcast_in_dim3A_0 {strides = array<i32>} : memref<80x128xf32, #tpu.memory_space<vmem>>, vector<16xf32>,
      %swap3A_178 = arith.index_cast %scan3A_162 : i32 to index
      %swap3A_179 = arith.constant 80 : index
      %swap3A_180 = tpu.vector_load %arg14[%swap3A_178, %swap3A_179] {strides = array<i32>} : memref<80x128xf32, #tpu.memory_space<vmem>>, vector<16xf32>,
      tpu.vector_store %arg14[%swap3A_178, %swap3A_179], %broadcast_in_dim3A_0 {strides = array<i32>} : memref<80x128xf32, #tpu.memory_space<vmem>>, vector<16xf32>,
      %swap3A_181 = arith.index_cast %scan3A_162 : i32 to index
      %swap3A_182 = arith.constant 96 : index
      %swap3A_183 = tpu.vector_load %arg14[%swap3A_181, %swap3A_182] {strides = array<i32>} : memref<80x128xf32, #tpu.memory_space<vmem>>, vector<16xf32>,
      tpu.vector_store %arg14[%swap3A_181, %swap3A_182], %broadcast_in_dim3A_0 {strides = array<i32>} : memref<80x128xf32, #tpu.memory_space<vmem>>, vector<16xf32>,
      %swap3A_184 = arith.index_cast %scan3A_162 : i32 to index
      %swap3A_185 = arith.constant 112 : index
      %swap3A_186 = tpu.vector_load %arg14[%swap3A_184, %swap3A_185] {strides = array<i32>} : memref<80x128xf32, #tpu.memory_space<vmem>>, vector<16xf32>,
      tpu.vector_store %arg14[%swap3A_184, %swap3A_185], %broadcast_in_dim3A_0 {strides = array<i32>} : memref<80x128xf32, #tpu.memory_space<vmem>>, vector<16xf32>,
      %scan3A_187 = arith.constant 0 : i32
      scf.yield %scan3A_187 : i32
    }
    %scan3A_6 = arith.constant 80 : i32
    %scan3A_7 = arith.constant 0 : i32
    %scan3A_8 = arith.constant 0 : i32
    %scan3A_9 = arith.constant 16 : i32
    %scan3A_10 = arith.addi %scan3A_8, %scan3A_9 : i32
    %scan3A_11 = arith.constant 1 : i32
    %scan3A_12 = scf.for %scan3A_162 = %scan3A_8 to %scan3A_10 step %scan3A_11 iter_args(%scan3A_163 = %scan3A_7) -> (i32)  : i32 {
      %swap3A = arith.index_cast %scan3A_162 : i32 to index
      %swap3A_164 = arith.constant 0 : index
      %swap3A_165 = tpu.vector_load %arg15[%swap3A, %swap3A_164] {strides = array<i32>} : memref<16x16xf32, #tpu.memory_space<vmem>>, vector<16xf32>,
      tpu.vector_store %arg15[%swap3A, %swap3A_164], %broadcast_in_dim3A_0 {strides = array<i32>} : memref<16x16xf32, #tpu.memory_space<vmem>>, vector<16xf32>,
      %scan3A_166 = arith.constant 0 : i32
      scf.yield %scan3A_166 : i32
    }
    %scan3A_13 = arith.constant 16 : i32
    %iota3A = tpu.iota {dimensions = array<i32: 0>} : vector<16xi32>
    %eq3A = arith.constant 0 : i32
    %eq3A_14 = vector.broadcast %eq3A : i32 to vector<16xi32>
    %eq3A_15 = arith.cmpi eq, %iota3A, %eq3A_14 : vector<16xi32>
    %jit3A = arith.constant 1.000000e+00 : f32
    %jit3A_16 = arith.constant 0.000000e+00 : f32
    %broadcast_in_dim3A_17 = vector.broadcast %jit3A : f32 to vector<16xf32>
    %broadcast_in_dim3A_18 = vector.broadcast %jit3A_16 : f32 to vector<16xf32>
    %select_n3A = arith.select %eq3A_15, %broadcast_in_dim3A_17, %broadcast_in_dim3A_18 : vector<16xi1>, vector<16xf32>
    %scan3A_19 = arith.constant 0 : i32
    %scan3A_20 = arith.constant 0 : i32
    %scan3A_21 = arith.constant 80 : i32
    %scan3A_22 = arith.addi %scan3A_20, %scan3A_21 : i32
    %scan3A_23 = arith.constant 1 : i32
    %scan3A_24 = scf.for %scan3A_162 = %scan3A_20 to %scan3A_22 step %scan3A_23 iter_args(%scan3A_163 = %scan3A_19) -> (i32)  : i32 {
      %swap3A = arith.index_cast %scan3A_162 : i32 to index
      %swap3A_164 = arith.constant 0 : index
      %swap3A_165 = tpu.vector_load %arg16[%swap3A, %swap3A_164] {strides = array<i32>} : memref<80x16xf32, #tpu.memory_space<vmem>>, vector<16xf32>,
      tpu.vector_store %arg16[%swap3A, %swap3A_164], %select_n3A {strides = array<i32>} : memref<80x16xf32, #tpu.memory_space<vmem>>, vector<16xf32>,
      %scan3A_166 = arith.constant 0 : i32
      scf.yield %scan3A_166 : i32
    }
    %scan3A_25 = arith.constant 80 : i32
    %mul3A = arith.constant 640 : i32
    %mul3A_26 = arith.muli %arg1, %mul3A : i32
    %eq3A_27 = arith.constant 15 : i32
    %eq3A_28 = arith.cmpi eq, %arg1, %eq3A_27 : i32
    %jit3A_29 = arith.constant 5 : i32
    %jit3A_30 = arith.constant 8 : i32
    %select_n3A_31 = arith.select %eq3A_28, %jit3A_29, %jit3A_30 : i32
    %mul3A_32 = arith.constant 10000 : i32
    %mul3A_33 = arith.muli %arg1, %mul3A_32 : i32
    %while3A = arith.constant 0 : i32
    %while3A_34 = arith.constant 0 : i32
    %while3A_35 = arith.subi %select_n3A_31, %while3A : i32
    %while3A_36 = arith.addi %while3A, %while3A_35 : i32
    %while3A_37 = arith.constant 1 : i32
    %while3A_38 = arith.divsi %while3A_35, %while3A_37 : i32
    %while3A_39 = arith.muli %while3A_38, %while3A_37 : i32
    %while3A_40 = arith.addi %while3A, %while3A_39 : i32
    %while3A_41 = arith.constant 1 : i32
    %while3A_42 = scf.for %while3A_162 = %while3A to %while3A_40 step %while3A_41 iter_args(%while3A_163 = %while3A_34) -> (i32)  : i32 {
      %mul3A_164 = arith.constant 80 : i32
      %mul3A_165 = arith.muli %while3A_162, %mul3A_164 : i32
      %add3A = arith.addi %mul3A_26, %mul3A_165 : i32
      "tpu.region"() ({
        %run_scoped3A = tpu.sem_alloc : memref<!tpu.dma_semaphore, #tpu.memory_space<semaphore_mem>>
        %dma_start3A = tpu.memref_slice %arg6[%add3A] : memref<10240xi32, #tpu.memory_space<hbm>> -> memref<80xi32, #tpu.memory_space<hbm>>
        %dma_start3A_167 = tpu.memref_slice %arg6[%add3A] : memref<10240xi32, #tpu.memory_space<hbm>> -> memref<80xi32, #tpu.memory_space<hbm>>
        tpu.enqueue_dma source(%dma_start3A_167 : memref<80xi32, #tpu.memory_space<hbm>>) target(%arg12 : memref<80xi32, #tpu.memory_space<vmem>>) target_semaphore(%run_scoped3A : memref<!tpu.dma_semaphore, #tpu.memory_space<semaphore_mem>>)
        %dma_wait3A = tpu.memref_slice %arg6[%add3A] : memref<10240xi32, #tpu.memory_space<hbm>> -> memref<80xi32, #tpu.memory_space<hbm>>
        %dma_wait3A_168 = tpu.memref_slice %arg6[%add3A] : memref<10240xi32, #tpu.memory_space<hbm>> -> memref<80xi32, #tpu.memory_space<hbm>>
        tpu.wait_dma2 semaphore(%run_scoped3A : memref<!tpu.dma_semaphore, #tpu.memory_space<semaphore_mem>>) src(%dma_wait3A_168 : memref<80xi32, #tpu.memory_space<hbm>>) dst(%arg12 : memref<80xi32, #tpu.memory_space<vmem>>)
        tpu.yield
      }) : () -> ()
      "tpu.region"() ({
        %run_scoped3A = tpu.sem_alloc : memref<!tpu.dma_semaphore, #tpu.memory_space<semaphore_mem>>
        %dma_start3A = arith.constant 0 : i32
        %dma_start3A_167 = arith.constant 0 : i32
        %dma_start3A_168 = tpu.memref_slice %arg19[%dma_start3A, %dma_start3A_167] : memref<10000x128xf32, #tpu.memory_space<vmem_shared>> -> memref<10000x128xf32, #tpu.memory_space<vmem_shared>>
        tpu.enqueue_indirect_dma source(%arg14 : memref<80x128xf32, #tpu.memory_space<vmem>>) target(%dma_start3A_168 : memref<10000x128xf32, #tpu.memory_space<vmem_shared>>) offsets(%arg12 : memref<80xi32, #tpu.memory_space<vmem>>) semaphore(%run_scoped3A : memref<!tpu.dma_semaphore, #tpu.memory_space<semaphore_mem>>)
        %dma_wait3A = arith.constant 0 : i32
        %dma_wait3A_169 = arith.constant 0 : i32
        %dma_wait3A_170 = tpu.memref_slice %arg19[%dma_wait3A, %dma_wait3A_169] : memref<10000x128xf32, #tpu.memory_space<vmem_shared>> -> memref<10000x128xf32, #tpu.memory_space<vmem_shared>>
        tpu.wait_indirect_dma semaphore(%run_scoped3A : memref<!tpu.dma_semaphore, #tpu.memory_space<semaphore_mem>>) src(%arg14 : memref<80x128xf32, #tpu.memory_space<vmem>>) dst(%dma_wait3A_170 : memref<10000x128xf32, #tpu.memory_space<vmem_shared>>)
        tpu.yield
      }) : () -> ()
      %while3A_166 = arith.constant 0 : i32
      scf.yield %while3A_166 : i32
    }
    %while3A_43 = arith.constant 1 : i32
    %while3A_44 = scf.for %while3A_162 = %while3A_40 to %while3A_36 step %while3A_43 iter_args(%while3A_163 = %while3A_42) -> (i32)  : i32 {
      %mul3A_164 = arith.constant 80 : i32
      %mul3A_165 = arith.muli %while3A_162, %mul3A_164 : i32
      %add3A = arith.addi %mul3A_26, %mul3A_165 : i32
      "tpu.region"() ({
        %run_scoped3A = tpu.sem_alloc : memref<!tpu.dma_semaphore, #tpu.memory_space<semaphore_mem>>
        %dma_start3A = tpu.memref_slice %arg6[%add3A] : memref<10240xi32, #tpu.memory_space<hbm>> -> memref<80xi32, #tpu.memory_space<hbm>>
        %dma_start3A_167 = tpu.memref_slice %arg6[%add3A] : memref<10240xi32, #tpu.memory_space<hbm>> -> memref<80xi32, #tpu.memory_space<hbm>>
        tpu.enqueue_dma source(%dma_start3A_167 : memref<80xi32, #tpu.memory_space<hbm>>) target(%arg12 : memref<80xi32, #tpu.memory_space<vmem>>) target_semaphore(%run_scoped3A : memref<!tpu.dma_semaphore, #tpu.memory_space<semaphore_mem>>)
        %dma_wait3A = tpu.memref_slice %arg6[%add3A] : memref<10240xi32, #tpu.memory_space<hbm>> -> memref<80xi32, #tpu.memory_space<hbm>>
        %dma_wait3A_168 = tpu.memref_slice %arg6[%add3A] : memref<10240xi32, #tpu.memory_space<hbm>> -> memref<80xi32, #tpu.memory_space<hbm>>
        tpu.wait_dma2 semaphore(%run_scoped3A : memref<!tpu.dma_semaphore, #tpu.memory_space<semaphore_mem>>) src(%dma_wait3A_168 : memref<80xi32, #tpu.memory_space<hbm>>) dst(%arg12 : memref<80xi32, #tpu.memory_space<vmem>>)
        tpu.yield
      }) : () -> ()
      "tpu.region"() ({
        %run_scoped3A = tpu.sem_alloc : memref<!tpu.dma_semaphore, #tpu.memory_space<semaphore_mem>>
        %dma_start3A = arith.constant 0 : i32
        %dma_start3A_167 = arith.constant 0 : i32
        %dma_start3A_168 = tpu.memref_slice %arg19[%dma_start3A, %dma_start3A_167] : memref<10000x128xf32, #tpu.memory_space<vmem_shared>> -> memref<10000x128xf32, #tpu.memory_space<vmem_shared>>
        tpu.enqueue_indirect_dma source(%arg14 : memref<80x128xf32, #tpu.memory_space<vmem>>) target(%dma_start3A_168 : memref<10000x128xf32, #tpu.memory_space<vmem_shared>>) offsets(%arg12 : memref<80xi32, #tpu.memory_space<vmem>>) semaphore(%run_scoped3A : memref<!tpu.dma_semaphore, #tpu.memory_space<semaphore_mem>>)
        %dma_wait3A = arith.constant 0 : i32
        %dma_wait3A_169 = arith.constant 0 : i32
        %dma_wait3A_170 = tpu.memref_slice %arg19[%dma_wait3A, %dma_wait3A_169] : memref<10000x128xf32, #tpu.memory_space<vmem_shared>> -> memref<10000x128xf32, #tpu.memory_space<vmem_shared>>
        tpu.wait_indirect_dma semaphore(%run_scoped3A : memref<!tpu.dma_semaphore, #tpu.memory_space<semaphore_mem>>) src(%arg14 : memref<80x128xf32, #tpu.memory_space<vmem>>) dst(%dma_wait3A_170 : memref<10000x128xf32, #tpu.memory_space<vmem_shared>>)
        tpu.yield
      }) : () -> ()
      %while3A_166 = arith.constant 0 : i32
      scf.yield %while3A_166 : i32
    }
    %eq3A_45 = arith.constant 0 : i32
    %eq3A_46 = arith.cmpi eq, %arg0, %eq3A_45 : i32
    %convert_element_type3A = arith.extui %eq3A_46 : i1 to i32
    %cond3A = arith.constant 0 : i32
    %cond3A_47 = arith.cmpi ne, %convert_element_type3A, %cond3A : i32
    scf.if %cond3A_47 {
      %mul3A_162 = arith.constant 5 : i32
      %mul3A_163 = arith.muli %select_n3A_31, %mul3A_162 : i32
      %while3A_164 = arith.constant 0 : i32
      %while3A_165 = arith.constant 0 : i32
      %while3A_166 = arith.subi %mul3A_163, %while3A_164 : i32
      %while3A_167 = arith.addi %while3A_164, %while3A_166 : i32
      %while3A_168 = arith.constant 1 : i32
      %while3A_169 = arith.divsi %while3A_166, %while3A_168 : i32
      %while3A_170 = arith.muli %while3A_169, %while3A_168 : i32
      %while3A_171 = arith.addi %while3A_164, %while3A_170 : i32
      %while3A_172 = arith.constant 1 : i32
      %while3A_173 = scf.for %while3A_176 = %while3A_164 to %while3A_171 step %while3A_172 iter_args(%while3A_177 = %while3A_165) -> (i32)  : i32 {
        %mul3A_178 = arith.constant 16 : i32
        %mul3A_179 = arith.muli %while3A_176, %mul3A_178 : i32
        %add3A = arith.addi %mul3A_26, %mul3A_179 : i32
        "tpu.region"() ({
          %run_scoped3A = tpu.sem_alloc : memref<!tpu.dma_semaphore, #tpu.memory_space<semaphore_mem>>
          %dma_start3A = tpu.memref_slice %arg6[%add3A] : memref<10240xi32, #tpu.memory_space<hbm>> -> memref<16xi32, #tpu.memory_space<hbm>>
          %dma_start3A_181 = tpu.memref_slice %arg6[%add3A] : memref<10240xi32, #tpu.memory_space<hbm>> -> memref<16xi32, #tpu.memory_space<hbm>>
          tpu.enqueue_dma source(%dma_start3A_181 : memref<16xi32, #tpu.memory_space<hbm>>) target(%arg13 : memref<16xi32, #tpu.memory_space<vmem>>) target_semaphore(%run_scoped3A : memref<!tpu.dma_semaphore, #tpu.memory_space<semaphore_mem>>)
          %dma_wait3A = tpu.memref_slice %arg6[%add3A] : memref<10240xi32, #tpu.memory_space<hbm>> -> memref<16xi32, #tpu.memory_space<hbm>>
          %dma_wait3A_182 = tpu.memref_slice %arg6[%add3A] : memref<10240xi32, #tpu.memory_space<hbm>> -> memref<16xi32, #tpu.memory_space<hbm>>
          tpu.wait_dma2 semaphore(%run_scoped3A : memref<!tpu.dma_semaphore, #tpu.memory_space<semaphore_mem>>) src(%dma_wait3A_182 : memref<16xi32, #tpu.memory_space<hbm>>) dst(%arg13 : memref<16xi32, #tpu.memory_space<vmem>>)
          tpu.yield
        }) : () -> ()
        "tpu.region"() ({
          %run_scoped3A = tpu.sem_alloc : memref<!tpu.dma_semaphore, #tpu.memory_space<semaphore_mem>>
          %dma_start3A = arith.constant 0 : i32
          %dma_start3A_181 = arith.constant 0 : i32
          %dma_start3A_182 = tpu.memref_slice %arg20[%dma_start3A, %dma_start3A_181] : memref<10000x16xf32, #tpu.memory_space<vmem_shared>> -> memref<10000x16xf32, #tpu.memory_space<vmem_shared>>
          tpu.enqueue_indirect_dma source(%arg15 : memref<16x16xf32, #tpu.memory_space<vmem>>) target(%dma_start3A_182 : memref<10000x16xf32, #tpu.memory_space<vmem_shared>>) offsets(%arg13 : memref<16xi32, #tpu.memory_space<vmem>>) semaphore(%run_scoped3A : memref<!tpu.dma_semaphore, #tpu.memory_space<semaphore_mem>>)
          %dma_wait3A = arith.constant 0 : i32
          %dma_wait3A_183 = arith.constant 0 : i32
          %dma_wait3A_184 = tpu.memref_slice %arg20[%dma_wait3A, %dma_wait3A_183] : memref<10000x16xf32, #tpu.memory_space<vmem_shared>> -> memref<10000x16xf32, #tpu.memory_space<vmem_shared>>
          tpu.wait_indirect_dma semaphore(%run_scoped3A : memref<!tpu.dma_semaphore, #tpu.memory_space<semaphore_mem>>) src(%arg15 : memref<16x16xf32, #tpu.memory_space<vmem>>) dst(%dma_wait3A_184 : memref<10000x16xf32, #tpu.memory_space<vmem_shared>>)
          tpu.yield
        }) : () -> ()
        %while3A_180 = arith.constant 0 : i32
        scf.yield %while3A_180 : i32
      }
      %while3A_174 = arith.constant 1 : i32
      %while3A_175 = scf.for %while3A_176 = %while3A_171 to %while3A_167 step %while3A_174 iter_args(%while3A_177 = %while3A_173) -> (i32)  : i32 {
        %mul3A_178 = arith.constant 16 : i32
        %mul3A_179 = arith.muli %while3A_176, %mul3A_178 : i32
        %add3A = arith.addi %mul3A_26, %mul3A_179 : i32
        "tpu.region"() ({
          %run_scoped3A = tpu.sem_alloc : memref<!tpu.dma_semaphore, #tpu.memory_space<semaphore_mem>>
          %dma_start3A = tpu.memref_slice %arg6[%add3A] : memref<10240xi32, #tpu.memory_space<hbm>> -> memref<16xi32, #tpu.memory_space<hbm>>
          %dma_start3A_181 = tpu.memref_slice %arg6[%add3A] : memref<10240xi32, #tpu.memory_space<hbm>> -> memref<16xi32, #tpu.memory_space<hbm>>
          tpu.enqueue_dma source(%dma_start3A_181 : memref<16xi32, #tpu.memory_space<hbm>>) target(%arg13 : memref<16xi32, #tpu.memory_space<vmem>>) target_semaphore(%run_scoped3A : memref<!tpu.dma_semaphore, #tpu.memory_space<semaphore_mem>>)
          %dma_wait3A = tpu.memref_slice %arg6[%add3A] : memref<10240xi32, #tpu.memory_space<hbm>> -> memref<16xi32, #tpu.memory_space<hbm>>
          %dma_wait3A_182 = tpu.memref_slice %arg6[%add3A] : memref<10240xi32, #tpu.memory_space<hbm>> -> memref<16xi32, #tpu.memory_space<hbm>>
          tpu.wait_dma2 semaphore(%run_scoped3A : memref<!tpu.dma_semaphore, #tpu.memory_space<semaphore_mem>>) src(%dma_wait3A_182 : memref<16xi32, #tpu.memory_space<hbm>>) dst(%arg13 : memref<16xi32, #tpu.memory_space<vmem>>)
          tpu.yield
        }) : () -> ()
        "tpu.region"() ({
          %run_scoped3A = tpu.sem_alloc : memref<!tpu.dma_semaphore, #tpu.memory_space<semaphore_mem>>
          %dma_start3A = arith.constant 0 : i32
          %dma_start3A_181 = arith.constant 0 : i32
          %dma_start3A_182 = tpu.memref_slice %arg20[%dma_start3A, %dma_start3A_181] : memref<10000x16xf32, #tpu.memory_space<vmem_shared>> -> memref<10000x16xf32, #tpu.memory_space<vmem_shared>>
          tpu.enqueue_indirect_dma source(%arg15 : memref<16x16xf32, #tpu.memory_space<vmem>>) target(%dma_start3A_182 : memref<10000x16xf32, #tpu.memory_space<vmem_shared>>) offsets(%arg13 : memref<16xi32, #tpu.memory_space<vmem>>) semaphore(%run_scoped3A : memref<!tpu.dma_semaphore, #tpu.memory_space<semaphore_mem>>)
          %dma_wait3A = arith.constant 0 : i32
          %dma_wait3A_183 = arith.constant 0 : i32
          %dma_wait3A_184 = tpu.memref_slice %arg20[%dma_wait3A, %dma_wait3A_183] : memref<10000x16xf32, #tpu.memory_space<vmem_shared>> -> memref<10000x16xf32, #tpu.memory_space<vmem_shared>>
          tpu.wait_indirect_dma semaphore(%run_scoped3A : memref<!tpu.dma_semaphore, #tpu.memory_space<semaphore_mem>>) src(%arg15 : memref<16x16xf32, #tpu.memory_space<vmem>>) dst(%dma_wait3A_184 : memref<10000x16xf32, #tpu.memory_space<vmem_shared>>)
          tpu.yield
        }) : () -> ()
        %while3A_180 = arith.constant 0 : i32
        scf.yield %while3A_180 : i32
      }
    } else {
    }
    %barrier3A = arith.constant 0 : index
    tpu.barrier barrier_id(%barrier3A)
    %scan3A_48 = arith.constant 0 : i32
    %scan3A_49 = arith.constant 0 : i32
    %scan3A_50 = arith.constant 125 : i32
    %scan3A_51 = arith.addi %scan3A_49, %scan3A_50 : i32
    %scan3A_52 = arith.constant 1 : i32
    %scan3A_53 = scf.for %scan3A_162 = %scan3A_49 to %scan3A_51 step %scan3A_52 iter_args(%scan3A_163 = %scan3A_48) -> (i32)  : i32 {
      %add3A = arith.constant 0 : i32
      %add3A_164 = arith.addi %add3A, %mul3A_33 : i32
      %mul3A_165 = arith.constant 80 : i32
      %mul3A_166 = arith.muli %scan3A_162, %mul3A_165 : i32
      %add3A_167 = arith.addi %add3A_164, %mul3A_166 : i32
      "tpu.region"() ({
        %run_scoped3A = tpu.sem_alloc : memref<!tpu.dma_semaphore, #tpu.memory_space<semaphore_mem>>
        %dma_start3A = tpu.memref_slice %arg4[%add3A_167] : memref<480000xi32, #tpu.memory_space<hbm>> -> memref<80xi32, #tpu.memory_space<hbm>>
        %dma_start3A_184 = tpu.memref_slice %arg4[%add3A_167] : memref<480000xi32, #tpu.memory_space<hbm>> -> memref<80xi32, #tpu.memory_space<hbm>>
        tpu.enqueue_dma source(%dma_start3A_184 : memref<80xi32, #tpu.memory_space<hbm>>) target(%arg9 : memref<80xi32, #tpu.memory_space<vmem>>) target_semaphore(%run_scoped3A : memref<!tpu.dma_semaphore, #tpu.memory_space<semaphore_mem>>)
        %dma_wait3A = tpu.memref_slice %arg4[%add3A_167] : memref<480000xi32, #tpu.memory_space<hbm>> -> memref<80xi32, #tpu.memory_space<hbm>>
        %dma_wait3A_185 = tpu.memref_slice %arg4[%add3A_167] : memref<480000xi32, #tpu.memory_space<hbm>> -> memref<80xi32, #tpu.memory_space<hbm>>
        tpu.wait_dma2 semaphore(%run_scoped3A : memref<!tpu.dma_semaphore, #tpu.memory_space<semaphore_mem>>) src(%dma_wait3A_185 : memref<80xi32, #tpu.memory_space<hbm>>) dst(%arg9 : memref<80xi32, #tpu.memory_space<vmem>>)
        tpu.yield
      }) : () -> ()
      "tpu.region"() ({
        %run_scoped3A = tpu.sem_alloc : memref<!tpu.dma_semaphore, #tpu.memory_space<semaphore_mem>>
        %dma_start3A = tpu.memref_slice %arg5[%add3A_167] : memref<480000xi32, #tpu.memory_space<hbm>> -> memref<80xi32, #tpu.memory_space<hbm>>
        %dma_start3A_184 = tpu.memref_slice %arg5[%add3A_167] : memref<480000xi32, #tpu.memory_space<hbm>> -> memref<80xi32, #tpu.memory_space<hbm>>
        tpu.enqueue_dma source(%dma_start3A_184 : memref<80xi32, #tpu.memory_space<hbm>>) target(%arg10 : memref<80xi32, #tpu.memory_space<vmem>>) target_semaphore(%run_scoped3A : memref<!tpu.dma_semaphore, #tpu.memory_space<semaphore_mem>>)
        %dma_wait3A = tpu.memref_slice %arg5[%add3A_167] : memref<480000xi32, #tpu.memory_space<hbm>> -> memref<80xi32, #tpu.memory_space<hbm>>
        %dma_wait3A_185 = tpu.memref_slice %arg5[%add3A_167] : memref<480000xi32, #tpu.memory_space<hbm>> -> memref<80xi32, #tpu.memory_space<hbm>>
        tpu.wait_dma2 semaphore(%run_scoped3A : memref<!tpu.dma_semaphore, #tpu.memory_space<semaphore_mem>>) src(%dma_wait3A_185 : memref<80xi32, #tpu.memory_space<hbm>>) dst(%arg10 : memref<80xi32, #tpu.memory_space<vmem>>)
        tpu.yield
      }) : () -> ()
      %eq3A_168 = arith.constant 0 : i32
      %eq3A_169 = arith.cmpi eq, %arg0, %eq3A_168 : i32
      %convert_element_type3A_170 = arith.extui %eq3A_169 : i1 to i32
      %cond3A_171 = arith.constant 0 : i32
      %cond3A_172 = arith.cmpi ne, %convert_element_type3A_170, %cond3A_171 : i32
      scf.if %cond3A_172 {
        %dma_start3A = arith.constant 0 : i32
        %dma_start3A_184 = arith.constant 0 : i32
        %dma_start3A_185 = tpu.memref_slice %arg2[%dma_start3A, %dma_start3A_184] : memref<10000x128xf32, #tpu.memory_space<hbm>> -> memref<10000x128xf32, #tpu.memory_space<hbm>>
        tpu.enqueue_indirect_dma source(%dma_start3A_185 : memref<10000x128xf32, #tpu.memory_space<hbm>>) target(%arg11 : memref<80x128xf32, #tpu.memory_space<vmem>>) offsets(%arg9 : memref<80xi32, #tpu.memory_space<vmem>>) semaphore(%arg21 : memref<!tpu.dma_semaphore, #tpu.memory_space<semaphore_mem>>)
        %dma_wait3A = arith.constant 0 : i32
        %dma_wait3A_186 = arith.constant 0 : i32
        %dma_wait3A_187 = tpu.memref_slice %arg2[%dma_wait3A, %dma_wait3A_186] : memref<10000x128xf32, #tpu.memory_space<hbm>> -> memref<10000x128xf32, #tpu.memory_space<hbm>>
        tpu.wait_indirect_dma semaphore(%arg21 : memref<!tpu.dma_semaphore, #tpu.memory_space<semaphore_mem>>) src(%dma_wait3A_187 : memref<10000x128xf32, #tpu.memory_space<hbm>>) dst(%arg11 : memref<80x128xf32, #tpu.memory_space<vmem>>)
      } else {
      }
      %eq3A_173 = arith.constant 1 : i32
      %eq3A_174 = arith.cmpi eq, %arg0, %eq3A_173 : i32
      %convert_element_type3A_175 = arith.extui %eq3A_174 : i1 to i32
      %cond3A_176 = arith.constant 0 : i32
      %cond3A_177 = arith.cmpi ne, %convert_element_type3A_175, %cond3A_176 : i32
      scf.if %cond3A_177 {
        %dma_start3A = arith.constant 0 : i32
        %dma_start3A_184 = arith.constant 0 : i32
        %dma_start3A_185 = tpu.memref_slice %arg3[%dma_start3A, %dma_start3A_184] : memref<10000x128xf32, #tpu.memory_space<hbm>> -> memref<10000x128xf32, #tpu.memory_space<hbm>>
        tpu.enqueue_indirect_dma source(%dma_start3A_185 : memref<10000x128xf32, #tpu.memory_space<hbm>>) target(%arg11 : memref<80x128xf32, #tpu.memory_space<vmem>>) offsets(%arg9 : memref<80xi32, #tpu.memory_space<vmem>>) semaphore(%arg21 : memref<!tpu.dma_semaphore, #tpu.memory_space<semaphore_mem>>)
        %dma_wait3A = arith.constant 0 : i32
        %dma_wait3A_186 = arith.constant 0 : i32
        %dma_wait3A_187 = tpu.memref_slice %arg3[%dma_wait3A, %dma_wait3A_186] : memref<10000x128xf32, #tpu.memory_space<hbm>> -> memref<10000x128xf32, #tpu.memory_space<hbm>>
        tpu.wait_indirect_dma semaphore(%arg21 : memref<!tpu.dma_semaphore, #tpu.memory_space<semaphore_mem>>) src(%dma_wait3A_187 : memref<10000x128xf32, #tpu.memory_space<hbm>>) dst(%arg11 : memref<80x128xf32, #tpu.memory_space<vmem>>)
      } else {
      }
      "tpu.region"() ({
        %run_scoped3A = tpu.sem_alloc : memref<!tpu.dma_semaphore, #tpu.memory_space<semaphore_mem>>
        %dma_start3A = arith.constant 0 : i32
        %dma_start3A_184 = arith.constant 0 : i32
        %dma_start3A_185 = tpu.memref_slice %arg19[%dma_start3A, %dma_start3A_184] : memref<10000x128xf32, #tpu.memory_space<vmem_shared>> -> memref<10000x128xf32, #tpu.memory_space<vmem_shared>>
        tpu.enqueue_indirect_dma source(%arg11 : memref<80x128xf32, #tpu.memory_space<vmem>>) target(%dma_start3A_185 : memref<10000x128xf32, #tpu.memory_space<vmem_shared>>) offsets(%arg10 : memref<80xi32, #tpu.memory_space<vmem>>) semaphore(%run_scoped3A : memref<!tpu.dma_semaphore, #tpu.memory_space<semaphore_mem>>) {add = true}
        %dma_wait3A = arith.constant 0 : i32
        %dma_wait3A_186 = arith.constant 0 : i32
        %dma_wait3A_187 = tpu.memref_slice %arg19[%dma_wait3A, %dma_wait3A_186] : memref<10000x128xf32, #tpu.memory_space<vmem_shared>> -> memref<10000x128xf32, #tpu.memory_space<vmem_shared>>
        tpu.wait_indirect_dma semaphore(%run_scoped3A : memref<!tpu.dma_semaphore, #tpu.memory_space<semaphore_mem>>) src(%arg11 : memref<80x128xf32, #tpu.memory_space<vmem>>) dst(%dma_wait3A_187 : memref<10000x128xf32, #tpu.memory_space<vmem_shared>>)
        tpu.yield
      }) : () -> ()
      %eq3A_178 = arith.constant 0 : i32
      %eq3A_179 = arith.cmpi eq, %arg0, %eq3A_178 : i32
      %convert_element_type3A_180 = arith.extui %eq3A_179 : i1 to i32
      %cond3A_181 = arith.constant 0 : i32
      %cond3A_182 = arith.cmpi ne, %convert_element_type3A_180, %cond3A_181 : i32
      scf.if %cond3A_182 {
        "tpu.region"() ({
          %run_scoped3A = tpu.sem_alloc : memref<!tpu.dma_semaphore, #tpu.memory_space<semaphore_mem>>
          %dma_start3A = arith.constant 0 : i32
          %dma_start3A_184 = arith.constant 0 : i32
          %dma_start3A_185 = tpu.memref_slice %arg20[%dma_start3A, %dma_start3A_184] : memref<10000x16xf32, #tpu.memory_space<vmem_shared>> -> memref<10000x16xf32, #tpu.memory_space<vmem_shared>>
          tpu.enqueue_indirect_dma source(%arg16 : memref<80x16xf32, #tpu.memory_space<vmem>>) target(%dma_start3A_185 : memref<10000x16xf32, #tpu.memory_space<vmem_shared>>) offsets(%arg10 : memref<80xi32, #tpu.memory_space<vmem>>) semaphore(%run_scoped3A : memref<!tpu.dma_semaphore, #tpu.memory_space<semaphore_mem>>) {add = true}
          %dma_wait3A = arith.constant 0 : i32
          %dma_wait3A_186 = arith.constant 0 : i32
          %dma_wait3A_187 = tpu.memref_slice %arg20[%dma_wait3A, %dma_wait3A_186] : memref<10000x16xf32, #tpu.memory_space<vmem_shared>> -> memref<10000x16xf32, #tpu.memory_space<vmem_shared>>
          tpu.wait_indirect_dma semaphore(%run_scoped3A : memref<!tpu.dma_semaphore, #tpu.memory_space<semaphore_mem>>) src(%arg16 : memref<80x16xf32, #tpu.memory_space<vmem>>) dst(%dma_wait3A_187 : memref<10000x16xf32, #tpu.memory_space<vmem_shared>>)
          tpu.yield
        }) : () -> ()
      } else {
      }
      %scan3A_183 = arith.constant 0 : i32
      scf.yield %scan3A_183 : i32
    }
    %scan3A_54 = arith.constant 125 : i32
    %barrier3A_55 = arith.constant 0 : index
    tpu.barrier barrier_id(%barrier3A_55)
    %while3A_56 = arith.constant 0 : i32
    %while3A_57 = arith.constant 0 : i32
    %while3A_58 = arith.subi %select_n3A_31, %while3A_56 : i32
    %while3A_59 = arith.addi %while3A_56, %while3A_58 : i32
    %while3A_60 = arith.constant 1 : i32
    %while3A_61 = arith.divsi %while3A_58, %while3A_60 : i32
    %while3A_62 = arith.muli %while3A_61, %while3A_60 : i32
    %while3A_63 = arith.addi %while3A_56, %while3A_62 : i32
    %while3A_64 = arith.constant 1 : i32
    %while3A_65 = scf.for %while3A_162 = %while3A_56 to %while3A_63 step %while3A_64 iter_args(%while3A_163 = %while3A_57) -> (i32)  : i32 {
      %mul3A_164 = arith.constant 80 : i32
      %mul3A_165 = arith.muli %while3A_162, %mul3A_164 : i32
      %add3A = arith.addi %mul3A_26, %mul3A_165 : i32
      "tpu.region"() ({
        %run_scoped3A = tpu.sem_alloc : memref<!tpu.dma_semaphore, #tpu.memory_space<semaphore_mem>>
        %dma_start3A = tpu.memref_slice %arg6[%add3A] : memref<10240xi32, #tpu.memory_space<hbm>> -> memref<80xi32, #tpu.memory_space<hbm>>
        %dma_start3A_177 = tpu.memref_slice %arg6[%add3A] : memref<10240xi32, #tpu.memory_space<hbm>> -> memref<80xi32, #tpu.memory_space<hbm>>
        tpu.enqueue_dma source(%dma_start3A_177 : memref<80xi32, #tpu.memory_space<hbm>>) target(%arg12 : memref<80xi32, #tpu.memory_space<vmem>>) target_semaphore(%run_scoped3A : memref<!tpu.dma_semaphore, #tpu.memory_space<semaphore_mem>>)
        %dma_wait3A = tpu.memref_slice %arg6[%add3A] : memref<10240xi32, #tpu.memory_space<hbm>> -> memref<80xi32, #tpu.memory_space<hbm>>
        %dma_wait3A_178 = tpu.memref_slice %arg6[%add3A] : memref<10240xi32, #tpu.memory_space<hbm>> -> memref<80xi32, #tpu.memory_space<hbm>>
        tpu.wait_dma2 semaphore(%run_scoped3A : memref<!tpu.dma_semaphore, #tpu.memory_space<semaphore_mem>>) src(%dma_wait3A_178 : memref<80xi32, #tpu.memory_space<hbm>>) dst(%arg12 : memref<80xi32, #tpu.memory_space<vmem>>)
        tpu.yield
      }) : () -> ()
      "tpu.region"() ({
        %run_scoped3A = tpu.sem_alloc : memref<!tpu.dma_semaphore, #tpu.memory_space<semaphore_mem>>
        %dma_start3A = arith.constant 0 : i32
        %dma_start3A_177 = arith.constant 0 : i32
        %dma_start3A_178 = tpu.memref_slice %arg19[%dma_start3A, %dma_start3A_177] : memref<10000x128xf32, #tpu.memory_space<vmem_shared>> -> memref<10000x128xf32, #tpu.memory_space<vmem_shared>>
        tpu.enqueue_indirect_dma source(%dma_start3A_178 : memref<10000x128xf32, #tpu.memory_space<vmem_shared>>) target(%arg11 : memref<80x128xf32, #tpu.memory_space<vmem>>) offsets(%arg12 : memref<80xi32, #tpu.memory_space<vmem>>) semaphore(%run_scoped3A : memref<!tpu.dma_semaphore, #tpu.memory_space<semaphore_mem>>)
        %dma_wait3A = arith.constant 0 : i32
        %dma_wait3A_179 = arith.constant 0 : i32
        %dma_wait3A_180 = tpu.memref_slice %arg19[%dma_wait3A, %dma_wait3A_179] : memref<10000x128xf32, #tpu.memory_space<vmem_shared>> -> memref<10000x128xf32, #tpu.memory_space<vmem_shared>>
        tpu.wait_indirect_dma semaphore(%run_scoped3A : memref<!tpu.dma_semaphore, #tpu.memory_space<semaphore_mem>>) src(%dma_wait3A_180 : memref<10000x128xf32, #tpu.memory_space<vmem_shared>>) dst(%arg11 : memref<80x128xf32, #tpu.memory_space<vmem>>)
        tpu.yield
      }) : () -> ()
      %eq3A_166 = arith.constant 0 : i32
      %eq3A_167 = arith.cmpi eq, %arg0, %eq3A_166 : i32
      %convert_element_type3A_168 = arith.extui %eq3A_167 : i1 to i32
      %cond3A_169 = arith.constant 0 : i32
      %cond3A_170 = arith.cmpi ne, %convert_element_type3A_168, %cond3A_169 : i32
      scf.if %cond3A_170 {
        %run_scoped3A = arith.constant 0 : i32
        %run_scoped3A_177 = arith.constant 0 : i32
        "tpu.region"() ({
          %run_scoped3A_178 = tpu.sem_alloc : memref<!tpu.dma_semaphore, #tpu.memory_space<semaphore_mem>>
          %dma_start3A = arith.constant 0 : i32
          %dma_start3A_179 = tpu.memref_slice %arg7[%run_scoped3A, %run_scoped3A_177, %add3A, %dma_start3A] : memref<3x2x10000x128xf32, #tpu.memory_space<hbm>> -> memref<1x1x80x128xf32, #tpu.memory_space<hbm>>
          %dma_start3A_180 = tpu.memref_squeeze %dma_start3A_179 : memref<1x1x80x128xf32, #tpu.memory_space<hbm>> -> memref<80x128xf32, #tpu.memory_space<hbm>>
          %dma_start3A_181 = arith.constant 0 : i32
          %dma_start3A_182 = tpu.memref_slice %arg7[%run_scoped3A, %run_scoped3A_177, %add3A, %dma_start3A_181] : memref<3x2x10000x128xf32, #tpu.memory_space<hbm>> -> memref<1x1x80x128xf32, #tpu.memory_space<hbm>>
          %dma_start3A_183 = tpu.memref_squeeze %dma_start3A_182 : memref<1x1x80x128xf32, #tpu.memory_space<hbm>> -> memref<80x128xf32, #tpu.memory_space<hbm>>
          tpu.enqueue_dma source(%arg11 : memref<80x128xf32, #tpu.memory_space<vmem>>) target(%dma_start3A_183 : memref<80x128xf32, #tpu.memory_space<hbm>>) target_semaphore(%run_scoped3A_178 : memref<!tpu.dma_semaphore, #tpu.memory_space<semaphore_mem>>)
          %dma_wait3A = arith.constant 0 : i32
          %dma_wait3A_184 = tpu.memref_slice %arg7[%run_scoped3A, %run_scoped3A_177, %add3A, %dma_wait3A] : memref<3x2x10000x128xf32, #tpu.memory_space<hbm>> -> memref<1x1x80x128xf32, #tpu.memory_space<hbm>>
          %dma_wait3A_185 = tpu.memref_squeeze %dma_wait3A_184 : memref<1x1x80x128xf32, #tpu.memory_space<hbm>> -> memref<80x128xf32, #tpu.memory_space<hbm>>
          %dma_wait3A_186 = arith.constant 0 : i32
          %dma_wait3A_187 = tpu.memref_slice %arg7[%run_scoped3A, %run_scoped3A_177, %add3A, %dma_wait3A_186] : memref<3x2x10000x128xf32, #tpu.memory_space<hbm>> -> memref<1x1x80x128xf32, #tpu.memory_space<hbm>>
          %dma_wait3A_188 = tpu.memref_squeeze %dma_wait3A_187 : memref<1x1x80x128xf32, #tpu.memory_space<hbm>> -> memref<80x128xf32, #tpu.memory_space<hbm>>
          tpu.wait_dma2 semaphore(%run_scoped3A_178 : memref<!tpu.dma_semaphore, #tpu.memory_space<semaphore_mem>>) src(%arg11 : memref<80x128xf32, #tpu.memory_space<vmem>>) dst(%dma_wait3A_188 : memref<80x128xf32, #tpu.memory_space<hbm>>)
          tpu.yield
        }) : () -> ()
      } else {
      }
      %eq3A_171 = arith.constant 1 : i32
      %eq3A_172 = arith.cmpi eq, %arg0, %eq3A_171 : i32
      %convert_element_type3A_173 = arith.extui %eq3A_172 : i1 to i32
      %cond3A_174 = arith.constant 0 : i32
      %cond3A_175 = arith.cmpi ne, %convert_element_type3A_173, %cond3A_174 : i32
      scf.if %cond3A_175 {
        %run_scoped3A = arith.constant 0 : i32
        %run_scoped3A_177 = arith.constant 1 : i32
        "tpu.region"() ({
          %run_scoped3A_178 = tpu.sem_alloc : memref<!tpu.dma_semaphore, #tpu.memory_space<semaphore_mem>>
          %dma_start3A = arith.constant 0 : i32
          %dma_start3A_179 = tpu.memref_slice %arg7[%run_scoped3A, %run_scoped3A_177, %add3A, %dma_start3A] : memref<3x2x10000x128xf32, #tpu.memory_space<hbm>> -> memref<1x1x80x128xf32, #tpu.memory_space<hbm>>
          %dma_start3A_180 = tpu.memref_squeeze %dma_start3A_179 : memref<1x1x80x128xf32, #tpu.memory_space<hbm>> -> memref<80x128xf32, #tpu.memory_space<hbm>>
          %dma_start3A_181 = arith.constant 0 : i32
          %dma_start3A_182 = tpu.memref_slice %arg7[%run_scoped3A, %run_scoped3A_177, %add3A, %dma_start3A_181] : memref<3x2x10000x128xf32, #tpu.memory_space<hbm>> -> memref<1x1x80x128xf32, #tpu.memory_space<hbm>>
          %dma_start3A_183 = tpu.memref_squeeze %dma_start3A_182 : memref<1x1x80x128xf32, #tpu.memory_space<hbm>> -> memref<80x128xf32, #tpu.memory_space<hbm>>
          tpu.enqueue_dma source(%arg11 : memref<80x128xf32, #tpu.memory_space<vmem>>) target(%dma_start3A_183 : memref<80x128xf32, #tpu.memory_space<hbm>>) target_semaphore(%run_scoped3A_178 : memref<!tpu.dma_semaphore, #tpu.memory_space<semaphore_mem>>)
          %dma_wait3A = arith.constant 0 : i32
          %dma_wait3A_184 = tpu.memref_slice %arg7[%run_scoped3A, %run_scoped3A_177, %add3A, %dma_wait3A] : memref<3x2x10000x128xf32, #tpu.memory_space<hbm>> -> memref<1x1x80x128xf32, #tpu.memory_space<hbm>>
          %dma_wait3A_185 = tpu.memref_squeeze %dma_wait3A_184 : memref<1x1x80x128xf32, #tpu.memory_space<hbm>> -> memref<80x128xf32, #tpu.memory_space<hbm>>
          %dma_wait3A_186 = arith.constant 0 : i32
          %dma_wait3A_187 = tpu.memref_slice %arg7[%run_scoped3A, %run_scoped3A_177, %add3A, %dma_wait3A_186] : memref<3x2x10000x128xf32, #tpu.memory_space<hbm>> -> memref<1x1x80x128xf32, #tpu.memory_space<hbm>>
          %dma_wait3A_188 = tpu.memref_squeeze %dma_wait3A_187 : memref<1x1x80x128xf32, #tpu.memory_space<hbm>> -> memref<80x128xf32, #tpu.memory_space<hbm>>
          tpu.wait_dma2 semaphore(%run_scoped3A_178 : memref<!tpu.dma_semaphore, #tpu.memory_space<semaphore_mem>>) src(%arg11 : memref<80x128xf32, #tpu.memory_space<vmem>>) dst(%dma_wait3A_188 : memref<80x128xf32, #tpu.memory_space<hbm>>)
          tpu.yield
        }) : () -> ()
      } else {
      }
      %while3A_176 = arith.constant 0 : i32
      scf.yield %while3A_176 : i32
    }
    %while3A_66 = arith.constant 1 : i32
    %while3A_67 = scf.for %while3A_162 = %while3A_63 to %while3A_59 step %while3A_66 iter_args(%while3A_163 = %while3A_65) -> (i32)  : i32 {
      %mul3A_164 = arith.constant 80 : i32
      %mul3A_165 = arith.muli %while3A_162, %mul3A_164 : i32
      %add3A = arith.addi %mul3A_26, %mul3A_165 : i32
      "tpu.region"() ({
        %run_scoped3A = tpu.sem_alloc : memref<!tpu.dma_semaphore, #tpu.memory_space<semaphore_mem>>
        %dma_start3A = tpu.memref_slice %arg6[%add3A] : memref<10240xi32, #tpu.memory_space<hbm>> -> memref<80xi32, #tpu.memory_space<hbm>>
        %dma_start3A_177 = tpu.memref_slice %arg6[%add3A] : memref<10240xi32, #tpu.memory_space<hbm>> -> memref<80xi32, #tpu.memory_space<hbm>>
        tpu.enqueue_dma source(%dma_start3A_177 : memref<80xi32, #tpu.memory_space<hbm>>) target(%arg12 : memref<80xi32, #tpu.memory_space<vmem>>) target_semaphore(%run_scoped3A : memref<!tpu.dma_semaphore, #tpu.memory_space<semaphore_mem>>)
        %dma_wait3A = tpu.memref_slice %arg6[%add3A] : memref<10240xi32, #tpu.memory_space<hbm>> -> memref<80xi32, #tpu.memory_space<hbm>>
        %dma_wait3A_178 = tpu.memref_slice %arg6[%add3A] : memref<10240xi32, #tpu.memory_space<hbm>> -> memref<80xi32, #tpu.memory_space<hbm>>
        tpu.wait_dma2 semaphore(%run_scoped3A : memref<!tpu.dma_semaphore, #tpu.memory_space<semaphore_mem>>) src(%dma_wait3A_178 : memref<80xi32, #tpu.memory_space<hbm>>) dst(%arg12 : memref<80xi32, #tpu.memory_space<vmem>>)
        tpu.yield
      }) : () -> ()
      "tpu.region"() ({
        %run_scoped3A = tpu.sem_alloc : memref<!tpu.dma_semaphore, #tpu.memory_space<semaphore_mem>>
        %dma_start3A = arith.constant 0 : i32
        %dma_start3A_177 = arith.constant 0 : i32
        %dma_start3A_178 = tpu.memref_slice %arg19[%dma_start3A, %dma_start3A_177] : memref<10000x128xf32, #tpu.memory_space<vmem_shared>> -> memref<10000x128xf32, #tpu.memory_space<vmem_shared>>
        tpu.enqueue_indirect_dma source(%dma_start3A_178 : memref<10000x128xf32, #tpu.memory_space<vmem_shared>>) target(%arg11 : memref<80x128xf32, #tpu.memory_space<vmem>>) offsets(%arg12 : memref<80xi32, #tpu.memory_space<vmem>>) semaphore(%run_scoped3A : memref<!tpu.dma_semaphore, #tpu.memory_space<semaphore_mem>>)
        %dma_wait3A = arith.constant 0 : i32
        %dma_wait3A_179 = arith.constant 0 : i32
        %dma_wait3A_180 = tpu.memref_slice %arg19[%dma_wait3A, %dma_wait3A_179] : memref<10000x128xf32, #tpu.memory_space<vmem_shared>> -> memref<10000x128xf32, #tpu.memory_space<vmem_shared>>
        tpu.wait_indirect_dma semaphore(%run_scoped3A : memref<!tpu.dma_semaphore, #tpu.memory_space<semaphore_mem>>) src(%dma_wait3A_180 : memref<10000x128xf32, #tpu.memory_space<vmem_shared>>) dst(%arg11 : memref<80x128xf32, #tpu.memory_space<vmem>>)
        tpu.yield
      }) : () -> ()
      %eq3A_166 = arith.constant 0 : i32
      %eq3A_167 = arith.cmpi eq, %arg0, %eq3A_166 : i32
      %convert_element_type3A_168 = arith.extui %eq3A_167 : i1 to i32
      %cond3A_169 = arith.constant 0 : i32
      %cond3A_170 = arith.cmpi ne, %convert_element_type3A_168, %cond3A_169 : i32
      scf.if %cond3A_170 {
        %run_scoped3A = arith.constant 0 : i32
        %run_scoped3A_177 = arith.constant 0 : i32
        "tpu.region"() ({
          %run_scoped3A_178 = tpu.sem_alloc : memref<!tpu.dma_semaphore, #tpu.memory_space<semaphore_mem>>
          %dma_start3A = arith.constant 0 : i32
          %dma_start3A_179 = tpu.memref_slice %arg7[%run_scoped3A, %run_scoped3A_177, %add3A, %dma_start3A] : memref<3x2x10000x128xf32, #tpu.memory_space<hbm>> -> memref<1x1x80x128xf32, #tpu.memory_space<hbm>>
          %dma_start3A_180 = tpu.memref_squeeze %dma_start3A_179 : memref<1x1x80x128xf32, #tpu.memory_space<hbm>> -> memref<80x128xf32, #tpu.memory_space<hbm>>
          %dma_start3A_181 = arith.constant 0 : i32
          %dma_start3A_182 = tpu.memref_slice %arg7[%run_scoped3A, %run_scoped3A_177, %add3A, %dma_start3A_181] : memref<3x2x10000x128xf32, #tpu.memory_space<hbm>> -> memref<1x1x80x128xf32, #tpu.memory_space<hbm>>
          %dma_start3A_183 = tpu.memref_squeeze %dma_start3A_182 : memref<1x1x80x128xf32, #tpu.memory_space<hbm>> -> memref<80x128xf32, #tpu.memory_space<hbm>>
          tpu.enqueue_dma source(%arg11 : memref<80x128xf32, #tpu.memory_space<vmem>>) target(%dma_start3A_183 : memref<80x128xf32, #tpu.memory_space<hbm>>) target_semaphore(%run_scoped3A_178 : memref<!tpu.dma_semaphore, #tpu.memory_space<semaphore_mem>>)
          %dma_wait3A = arith.constant 0 : i32
          %dma_wait3A_184 = tpu.memref_slice %arg7[%run_scoped3A, %run_scoped3A_177, %add3A, %dma_wait3A] : memref<3x2x10000x128xf32, #tpu.memory_space<hbm>> -> memref<1x1x80x128xf32, #tpu.memory_space<hbm>>
          %dma_wait3A_185 = tpu.memref_squeeze %dma_wait3A_184 : memref<1x1x80x128xf32, #tpu.memory_space<hbm>> -> memref<80x128xf32, #tpu.memory_space<hbm>>
          %dma_wait3A_186 = arith.constant 0 : i32
          %dma_wait3A_187 = tpu.memref_slice %arg7[%run_scoped3A, %run_scoped3A_177, %add3A, %dma_wait3A_186] : memref<3x2x10000x128xf32, #tpu.memory_space<hbm>> -> memref<1x1x80x128xf32, #tpu.memory_space<hbm>>
          %dma_wait3A_188 = tpu.memref_squeeze %dma_wait3A_187 : memref<1x1x80x128xf32, #tpu.memory_space<hbm>> -> memref<80x128xf32, #tpu.memory_space<hbm>>
          tpu.wait_dma2 semaphore(%run_scoped3A_178 : memref<!tpu.dma_semaphore, #tpu.memory_space<semaphore_mem>>) src(%arg11 : memref<80x128xf32, #tpu.memory_space<vmem>>) dst(%dma_wait3A_188 : memref<80x128xf32, #tpu.memory_space<hbm>>)
          tpu.yield
        }) : () -> ()
      } else {
      }
      %eq3A_171 = arith.constant 1 : i32
      %eq3A_172 = arith.cmpi eq, %arg0, %eq3A_171 : i32
      %convert_element_type3A_173 = arith.extui %eq3A_172 : i1 to i32
      %cond3A_174 = arith.constant 0 : i32
      %cond3A_175 = arith.cmpi ne, %convert_element_type3A_173, %cond3A_174 : i32
      scf.if %cond3A_175 {
        %run_scoped3A = arith.constant 0 : i32
        %run_scoped3A_177 = arith.constant 1 : i32
        "tpu.region"() ({
          %run_scoped3A_178 = tpu.sem_alloc : memref<!tpu.dma_semaphore, #tpu.memory_space<semaphore_mem>>
          %dma_start3A = arith.constant 0 : i32
          %dma_start3A_179 = tpu.memref_slice %arg7[%run_scoped3A, %run_scoped3A_177, %add3A, %dma_start3A] : memref<3x2x10000x128xf32, #tpu.memory_space<hbm>> -> memref<1x1x80x128xf32, #tpu.memory_space<hbm>>
          %dma_start3A_180 = tpu.memref_squeeze %dma_start3A_179 : memref<1x1x80x128xf32, #tpu.memory_space<hbm>> -> memref<80x128xf32, #tpu.memory_space<hbm>>
          %dma_start3A_181 = arith.constant 0 : i32
          %dma_start3A_182 = tpu.memref_slice %arg7[%run_scoped3A, %run_scoped3A_177, %add3A, %dma_start3A_181] : memref<3x2x10000x128xf32, #tpu.memory_space<hbm>> -> memref<1x1x80x128xf32, #tpu.memory_space<hbm>>
          %dma_start3A_183 = tpu.memref_squeeze %dma_start3A_182 : memref<1x1x80x128xf32, #tpu.memory_space<hbm>> -> memref<80x128xf32, #tpu.memory_space<hbm>>
          tpu.enqueue_dma source(%arg11 : memref<80x128xf32, #tpu.memory_space<vmem>>) target(%dma_start3A_183 : memref<80x128xf32, #tpu.memory_space<hbm>>) target_semaphore(%run_scoped3A_178 : memref<!tpu.dma_semaphore, #tpu.memory_space<semaphore_mem>>)
          %dma_wait3A = arith.constant 0 : i32
          %dma_wait3A_184 = tpu.memref_slice %arg7[%run_scoped3A, %run_scoped3A_177, %add3A, %dma_wait3A] : memref<3x2x10000x128xf32, #tpu.memory_space<hbm>> -> memref<1x1x80x128xf32, #tpu.memory_space<hbm>>
          %dma_wait3A_185 = tpu.memref_squeeze %dma_wait3A_184 : memref<1x1x80x128xf32, #tpu.memory_space<hbm>> -> memref<80x128xf32, #tpu.memory_space<hbm>>
          %dma_wait3A_186 = arith.constant 0 : i32
          %dma_wait3A_187 = tpu.memref_slice %arg7[%run_scoped3A, %run_scoped3A_177, %add3A, %dma_wait3A_186] : memref<3x2x10000x128xf32, #tpu.memory_space<hbm>> -> memref<1x1x80x128xf32, #tpu.memory_space<hbm>>
          %dma_wait3A_188 = tpu.memref_squeeze %dma_wait3A_187 : memref<1x1x80x128xf32, #tpu.memory_space<hbm>> -> memref<80x128xf32, #tpu.memory_space<hbm>>
          tpu.wait_dma2 semaphore(%run_scoped3A_178 : memref<!tpu.dma_semaphore, #tpu.memory_space<semaphore_mem>>) src(%arg11 : memref<80x128xf32, #tpu.memory_space<vmem>>) dst(%dma_wait3A_188 : memref<80x128xf32, #tpu.memory_space<hbm>>)
          tpu.yield
        }) : () -> ()
      } else {
      }
      %while3A_176 = arith.constant 0 : i32
      scf.yield %while3A_176 : i32
    }
    %eq3A_68 = arith.constant 0 : i32
    %eq3A_69 = arith.cmpi eq, %arg0, %eq3A_68 : i32
    %convert_element_type3A_70 = arith.extui %eq3A_69 : i1 to i32
    %cond3A_71 = arith.constant 0 : i32
    %cond3A_72 = arith.cmpi ne, %convert_element_type3A_70, %cond3A_71 : i32
    scf.if %cond3A_72 {
      %iota3A_162 = tpu.iota {dimensions = array<i32: 0>} : vector<16xi32>
      %broadcast_in_dim3A_163 = arith.constant 0 : i32
      %broadcast_in_dim3A_164 = vector.broadcast %broadcast_in_dim3A_163 : i32 to vector<16xi32>
      %mul3A_165 = arith.constant 5 : i32
      %mul3A_166 = arith.muli %select_n3A_31, %mul3A_165 : i32
      %while3A_167 = arith.constant 0 : i32
      %while3A_168 = arith.constant 0 : i32
      %while3A_169 = arith.subi %mul3A_166, %while3A_167 : i32
      %while3A_170 = arith.addi %while3A_167, %while3A_169 : i32
      %while3A_171 = arith.constant 1 : i32
      %while3A_172 = arith.divsi %while3A_169, %while3A_171 : i32
      %while3A_173 = arith.muli %while3A_172, %while3A_171 : i32
      %while3A_174 = arith.addi %while3A_167, %while3A_173 : i32
      %while3A_175 = arith.constant 1 : i32
      %while3A_176 = scf.for %while3A_188 = %while3A_167 to %while3A_174 step %while3A_175 iter_args(%while3A_189 = %while3A_168) -> (i32)  : i32 {
        %mul3A_190 = arith.constant 16 : i32
        %mul3A_191 = arith.muli %while3A_188, %mul3A_190 : i32
        %add3A = arith.addi %mul3A_26, %mul3A_191 : i32
        "tpu.region"() ({
          %run_scoped3A = tpu.sem_alloc : memref<!tpu.dma_semaphore, #tpu.memory_space<semaphore_mem>>
          %dma_start3A = tpu.memref_slice %arg6[%add3A] : memref<10240xi32, #tpu.memory_space<hbm>> -> memref<16xi32, #tpu.memory_space<hbm>>
          %dma_start3A_196 = tpu.memref_slice %arg6[%add3A] : memref<10240xi32, #tpu.memory_space<hbm>> -> memref<16xi32, #tpu.memory_space<hbm>>
          tpu.enqueue_dma source(%dma_start3A_196 : memref<16xi32, #tpu.memory_space<hbm>>) target(%arg13 : memref<16xi32, #tpu.memory_space<vmem>>) target_semaphore(%run_scoped3A : memref<!tpu.dma_semaphore, #tpu.memory_space<semaphore_mem>>)
          %dma_wait3A = tpu.memref_slice %arg6[%add3A] : memref<10240xi32, #tpu.memory_space<hbm>> -> memref<16xi32, #tpu.memory_space<hbm>>
          %dma_wait3A_197 = tpu.memref_slice %arg6[%add3A] : memref<10240xi32, #tpu.memory_space<hbm>> -> memref<16xi32, #tpu.memory_space<hbm>>
          tpu.wait_dma2 semaphore(%run_scoped3A : memref<!tpu.dma_semaphore, #tpu.memory_space<semaphore_mem>>) src(%dma_wait3A_197 : memref<16xi32, #tpu.memory_space<hbm>>) dst(%arg13 : memref<16xi32, #tpu.memory_space<vmem>>)
          tpu.yield
        }) : () -> ()
        "tpu.region"() ({
          %run_scoped3A = tpu.sem_alloc : memref<!tpu.dma_semaphore, #tpu.memory_space<semaphore_mem>>
          %dma_start3A = arith.constant 0 : i32
          %dma_start3A_196 = arith.constant 0 : i32
          %dma_start3A_197 = tpu.memref_slice %arg20[%dma_start3A, %dma_start3A_196] : memref<10000x16xf32, #tpu.memory_space<vmem_shared>> -> memref<10000x16xf32, #tpu.memory_space<vmem_shared>>
          tpu.enqueue_indirect_dma source(%dma_start3A_197 : memref<10000x16xf32, #tpu.memory_space<vmem_shared>>) target(%arg17 : memref<16x16xf32, #tpu.memory_space<vmem>>) offsets(%arg13 : memref<16xi32, #tpu.memory_space<vmem>>) semaphore(%run_scoped3A : memref<!tpu.dma_semaphore, #tpu.memory_space<semaphore_mem>>)
          %dma_wait3A = arith.constant 0 : i32
          %dma_wait3A_198 = arith.constant 0 : i32
          %dma_wait3A_199 = tpu.memref_slice %arg20[%dma_wait3A, %dma_wait3A_198] : memref<10000x16xf32, #tpu.memory_space<vmem_shared>> -> memref<10000x16xf32, #tpu.memory_space<vmem_shared>>
          tpu.wait_indirect_dma semaphore(%run_scoped3A : memref<!tpu.dma_semaphore, #tpu.memory_space<semaphore_mem>>) src(%dma_wait3A_199 : memref<10000x16xf32, #tpu.memory_space<vmem_shared>>) dst(%arg17 : memref<16x16xf32, #tpu.memory_space<vmem>>)
          tpu.yield
        }) : () -> ()
        %gather3A = tpu.vector_load_idx %arg17[%iota3A_162, %broadcast_in_dim3A_164] : memref<16x16xf32, #tpu.memory_space<vmem>>[vector<16xi32>, vector<16xi32>], vector<16xf32>,
        %mul3A_192 = arith.constant 16 : i32
        %mul3A_193 = arith.muli %while3A_188, %mul3A_192 : i32
        %swap3A = arith.index_cast %mul3A_193 : i32 to index
        %swap3A_194 = tpu.vector_load %arg18[%swap3A] {strides = array<i32>} : memref<640xf32, #tpu.memory_space<vmem>>, vector<16xf32>,
        tpu.vector_store %arg18[%swap3A], %gather3A {strides = array<i32>} : memref<640xf32, #tpu.memory_space<vmem>>, vector<16xf32>,
        %while3A_195 = arith.constant 0 : i32
        scf.yield %while3A_195 : i32
      }
      %while3A_177 = arith.constant 1 : i32
      %while3A_178 = scf.for %while3A_188 = %while3A_174 to %while3A_170 step %while3A_177 iter_args(%while3A_189 = %while3A_176) -> (i32)  : i32 {
        %mul3A_190 = arith.constant 16 : i32
        %mul3A_191 = arith.muli %while3A_188, %mul3A_190 : i32
        %add3A = arith.addi %mul3A_26, %mul3A_191 : i32
        "tpu.region"() ({
          %run_scoped3A = tpu.sem_alloc : memref<!tpu.dma_semaphore, #tpu.memory_space<semaphore_mem>>
          %dma_start3A = tpu.memref_slice %arg6[%add3A] : memref<10240xi32, #tpu.memory_space<hbm>> -> memref<16xi32, #tpu.memory_space<hbm>>
          %dma_start3A_196 = tpu.memref_slice %arg6[%add3A] : memref<10240xi32, #tpu.memory_space<hbm>> -> memref<16xi32, #tpu.memory_space<hbm>>
          tpu.enqueue_dma source(%dma_start3A_196 : memref<16xi32, #tpu.memory_space<hbm>>) target(%arg13 : memref<16xi32, #tpu.memory_space<vmem>>) target_semaphore(%run_scoped3A : memref<!tpu.dma_semaphore, #tpu.memory_space<semaphore_mem>>)
          %dma_wait3A = tpu.memref_slice %arg6[%add3A] : memref<10240xi32, #tpu.memory_space<hbm>> -> memref<16xi32, #tpu.memory_space<hbm>>
          %dma_wait3A_197 = tpu.memref_slice %arg6[%add3A] : memref<10240xi32, #tpu.memory_space<hbm>> -> memref<16xi32, #tpu.memory_space<hbm>>
          tpu.wait_dma2 semaphore(%run_scoped3A : memref<!tpu.dma_semaphore, #tpu.memory_space<semaphore_mem>>) src(%dma_wait3A_197 : memref<16xi32, #tpu.memory_space<hbm>>) dst(%arg13 : memref<16xi32, #tpu.memory_space<vmem>>)
          tpu.yield
        }) : () -> ()
        "tpu.region"() ({
          %run_scoped3A = tpu.sem_alloc : memref<!tpu.dma_semaphore, #tpu.memory_space<semaphore_mem>>
          %dma_start3A = arith.constant 0 : i32
          %dma_start3A_196 = arith.constant 0 : i32
          %dma_start3A_197 = tpu.memref_slice %arg20[%dma_start3A, %dma_start3A_196] : memref<10000x16xf32, #tpu.memory_space<vmem_shared>> -> memref<10000x16xf32, #tpu.memory_space<vmem_shared>>
          tpu.enqueue_indirect_dma source(%dma_start3A_197 : memref<10000x16xf32, #tpu.memory_space<vmem_shared>>) target(%arg17 : memref<16x16xf32, #tpu.memory_space<vmem>>) offsets(%arg13 : memref<16xi32, #tpu.memory_space<vmem>>) semaphore(%run_scoped3A : memref<!tpu.dma_semaphore, #tpu.memory_space<semaphore_mem>>)
          %dma_wait3A = arith.constant 0 : i32
          %dma_wait3A_198 = arith.constant 0 : i32
          %dma_wait3A_199 = tpu.memref_slice %arg20[%dma_wait3A, %dma_wait3A_198] : memref<10000x16xf32, #tpu.memory_space<vmem_shared>> -> memref<10000x16xf32, #tpu.memory_space<vmem_shared>>
          tpu.wait_indirect_dma semaphore(%run_scoped3A : memref<!tpu.dma_semaphore, #tpu.memory_space<semaphore_mem>>) src(%dma_wait3A_199 : memref<10000x16xf32, #tpu.memory_space<vmem_shared>>) dst(%arg17 : memref<16x16xf32, #tpu.memory_space<vmem>>)
          tpu.yield
        }) : () -> ()
        %gather3A = tpu.vector_load_idx %arg17[%iota3A_162, %broadcast_in_dim3A_164] : memref<16x16xf32, #tpu.memory_space<vmem>>[vector<16xi32>, vector<16xi32>], vector<16xf32>,
        %mul3A_192 = arith.constant 16 : i32
        %mul3A_193 = arith.muli %while3A_188, %mul3A_192 : i32
        %swap3A = arith.index_cast %mul3A_193 : i32 to index
        %swap3A_194 = tpu.vector_load %arg18[%swap3A] {strides = array<i32>} : memref<640xf32, #tpu.memory_space<vmem>>, vector<16xf32>,
        tpu.vector_store %arg18[%swap3A], %gather3A {strides = array<i32>} : memref<640xf32, #tpu.memory_space<vmem>>, vector<16xf32>,
        %while3A_195 = arith.constant 0 : i32
        scf.yield %while3A_195 : i32
      }
      %lt3A = arith.constant 15 : i32
      %lt3A_179 = arith.cmpi slt, %arg1, %lt3A : i32
      %convert_element_type3A_180 = arith.extui %lt3A_179 : i1 to i32
      %cond3A_181 = arith.constant 0 : i32
      %cond3A_182 = arith.cmpi ne, %convert_element_type3A_180, %cond3A_181 : i32
      scf.if %cond3A_182 {
        %add3A = arith.constant 0 : i32
        %add3A_188 = arith.addi %add3A, %mul3A_26 : i32
        "tpu.region"() ({
          %run_scoped3A = tpu.sem_alloc : memref<!tpu.dma_semaphore, #tpu.memory_space<semaphore_mem>>
          %dma_start3A = tpu.memref_slice %arg8[%add3A_188] : memref<30000xf32, #tpu.memory_space<hbm>> -> memref<640xf32, #tpu.memory_space<hbm>>
          %dma_start3A_189 = tpu.memref_slice %arg8[%add3A_188] : memref<30000xf32, #tpu.memory_space<hbm>> -> memref<640xf32, #tpu.memory_space<hbm>>
          tpu.enqueue_dma source(%arg18 : memref<640xf32, #tpu.memory_space<vmem>>) target(%dma_start3A_189 : memref<640xf32, #tpu.memory_space<hbm>>) target_semaphore(%run_scoped3A : memref<!tpu.dma_semaphore, #tpu.memory_space<semaphore_mem>>)
          %dma_wait3A = tpu.memref_slice %arg8[%add3A_188] : memref<30000xf32, #tpu.memory_space<hbm>> -> memref<640xf32, #tpu.memory_space<hbm>>
          %dma_wait3A_190 = tpu.memref_slice %arg8[%add3A_188] : memref<30000xf32, #tpu.memory_space<hbm>> -> memref<640xf32, #tpu.memory_space<hbm>>
          tpu.wait_dma2 semaphore(%run_scoped3A : memref<!tpu.dma_semaphore, #tpu.memory_space<semaphore_mem>>) src(%arg18 : memref<640xf32, #tpu.memory_space<vmem>>) dst(%dma_wait3A_190 : memref<640xf32, #tpu.memory_space<hbm>>)
          tpu.yield
        }) : () -> ()
      } else {
      }
      %eq3A_183 = arith.constant 15 : i32
      %eq3A_184 = arith.cmpi eq, %arg1, %eq3A_183 : i32
      %convert_element_type3A_185 = arith.extui %eq3A_184 : i1 to i32
      %cond3A_186 = arith.constant 0 : i32
      %cond3A_187 = arith.cmpi ne, %convert_element_type3A_185, %cond3A_186 : i32
      scf.if %cond3A_187 {
        %add3A = arith.constant 0 : i32
        %add3A_188 = arith.addi %add3A, %mul3A_26 : i32
        "tpu.region"() ({
          %run_scoped3A = tpu.sem_alloc : memref<!tpu.dma_semaphore, #tpu.memory_space<semaphore_mem>>
          %dma_start3A = arith.constant 0 : i32
          %dma_start3A_189 = tpu.memref_slice %arg18[%dma_start3A] : memref<640xf32, #tpu.memory_space<vmem>> -> memref<400xf32, #tpu.memory_space<vmem>>
          %dma_start3A_190 = tpu.memref_slice %arg8[%add3A_188] : memref<30000xf32, #tpu.memory_space<hbm>> -> memref<400xf32, #tpu.memory_space<hbm>>
          %dma_start3A_191 = tpu.memref_slice %arg8[%add3A_188] : memref<30000xf32, #tpu.memory_space<hbm>> -> memref<400xf32, #tpu.memory_space<hbm>>
          %dma_start3A_192 = arith.constant 0 : i32
          %dma_start3A_193 = tpu.memref_slice %arg18[%dma_start3A_192] : memref<640xf32, #tpu.memory_space<vmem>> -> memref<400xf32, #tpu.memory_space<vmem>>
          tpu.enqueue_dma source(%dma_start3A_193 : memref<400xf32, #tpu.memory_space<vmem>>) target(%dma_start3A_191 : memref<400xf32, #tpu.memory_space<hbm>>) target_semaphore(%run_scoped3A : memref<!tpu.dma_semaphore, #tpu.memory_space<semaphore_mem>>)
          %dma_wait3A = arith.constant 0 : i32
          %dma_wait3A_194 = tpu.memref_slice %arg18[%dma_wait3A] : memref<640xf32, #tpu.memory_space<vmem>> -> memref<400xf32, #tpu.memory_space<vmem>>
          %dma_wait3A_195 = tpu.memref_slice %arg8[%add3A_188] : memref<30000xf32, #tpu.memory_space<hbm>> -> memref<400xf32, #tpu.memory_space<hbm>>
          %dma_wait3A_196 = tpu.memref_slice %arg8[%add3A_188] : memref<30000xf32, #tpu.memory_space<hbm>> -> memref<400xf32, #tpu.memory_space<hbm>>
          %dma_wait3A_197 = arith.constant 0 : i32
          %dma_wait3A_198 = tpu.memref_slice %arg18[%dma_wait3A_197] : memref<640xf32, #tpu.memory_space<vmem>> -> memref<400xf32, #tpu.memory_space<vmem>>
          tpu.wait_dma2 semaphore(%run_scoped3A : memref<!tpu.dma_semaphore, #tpu.memory_space<semaphore_mem>>) src(%dma_wait3A_198 : memref<400xf32, #tpu.memory_space<vmem>>) dst(%dma_wait3A_196 : memref<400xf32, #tpu.memory_space<hbm>>)
          tpu.yield
        }) : () -> ()
      } else {
      }
    } else {
    }
    %barrier3A_73 = arith.constant 0 : index
    tpu.barrier barrier_id(%barrier3A_73)
    %while3A_74 = arith.constant 0 : i32
    %while3A_75 = arith.constant 0 : i32
    %while3A_76 = arith.subi %select_n3A_31, %while3A_74 : i32
    %while3A_77 = arith.addi %while3A_74, %while3A_76 : i32
    %while3A_78 = arith.constant 1 : i32
    %while3A_79 = arith.divsi %while3A_76, %while3A_78 : i32
    %while3A_80 = arith.muli %while3A_79, %while3A_78 : i32
    %while3A_81 = arith.addi %while3A_74, %while3A_80 : i32
    %while3A_82 = arith.constant 1 : i32
    %while3A_83 = scf.for %while3A_162 = %while3A_74 to %while3A_81 step %while3A_82 iter_args(%while3A_163 = %while3A_75) -> (i32)  : i32 {
      %mul3A_164 = arith.constant 80 : i32
      %mul3A_165 = arith.muli %while3A_162, %mul3A_164 : i32
      %add3A = arith.addi %mul3A_26, %mul3A_165 : i32
      "tpu.region"() ({
        %run_scoped3A = tpu.sem_alloc : memref<!tpu.dma_semaphore, #tpu.memory_space<semaphore_mem>>
        %dma_start3A = tpu.memref_slice %arg6[%add3A] : memref<10240xi32, #tpu.memory_space<hbm>> -> memref<80xi32, #tpu.memory_space<hbm>>
        %dma_start3A_167 = tpu.memref_slice %arg6[%add3A] : memref<10240xi32, #tpu.memory_space<hbm>> -> memref<80xi32, #tpu.memory_space<hbm>>
        tpu.enqueue_dma source(%dma_start3A_167 : memref<80xi32, #tpu.memory_space<hbm>>) target(%arg12 : memref<80xi32, #tpu.memory_space<vmem>>) target_semaphore(%run_scoped3A : memref<!tpu.dma_semaphore, #tpu.memory_space<semaphore_mem>>)
        %dma_wait3A = tpu.memref_slice %arg6[%add3A] : memref<10240xi32, #tpu.memory_space<hbm>> -> memref<80xi32, #tpu.memory_space<hbm>>
        %dma_wait3A_168 = tpu.memref_slice %arg6[%add3A] : memref<10240xi32, #tpu.memory_space<hbm>> -> memref<80xi32, #tpu.memory_space<hbm>>
        tpu.wait_dma2 semaphore(%run_scoped3A : memref<!tpu.dma_semaphore, #tpu.memory_space<semaphore_mem>>) src(%dma_wait3A_168 : memref<80xi32, #tpu.memory_space<hbm>>) dst(%arg12 : memref<80xi32, #tpu.memory_space<vmem>>)
        tpu.yield
      }) : () -> ()
      "tpu.region"() ({
        %run_scoped3A = tpu.sem_alloc : memref<!tpu.dma_semaphore, #tpu.memory_space<semaphore_mem>>
        %dma_start3A = arith.constant 0 : i32
        %dma_start3A_167 = arith.constant 0 : i32
        %dma_start3A_168 = tpu.memref_slice %arg19[%dma_start3A, %dma_start3A_167] : memref<10000x128xf32, #tpu.memory_space<vmem_shared>> -> memref<10000x128xf32, #tpu.memory_space<vmem_shared>>
        tpu.enqueue_indirect_dma source(%arg14 : memref<80x128xf32, #tpu.memory_space<vmem>>) target(%dma_start3A_168 : memref<10000x128xf32, #tpu.memory_space<vmem_shared>>) offsets(%arg12 : memref<80xi32, #tpu.memory_space<vmem>>) semaphore(%run_scoped3A : memref<!tpu.dma_semaphore, #tpu.memory_space<semaphore_mem>>)
        %dma_wait3A = arith.constant 0 : i32
        %dma_wait3A_169 = arith.constant 0 : i32
        %dma_wait3A_170 = tpu.memref_slice %arg19[%dma_wait3A, %dma_wait3A_169] : memref<10000x128xf32, #tpu.memory_space<vmem_shared>> -> memref<10000x128xf32, #tpu.memory_space<vmem_shared>>
        tpu.wait_indirect_dma semaphore(%run_scoped3A : memref<!tpu.dma_semaphore, #tpu.memory_space<semaphore_mem>>) src(%arg14 : memref<80x128xf32, #tpu.memory_space<vmem>>) dst(%dma_wait3A_170 : memref<10000x128xf32, #tpu.memory_space<vmem_shared>>)
        tpu.yield
      }) : () -> ()
      %while3A_166 = arith.constant 0 : i32
      scf.yield %while3A_166 : i32
    }
    %while3A_84 = arith.constant 1 : i32
    %while3A_85 = scf.for %while3A_162 = %while3A_81 to %while3A_77 step %while3A_84 iter_args(%while3A_163 = %while3A_83) -> (i32)  : i32 {
      %mul3A_164 = arith.constant 80 : i32
      %mul3A_165 = arith.muli %while3A_162, %mul3A_164 : i32
      %add3A = arith.addi %mul3A_26, %mul3A_165 : i32
      "tpu.region"() ({
        %run_scoped3A = tpu.sem_alloc : memref<!tpu.dma_semaphore, #tpu.memory_space<semaphore_mem>>
        %dma_start3A = tpu.memref_slice %arg6[%add3A] : memref<10240xi32, #tpu.memory_space<hbm>> -> memref<80xi32, #tpu.memory_space<hbm>>
        %dma_start3A_167 = tpu.memref_slice %arg6[%add3A] : memref<10240xi32, #tpu.memory_space<hbm>> -> memref<80xi32, #tpu.memory_space<hbm>>
        tpu.enqueue_dma source(%dma_start3A_167 : memref<80xi32, #tpu.memory_space<hbm>>) target(%arg12 : memref<80xi32, #tpu.memory_space<vmem>>) target_semaphore(%run_scoped3A : memref<!tpu.dma_semaphore, #tpu.memory_space<semaphore_mem>>)
        %dma_wait3A = tpu.memref_slice %arg6[%add3A] : memref<10240xi32, #tpu.memory_space<hbm>> -> memref<80xi32, #tpu.memory_space<hbm>>
        %dma_wait3A_168 = tpu.memref_slice %arg6[%add3A] : memref<10240xi32, #tpu.memory_space<hbm>> -> memref<80xi32, #tpu.memory_space<hbm>>
        tpu.wait_dma2 semaphore(%run_scoped3A : memref<!tpu.dma_semaphore, #tpu.memory_space<semaphore_mem>>) src(%dma_wait3A_168 : memref<80xi32, #tpu.memory_space<hbm>>) dst(%arg12 : memref<80xi32, #tpu.memory_space<vmem>>)
        tpu.yield
      }) : () -> ()
      "tpu.region"() ({
        %run_scoped3A = tpu.sem_alloc : memref<!tpu.dma_semaphore, #tpu.memory_space<semaphore_mem>>
        %dma_start3A = arith.constant 0 : i32
        %dma_start3A_167 = arith.constant 0 : i32
        %dma_start3A_168 = tpu.memref_slice %arg19[%dma_start3A, %dma_start3A_167] : memref<10000x128xf32, #tpu.memory_space<vmem_shared>> -> memref<10000x128xf32, #tpu.memory_space<vmem_shared>>
        tpu.enqueue_indirect_dma source(%arg14 : memref<80x128xf32, #tpu.memory_space<vmem>>) target(%dma_start3A_168 : memref<10000x128xf32, #tpu.memory_space<vmem_shared>>) offsets(%arg12 : memref<80xi32, #tpu.memory_space<vmem>>) semaphore(%run_scoped3A : memref<!tpu.dma_semaphore, #tpu.memory_space<semaphore_mem>>)
        %dma_wait3A = arith.constant 0 : i32
        %dma_wait3A_169 = arith.constant 0 : i32
        %dma_wait3A_170 = tpu.memref_slice %arg19[%dma_wait3A, %dma_wait3A_169] : memref<10000x128xf32, #tpu.memory_space<vmem_shared>> -> memref<10000x128xf32, #tpu.memory_space<vmem_shared>>
        tpu.wait_indirect_dma semaphore(%run_scoped3A : memref<!tpu.dma_semaphore, #tpu.memory_space<semaphore_mem>>) src(%arg14 : memref<80x128xf32, #tpu.memory_space<vmem>>) dst(%dma_wait3A_170 : memref<10000x128xf32, #tpu.memory_space<vmem_shared>>)
        tpu.yield
      }) : () -> ()
      %while3A_166 = arith.constant 0 : i32
      scf.yield %while3A_166 : i32
    }
    %eq3A_86 = arith.constant 0 : i32
    %eq3A_87 = arith.cmpi eq, %arg0, %eq3A_86 : i32
    %convert_element_type3A_88 = arith.extui %eq3A_87 : i1 to i32
    %cond3A_89 = arith.constant 0 : i32
    %cond3A_90 = arith.cmpi ne, %convert_element_type3A_88, %cond3A_89 : i32
    scf.if %cond3A_90 {
      %mul3A_162 = arith.constant 5 : i32
      %mul3A_163 = arith.muli %select_n3A_31, %mul3A_162 : i32
      %while3A_164 = arith.constant 0 : i32
      %while3A_165 = arith.constant 0 : i32
      %while3A_166 = arith.subi %mul3A_163, %while3A_164 : i32
      %while3A_167 = arith.addi %while3A_164, %while3A_166 : i32
      %while3A_168 = arith.constant 1 : i32
      %while3A_169 = arith.divsi %while3A_166, %while3A_168 : i32
      %while3A_170 = arith.muli %while3A_169, %while3A_168 : i32
      %while3A_171 = arith.addi %while3A_164, %while3A_170 : i32
      %while3A_172 = arith.constant 1 : i32
      %while3A_173 = scf.for %while3A_176 = %while3A_164 to %while3A_171 step %while3A_172 iter_args(%while3A_177 = %while3A_165) -> (i32)  : i32 {
        %mul3A_178 = arith.constant 16 : i32
        %mul3A_179 = arith.muli %while3A_176, %mul3A_178 : i32
        %add3A = arith.addi %mul3A_26, %mul3A_179 : i32
        "tpu.region"() ({
          %run_scoped3A = tpu.sem_alloc : memref<!tpu.dma_semaphore, #tpu.memory_space<semaphore_mem>>
          %dma_start3A = tpu.memref_slice %arg6[%add3A] : memref<10240xi32, #tpu.memory_space<hbm>> -> memref<16xi32, #tpu.memory_space<hbm>>
          %dma_start3A_181 = tpu.memref_slice %arg6[%add3A] : memref<10240xi32, #tpu.memory_space<hbm>> -> memref<16xi32, #tpu.memory_space<hbm>>
          tpu.enqueue_dma source(%dma_start3A_181 : memref<16xi32, #tpu.memory_space<hbm>>) target(%arg13 : memref<16xi32, #tpu.memory_space<vmem>>) target_semaphore(%run_scoped3A : memref<!tpu.dma_semaphore, #tpu.memory_space<semaphore_mem>>)
          %dma_wait3A = tpu.memref_slice %arg6[%add3A] : memref<10240xi32, #tpu.memory_space<hbm>> -> memref<16xi32, #tpu.memory_space<hbm>>
          %dma_wait3A_182 = tpu.memref_slice %arg6[%add3A] : memref<10240xi32, #tpu.memory_space<hbm>> -> memref<16xi32, #tpu.memory_space<hbm>>
          tpu.wait_dma2 semaphore(%run_scoped3A : memref<!tpu.dma_semaphore, #tpu.memory_space<semaphore_mem>>) src(%dma_wait3A_182 : memref<16xi32, #tpu.memory_space<hbm>>) dst(%arg13 : memref<16xi32, #tpu.memory_space<vmem>>)
          tpu.yield
        }) : () -> ()
        "tpu.region"() ({
          %run_scoped3A = tpu.sem_alloc : memref<!tpu.dma_semaphore, #tpu.memory_space<semaphore_mem>>
          %dma_start3A = arith.constant 0 : i32
          %dma_start3A_181 = arith.constant 0 : i32
          %dma_start3A_182 = tpu.memref_slice %arg20[%dma_start3A, %dma_start3A_181] : memref<10000x16xf32, #tpu.memory_space<vmem_shared>> -> memref<10000x16xf32, #tpu.memory_space<vmem_shared>>
          tpu.enqueue_indirect_dma source(%arg15 : memref<16x16xf32, #tpu.memory_space<vmem>>) target(%dma_start3A_182 : memref<10000x16xf32, #tpu.memory_space<vmem_shared>>) offsets(%arg13 : memref<16xi32, #tpu.memory_space<vmem>>) semaphore(%run_scoped3A : memref<!tpu.dma_semaphore, #tpu.memory_space<semaphore_mem>>)
          %dma_wait3A = arith.constant 0 : i32
          %dma_wait3A_183 = arith.constant 0 : i32
          %dma_wait3A_184 = tpu.memref_slice %arg20[%dma_wait3A, %dma_wait3A_183] : memref<10000x16xf32, #tpu.memory_space<vmem_shared>> -> memref<10000x16xf32, #tpu.memory_space<vmem_shared>>
          tpu.wait_indirect_dma semaphore(%run_scoped3A : memref<!tpu.dma_semaphore, #tpu.memory_space<semaphore_mem>>) src(%arg15 : memref<16x16xf32, #tpu.memory_space<vmem>>) dst(%dma_wait3A_184 : memref<10000x16xf32, #tpu.memory_space<vmem_shared>>)
          tpu.yield
        }) : () -> ()
        %while3A_180 = arith.constant 0 : i32
        scf.yield %while3A_180 : i32
      }
      %while3A_174 = arith.constant 1 : i32
      %while3A_175 = scf.for %while3A_176 = %while3A_171 to %while3A_167 step %while3A_174 iter_args(%while3A_177 = %while3A_173) -> (i32)  : i32 {
        %mul3A_178 = arith.constant 16 : i32
        %mul3A_179 = arith.muli %while3A_176, %mul3A_178 : i32
        %add3A = arith.addi %mul3A_26, %mul3A_179 : i32
        "tpu.region"() ({
          %run_scoped3A = tpu.sem_alloc : memref<!tpu.dma_semaphore, #tpu.memory_space<semaphore_mem>>
          %dma_start3A = tpu.memref_slice %arg6[%add3A] : memref<10240xi32, #tpu.memory_space<hbm>> -> memref<16xi32, #tpu.memory_space<hbm>>
          %dma_start3A_181 = tpu.memref_slice %arg6[%add3A] : memref<10240xi32, #tpu.memory_space<hbm>> -> memref<16xi32, #tpu.memory_space<hbm>>
          tpu.enqueue_dma source(%dma_start3A_181 : memref<16xi32, #tpu.memory_space<hbm>>) target(%arg13 : memref<16xi32, #tpu.memory_space<vmem>>) target_semaphore(%run_scoped3A : memref<!tpu.dma_semaphore, #tpu.memory_space<semaphore_mem>>)
          %dma_wait3A = tpu.memref_slice %arg6[%add3A] : memref<10240xi32, #tpu.memory_space<hbm>> -> memref<16xi32, #tpu.memory_space<hbm>>
          %dma_wait3A_182 = tpu.memref_slice %arg6[%add3A] : memref<10240xi32, #tpu.memory_space<hbm>> -> memref<16xi32, #tpu.memory_space<hbm>>
          tpu.wait_dma2 semaphore(%run_scoped3A : memref<!tpu.dma_semaphore, #tpu.memory_space<semaphore_mem>>) src(%dma_wait3A_182 : memref<16xi32, #tpu.memory_space<hbm>>) dst(%arg13 : memref<16xi32, #tpu.memory_space<vmem>>)
          tpu.yield
        }) : () -> ()
        "tpu.region"() ({
          %run_scoped3A = tpu.sem_alloc : memref<!tpu.dma_semaphore, #tpu.memory_space<semaphore_mem>>
          %dma_start3A = arith.constant 0 : i32
          %dma_start3A_181 = arith.constant 0 : i32
          %dma_start3A_182 = tpu.memref_slice %arg20[%dma_start3A, %dma_start3A_181] : memref<10000x16xf32, #tpu.memory_space<vmem_shared>> -> memref<10000x16xf32, #tpu.memory_space<vmem_shared>>
          tpu.enqueue_indirect_dma source(%arg15 : memref<16x16xf32, #tpu.memory_space<vmem>>) target(%dma_start3A_182 : memref<10000x16xf32, #tpu.memory_space<vmem_shared>>) offsets(%arg13 : memref<16xi32, #tpu.memory_space<vmem>>) semaphore(%run_scoped3A : memref<!tpu.dma_semaphore, #tpu.memory_space<semaphore_mem>>)
          %dma_wait3A = arith.constant 0 : i32
          %dma_wait3A_183 = arith.constant 0 : i32
          %dma_wait3A_184 = tpu.memref_slice %arg20[%dma_wait3A, %dma_wait3A_183] : memref<10000x16xf32, #tpu.memory_space<vmem_shared>> -> memref<10000x16xf32, #tpu.memory_space<vmem_shared>>
          tpu.wait_indirect_dma semaphore(%run_scoped3A : memref<!tpu.dma_semaphore, #tpu.memory_space<semaphore_mem>>) src(%arg15 : memref<16x16xf32, #tpu.memory_space<vmem>>) dst(%dma_wait3A_184 : memref<10000x16xf32, #tpu.memory_space<vmem_shared>>)
          tpu.yield
        }) : () -> ()
        %while3A_180 = arith.constant 0 : i32
        scf.yield %while3A_180 : i32
      }
    } else {
    }
    %barrier3A_91 = arith.constant 0 : index
    tpu.barrier barrier_id(%barrier3A_91)
    %scan3A_92 = arith.constant 0 : i32
    %scan3A_93 = arith.constant 0 : i32
    %scan3A_94 = arith.constant 125 : i32
    %scan3A_95 = arith.addi %scan3A_93, %scan3A_94 : i32
    %scan3A_96 = arith.constant 1 : i32
    %scan3A_97 = scf.for %scan3A_162 = %scan3A_93 to %scan3A_95 step %scan3A_96 iter_args(%scan3A_163 = %scan3A_92) -> (i32)  : i32 {
      %add3A = arith.constant 160000 : i32
      %add3A_164 = arith.addi %add3A, %mul3A_33 : i32
      %mul3A_165 = arith.constant 80 : i32
      %mul3A_166 = arith.muli %scan3A_162, %mul3A_165 : i32
      %add3A_167 = arith.addi %add3A_164, %mul3A_166 : i32
      "tpu.region"() ({
        %run_scoped3A = tpu.sem_alloc : memref<!tpu.dma_semaphore, #tpu.memory_space<semaphore_mem>>
        %dma_start3A = tpu.memref_slice %arg4[%add3A_167] : memref<480000xi32, #tpu.memory_space<hbm>> -> memref<80xi32, #tpu.memory_space<hbm>>
        %dma_start3A_184 = tpu.memref_slice %arg4[%add3A_167] : memref<480000xi32, #tpu.memory_space<hbm>> -> memref<80xi32, #tpu.memory_space<hbm>>
        tpu.enqueue_dma source(%dma_start3A_184 : memref<80xi32, #tpu.memory_space<hbm>>) target(%arg9 : memref<80xi32, #tpu.memory_space<vmem>>) target_semaphore(%run_scoped3A : memref<!tpu.dma_semaphore, #tpu.memory_space<semaphore_mem>>)
        %dma_wait3A = tpu.memref_slice %arg4[%add3A_167] : memref<480000xi32, #tpu.memory_space<hbm>> -> memref<80xi32, #tpu.memory_space<hbm>>
        %dma_wait3A_185 = tpu.memref_slice %arg4[%add3A_167] : memref<480000xi32, #tpu.memory_space<hbm>> -> memref<80xi32, #tpu.memory_space<hbm>>
        tpu.wait_dma2 semaphore(%run_scoped3A : memref<!tpu.dma_semaphore, #tpu.memory_space<semaphore_mem>>) src(%dma_wait3A_185 : memref<80xi32, #tpu.memory_space<hbm>>) dst(%arg9 : memref<80xi32, #tpu.memory_space<vmem>>)
        tpu.yield
      }) : () -> ()
      "tpu.region"() ({
        %run_scoped3A = tpu.sem_alloc : memref<!tpu.dma_semaphore, #tpu.memory_space<semaphore_mem>>
        %dma_start3A = tpu.memref_slice %arg5[%add3A_167] : memref<480000xi32, #tpu.memory_space<hbm>> -> memref<80xi32, #tpu.memory_space<hbm>>
        %dma_start3A_184 = tpu.memref_slice %arg5[%add3A_167] : memref<480000xi32, #tpu.memory_space<hbm>> -> memref<80xi32, #tpu.memory_space<hbm>>
        tpu.enqueue_dma source(%dma_start3A_184 : memref<80xi32, #tpu.memory_space<hbm>>) target(%arg10 : memref<80xi32, #tpu.memory_space<vmem>>) target_semaphore(%run_scoped3A : memref<!tpu.dma_semaphore, #tpu.memory_space<semaphore_mem>>)
        %dma_wait3A = tpu.memref_slice %arg5[%add3A_167] : memref<480000xi32, #tpu.memory_space<hbm>> -> memref<80xi32, #tpu.memory_space<hbm>>
        %dma_wait3A_185 = tpu.memref_slice %arg5[%add3A_167] : memref<480000xi32, #tpu.memory_space<hbm>> -> memref<80xi32, #tpu.memory_space<hbm>>
        tpu.wait_dma2 semaphore(%run_scoped3A : memref<!tpu.dma_semaphore, #tpu.memory_space<semaphore_mem>>) src(%dma_wait3A_185 : memref<80xi32, #tpu.memory_space<hbm>>) dst(%arg10 : memref<80xi32, #tpu.memory_space<vmem>>)
        tpu.yield
      }) : () -> ()
      %eq3A_168 = arith.constant 0 : i32
      %eq3A_169 = arith.cmpi eq, %arg0, %eq3A_168 : i32
      %convert_element_type3A_170 = arith.extui %eq3A_169 : i1 to i32
      %cond3A_171 = arith.constant 0 : i32
      %cond3A_172 = arith.cmpi ne, %convert_element_type3A_170, %cond3A_171 : i32
      scf.if %cond3A_172 {
        %dma_start3A = arith.constant 0 : i32
        %dma_start3A_184 = arith.constant 0 : i32
        %dma_start3A_185 = tpu.memref_slice %arg2[%dma_start3A, %dma_start3A_184] : memref<10000x128xf32, #tpu.memory_space<hbm>> -> memref<10000x128xf32, #tpu.memory_space<hbm>>
        tpu.enqueue_indirect_dma source(%dma_start3A_185 : memref<10000x128xf32, #tpu.memory_space<hbm>>) target(%arg11 : memref<80x128xf32, #tpu.memory_space<vmem>>) offsets(%arg9 : memref<80xi32, #tpu.memory_space<vmem>>) semaphore(%arg21 : memref<!tpu.dma_semaphore, #tpu.memory_space<semaphore_mem>>)
        %dma_wait3A = arith.constant 0 : i32
        %dma_wait3A_186 = arith.constant 0 : i32
        %dma_wait3A_187 = tpu.memref_slice %arg2[%dma_wait3A, %dma_wait3A_186] : memref<10000x128xf32, #tpu.memory_space<hbm>> -> memref<10000x128xf32, #tpu.memory_space<hbm>>
        tpu.wait_indirect_dma semaphore(%arg21 : memref<!tpu.dma_semaphore, #tpu.memory_space<semaphore_mem>>) src(%dma_wait3A_187 : memref<10000x128xf32, #tpu.memory_space<hbm>>) dst(%arg11 : memref<80x128xf32, #tpu.memory_space<vmem>>)
      } else {
      }
      %eq3A_173 = arith.constant 1 : i32
      %eq3A_174 = arith.cmpi eq, %arg0, %eq3A_173 : i32
      %convert_element_type3A_175 = arith.extui %eq3A_174 : i1 to i32
      %cond3A_176 = arith.constant 0 : i32
      %cond3A_177 = arith.cmpi ne, %convert_element_type3A_175, %cond3A_176 : i32
      scf.if %cond3A_177 {
        %dma_start3A = arith.constant 0 : i32
        %dma_start3A_184 = arith.constant 0 : i32
        %dma_start3A_185 = tpu.memref_slice %arg3[%dma_start3A, %dma_start3A_184] : memref<10000x128xf32, #tpu.memory_space<hbm>> -> memref<10000x128xf32, #tpu.memory_space<hbm>>
        tpu.enqueue_indirect_dma source(%dma_start3A_185 : memref<10000x128xf32, #tpu.memory_space<hbm>>) target(%arg11 : memref<80x128xf32, #tpu.memory_space<vmem>>) offsets(%arg9 : memref<80xi32, #tpu.memory_space<vmem>>) semaphore(%arg21 : memref<!tpu.dma_semaphore, #tpu.memory_space<semaphore_mem>>)
        %dma_wait3A = arith.constant 0 : i32
        %dma_wait3A_186 = arith.constant 0 : i32
        %dma_wait3A_187 = tpu.memref_slice %arg3[%dma_wait3A, %dma_wait3A_186] : memref<10000x128xf32, #tpu.memory_space<hbm>> -> memref<10000x128xf32, #tpu.memory_space<hbm>>
        tpu.wait_indirect_dma semaphore(%arg21 : memref<!tpu.dma_semaphore, #tpu.memory_space<semaphore_mem>>) src(%dma_wait3A_187 : memref<10000x128xf32, #tpu.memory_space<hbm>>) dst(%arg11 : memref<80x128xf32, #tpu.memory_space<vmem>>)
      } else {
      }
      "tpu.region"() ({
        %run_scoped3A = tpu.sem_alloc : memref<!tpu.dma_semaphore, #tpu.memory_space<semaphore_mem>>
        %dma_start3A = arith.constant 0 : i32
        %dma_start3A_184 = arith.constant 0 : i32
        %dma_start3A_185 = tpu.memref_slice %arg19[%dma_start3A, %dma_start3A_184] : memref<10000x128xf32, #tpu.memory_space<vmem_shared>> -> memref<10000x128xf32, #tpu.memory_space<vmem_shared>>
        tpu.enqueue_indirect_dma source(%arg11 : memref<80x128xf32, #tpu.memory_space<vmem>>) target(%dma_start3A_185 : memref<10000x128xf32, #tpu.memory_space<vmem_shared>>) offsets(%arg10 : memref<80xi32, #tpu.memory_space<vmem>>) semaphore(%run_scoped3A : memref<!tpu.dma_semaphore, #tpu.memory_space<semaphore_mem>>) {add = true}
        %dma_wait3A = arith.constant 0 : i32
        %dma_wait3A_186 = arith.constant 0 : i32
        %dma_wait3A_187 = tpu.memref_slice %arg19[%dma_wait3A, %dma_wait3A_186] : memref<10000x128xf32, #tpu.memory_space<vmem_shared>> -> memref<10000x128xf32, #tpu.memory_space<vmem_shared>>
        tpu.wait_indirect_dma semaphore(%run_scoped3A : memref<!tpu.dma_semaphore, #tpu.memory_space<semaphore_mem>>) src(%arg11 : memref<80x128xf32, #tpu.memory_space<vmem>>) dst(%dma_wait3A_187 : memref<10000x128xf32, #tpu.memory_space<vmem_shared>>)
        tpu.yield
      }) : () -> ()
      %eq3A_178 = arith.constant 0 : i32
      %eq3A_179 = arith.cmpi eq, %arg0, %eq3A_178 : i32
      %convert_element_type3A_180 = arith.extui %eq3A_179 : i1 to i32
      %cond3A_181 = arith.constant 0 : i32
      %cond3A_182 = arith.cmpi ne, %convert_element_type3A_180, %cond3A_181 : i32
      scf.if %cond3A_182 {
        "tpu.region"() ({
          %run_scoped3A = tpu.sem_alloc : memref<!tpu.dma_semaphore, #tpu.memory_space<semaphore_mem>>
          %dma_start3A = arith.constant 0 : i32
          %dma_start3A_184 = arith.constant 0 : i32
          %dma_start3A_185 = tpu.memref_slice %arg20[%dma_start3A, %dma_start3A_184] : memref<10000x16xf32, #tpu.memory_space<vmem_shared>> -> memref<10000x16xf32, #tpu.memory_space<vmem_shared>>
          tpu.enqueue_indirect_dma source(%arg16 : memref<80x16xf32, #tpu.memory_space<vmem>>) target(%dma_start3A_185 : memref<10000x16xf32, #tpu.memory_space<vmem_shared>>) offsets(%arg10 : memref<80xi32, #tpu.memory_space<vmem>>) semaphore(%run_scoped3A : memref<!tpu.dma_semaphore, #tpu.memory_space<semaphore_mem>>) {add = true}
          %dma_wait3A = arith.constant 0 : i32
          %dma_wait3A_186 = arith.constant 0 : i32
          %dma_wait3A_187 = tpu.memref_slice %arg20[%dma_wait3A, %dma_wait3A_186] : memref<10000x16xf32, #tpu.memory_space<vmem_shared>> -> memref<10000x16xf32, #tpu.memory_space<vmem_shared>>
          tpu.wait_indirect_dma semaphore(%run_scoped3A : memref<!tpu.dma_semaphore, #tpu.memory_space<semaphore_mem>>) src(%arg16 : memref<80x16xf32, #tpu.memory_space<vmem>>) dst(%dma_wait3A_187 : memref<10000x16xf32, #tpu.memory_space<vmem_shared>>)
          tpu.yield
        }) : () -> ()
      } else {
      }
      %scan3A_183 = arith.constant 0 : i32
      scf.yield %scan3A_183 : i32
    }
    %scan3A_98 = arith.constant 125 : i32
    %barrier3A_99 = arith.constant 0 : index
    tpu.barrier barrier_id(%barrier3A_99)
    %while3A_100 = arith.constant 0 : i32
    %while3A_101 = arith.constant 0 : i32
    %while3A_102 = arith.subi %select_n3A_31, %while3A_100 : i32
    %while3A_103 = arith.addi %while3A_100, %while3A_102 : i32
    %while3A_104 = arith.constant 1 : i32
    %while3A_105 = arith.divsi %while3A_102, %while3A_104 : i32
    %while3A_106 = arith.muli %while3A_105, %while3A_104 : i32
    %while3A_107 = arith.addi %while3A_100, %while3A_106 : i32
    %while3A_108 = arith.constant 1 : i32
    %while3A_109 = scf.for %while3A_162 = %while3A_100 to %while3A_107 step %while3A_108 iter_args(%while3A_163 = %while3A_101) -> (i32)  : i32 {
      %mul3A_164 = arith.constant 80 : i32
      %mul3A_165 = arith.muli %while3A_162, %mul3A_164 : i32
      %add3A = arith.addi %mul3A_26, %mul3A_165 : i32
      "tpu.region"() ({
        %run_scoped3A = tpu.sem_alloc : memref<!tpu.dma_semaphore, #tpu.memory_space<semaphore_mem>>
        %dma_start3A = tpu.memref_slice %arg6[%add3A] : memref<10240xi32, #tpu.memory_space<hbm>> -> memref<80xi32, #tpu.memory_space<hbm>>
        %dma_start3A_177 = tpu.memref_slice %arg6[%add3A] : memref<10240xi32, #tpu.memory_space<hbm>> -> memref<80xi32, #tpu.memory_space<hbm>>
        tpu.enqueue_dma source(%dma_start3A_177 : memref<80xi32, #tpu.memory_space<hbm>>) target(%arg12 : memref<80xi32, #tpu.memory_space<vmem>>) target_semaphore(%run_scoped3A : memref<!tpu.dma_semaphore, #tpu.memory_space<semaphore_mem>>)
        %dma_wait3A = tpu.memref_slice %arg6[%add3A] : memref<10240xi32, #tpu.memory_space<hbm>> -> memref<80xi32, #tpu.memory_space<hbm>>
        %dma_wait3A_178 = tpu.memref_slice %arg6[%add3A] : memref<10240xi32, #tpu.memory_space<hbm>> -> memref<80xi32, #tpu.memory_space<hbm>>
        tpu.wait_dma2 semaphore(%run_scoped3A : memref<!tpu.dma_semaphore, #tpu.memory_space<semaphore_mem>>) src(%dma_wait3A_178 : memref<80xi32, #tpu.memory_space<hbm>>) dst(%arg12 : memref<80xi32, #tpu.memory_space<vmem>>)
        tpu.yield
      }) : () -> ()
      "tpu.region"() ({
        %run_scoped3A = tpu.sem_alloc : memref<!tpu.dma_semaphore, #tpu.memory_space<semaphore_mem>>
        %dma_start3A = arith.constant 0 : i32
        %dma_start3A_177 = arith.constant 0 : i32
        %dma_start3A_178 = tpu.memref_slice %arg19[%dma_start3A, %dma_start3A_177] : memref<10000x128xf32, #tpu.memory_space<vmem_shared>> -> memref<10000x128xf32, #tpu.memory_space<vmem_shared>>
        tpu.enqueue_indirect_dma source(%dma_start3A_178 : memref<10000x128xf32, #tpu.memory_space<vmem_shared>>) target(%arg11 : memref<80x128xf32, #tpu.memory_space<vmem>>) offsets(%arg12 : memref<80xi32, #tpu.memory_space<vmem>>) semaphore(%run_scoped3A : memref<!tpu.dma_semaphore, #tpu.memory_space<semaphore_mem>>)
        %dma_wait3A = arith.constant 0 : i32
        %dma_wait3A_179 = arith.constant 0 : i32
        %dma_wait3A_180 = tpu.memref_slice %arg19[%dma_wait3A, %dma_wait3A_179] : memref<10000x128xf32, #tpu.memory_space<vmem_shared>> -> memref<10000x128xf32, #tpu.memory_space<vmem_shared>>
        tpu.wait_indirect_dma semaphore(%run_scoped3A : memref<!tpu.dma_semaphore, #tpu.memory_space<semaphore_mem>>) src(%dma_wait3A_180 : memref<10000x128xf32, #tpu.memory_space<vmem_shared>>) dst(%arg11 : memref<80x128xf32, #tpu.memory_space<vmem>>)
        tpu.yield
      }) : () -> ()
      %eq3A_166 = arith.constant 0 : i32
      %eq3A_167 = arith.cmpi eq, %arg0, %eq3A_166 : i32
      %convert_element_type3A_168 = arith.extui %eq3A_167 : i1 to i32
      %cond3A_169 = arith.constant 0 : i32
      %cond3A_170 = arith.cmpi ne, %convert_element_type3A_168, %cond3A_169 : i32
      scf.if %cond3A_170 {
        %run_scoped3A = arith.constant 1 : i32
        %run_scoped3A_177 = arith.constant 0 : i32
        "tpu.region"() ({
          %run_scoped3A_178 = tpu.sem_alloc : memref<!tpu.dma_semaphore, #tpu.memory_space<semaphore_mem>>
          %dma_start3A = arith.constant 0 : i32
          %dma_start3A_179 = tpu.memref_slice %arg7[%run_scoped3A, %run_scoped3A_177, %add3A, %dma_start3A] : memref<3x2x10000x128xf32, #tpu.memory_space<hbm>> -> memref<1x1x80x128xf32, #tpu.memory_space<hbm>>
          %dma_start3A_180 = tpu.memref_squeeze %dma_start3A_179 : memref<1x1x80x128xf32, #tpu.memory_space<hbm>> -> memref<80x128xf32, #tpu.memory_space<hbm>>
          %dma_start3A_181 = arith.constant 0 : i32
          %dma_start3A_182 = tpu.memref_slice %arg7[%run_scoped3A, %run_scoped3A_177, %add3A, %dma_start3A_181] : memref<3x2x10000x128xf32, #tpu.memory_space<hbm>> -> memref<1x1x80x128xf32, #tpu.memory_space<hbm>>
          %dma_start3A_183 = tpu.memref_squeeze %dma_start3A_182 : memref<1x1x80x128xf32, #tpu.memory_space<hbm>> -> memref<80x128xf32, #tpu.memory_space<hbm>>
          tpu.enqueue_dma source(%arg11 : memref<80x128xf32, #tpu.memory_space<vmem>>) target(%dma_start3A_183 : memref<80x128xf32, #tpu.memory_space<hbm>>) target_semaphore(%run_scoped3A_178 : memref<!tpu.dma_semaphore, #tpu.memory_space<semaphore_mem>>)
          %dma_wait3A = arith.constant 0 : i32
          %dma_wait3A_184 = tpu.memref_slice %arg7[%run_scoped3A, %run_scoped3A_177, %add3A, %dma_wait3A] : memref<3x2x10000x128xf32, #tpu.memory_space<hbm>> -> memref<1x1x80x128xf32, #tpu.memory_space<hbm>>
          %dma_wait3A_185 = tpu.memref_squeeze %dma_wait3A_184 : memref<1x1x80x128xf32, #tpu.memory_space<hbm>> -> memref<80x128xf32, #tpu.memory_space<hbm>>
          %dma_wait3A_186 = arith.constant 0 : i32
          %dma_wait3A_187 = tpu.memref_slice %arg7[%run_scoped3A, %run_scoped3A_177, %add3A, %dma_wait3A_186] : memref<3x2x10000x128xf32, #tpu.memory_space<hbm>> -> memref<1x1x80x128xf32, #tpu.memory_space<hbm>>
          %dma_wait3A_188 = tpu.memref_squeeze %dma_wait3A_187 : memref<1x1x80x128xf32, #tpu.memory_space<hbm>> -> memref<80x128xf32, #tpu.memory_space<hbm>>
          tpu.wait_dma2 semaphore(%run_scoped3A_178 : memref<!tpu.dma_semaphore, #tpu.memory_space<semaphore_mem>>) src(%arg11 : memref<80x128xf32, #tpu.memory_space<vmem>>) dst(%dma_wait3A_188 : memref<80x128xf32, #tpu.memory_space<hbm>>)
          tpu.yield
        }) : () -> ()
      } else {
      }
      %eq3A_171 = arith.constant 1 : i32
      %eq3A_172 = arith.cmpi eq, %arg0, %eq3A_171 : i32
      %convert_element_type3A_173 = arith.extui %eq3A_172 : i1 to i32
      %cond3A_174 = arith.constant 0 : i32
      %cond3A_175 = arith.cmpi ne, %convert_element_type3A_173, %cond3A_174 : i32
      scf.if %cond3A_175 {
        %run_scoped3A = arith.constant 1 : i32
        %run_scoped3A_177 = arith.constant 1 : i32
        "tpu.region"() ({
          %run_scoped3A_178 = tpu.sem_alloc : memref<!tpu.dma_semaphore, #tpu.memory_space<semaphore_mem>>
          %dma_start3A = arith.constant 0 : i32
          %dma_start3A_179 = tpu.memref_slice %arg7[%run_scoped3A, %run_scoped3A_177, %add3A, %dma_start3A] : memref<3x2x10000x128xf32, #tpu.memory_space<hbm>> -> memref<1x1x80x128xf32, #tpu.memory_space<hbm>>
          %dma_start3A_180 = tpu.memref_squeeze %dma_start3A_179 : memref<1x1x80x128xf32, #tpu.memory_space<hbm>> -> memref<80x128xf32, #tpu.memory_space<hbm>>
          %dma_start3A_181 = arith.constant 0 : i32
          %dma_start3A_182 = tpu.memref_slice %arg7[%run_scoped3A, %run_scoped3A_177, %add3A, %dma_start3A_181] : memref<3x2x10000x128xf32, #tpu.memory_space<hbm>> -> memref<1x1x80x128xf32, #tpu.memory_space<hbm>>
          %dma_start3A_183 = tpu.memref_squeeze %dma_start3A_182 : memref<1x1x80x128xf32, #tpu.memory_space<hbm>> -> memref<80x128xf32, #tpu.memory_space<hbm>>
          tpu.enqueue_dma source(%arg11 : memref<80x128xf32, #tpu.memory_space<vmem>>) target(%dma_start3A_183 : memref<80x128xf32, #tpu.memory_space<hbm>>) target_semaphore(%run_scoped3A_178 : memref<!tpu.dma_semaphore, #tpu.memory_space<semaphore_mem>>)
          %dma_wait3A = arith.constant 0 : i32
          %dma_wait3A_184 = tpu.memref_slice %arg7[%run_scoped3A, %run_scoped3A_177, %add3A, %dma_wait3A] : memref<3x2x10000x128xf32, #tpu.memory_space<hbm>> -> memref<1x1x80x128xf32, #tpu.memory_space<hbm>>
          %dma_wait3A_185 = tpu.memref_squeeze %dma_wait3A_184 : memref<1x1x80x128xf32, #tpu.memory_space<hbm>> -> memref<80x128xf32, #tpu.memory_space<hbm>>
          %dma_wait3A_186 = arith.constant 0 : i32
          %dma_wait3A_187 = tpu.memref_slice %arg7[%run_scoped3A, %run_scoped3A_177, %add3A, %dma_wait3A_186] : memref<3x2x10000x128xf32, #tpu.memory_space<hbm>> -> memref<1x1x80x128xf32, #tpu.memory_space<hbm>>
          %dma_wait3A_188 = tpu.memref_squeeze %dma_wait3A_187 : memref<1x1x80x128xf32, #tpu.memory_space<hbm>> -> memref<80x128xf32, #tpu.memory_space<hbm>>
          tpu.wait_dma2 semaphore(%run_scoped3A_178 : memref<!tpu.dma_semaphore, #tpu.memory_space<semaphore_mem>>) src(%arg11 : memref<80x128xf32, #tpu.memory_space<vmem>>) dst(%dma_wait3A_188 : memref<80x128xf32, #tpu.memory_space<hbm>>)
          tpu.yield
        }) : () -> ()
      } else {
      }
      %while3A_176 = arith.constant 0 : i32
      scf.yield %while3A_176 : i32
    }
    %while3A_110 = arith.constant 1 : i32
    %while3A_111 = scf.for %while3A_162 = %while3A_107 to %while3A_103 step %while3A_110 iter_args(%while3A_163 = %while3A_109) -> (i32)  : i32 {
      %mul3A_164 = arith.constant 80 : i32
      %mul3A_165 = arith.muli %while3A_162, %mul3A_164 : i32
      %add3A = arith.addi %mul3A_26, %mul3A_165 : i32
      "tpu.region"() ({
        %run_scoped3A = tpu.sem_alloc : memref<!tpu.dma_semaphore, #tpu.memory_space<semaphore_mem>>
        %dma_start3A = tpu.memref_slice %arg6[%add3A] : memref<10240xi32, #tpu.memory_space<hbm>> -> memref<80xi32, #tpu.memory_space<hbm>>
        %dma_start3A_177 = tpu.memref_slice %arg6[%add3A] : memref<10240xi32, #tpu.memory_space<hbm>> -> memref<80xi32, #tpu.memory_space<hbm>>
        tpu.enqueue_dma source(%dma_start3A_177 : memref<80xi32, #tpu.memory_space<hbm>>) target(%arg12 : memref<80xi32, #tpu.memory_space<vmem>>) target_semaphore(%run_scoped3A : memref<!tpu.dma_semaphore, #tpu.memory_space<semaphore_mem>>)
        %dma_wait3A = tpu.memref_slice %arg6[%add3A] : memref<10240xi32, #tpu.memory_space<hbm>> -> memref<80xi32, #tpu.memory_space<hbm>>
        %dma_wait3A_178 = tpu.memref_slice %arg6[%add3A] : memref<10240xi32, #tpu.memory_space<hbm>> -> memref<80xi32, #tpu.memory_space<hbm>>
        tpu.wait_dma2 semaphore(%run_scoped3A : memref<!tpu.dma_semaphore, #tpu.memory_space<semaphore_mem>>) src(%dma_wait3A_178 : memref<80xi32, #tpu.memory_space<hbm>>) dst(%arg12 : memref<80xi32, #tpu.memory_space<vmem>>)
        tpu.yield
      }) : () -> ()
      "tpu.region"() ({
        %run_scoped3A = tpu.sem_alloc : memref<!tpu.dma_semaphore, #tpu.memory_space<semaphore_mem>>
        %dma_start3A = arith.constant 0 : i32
        %dma_start3A_177 = arith.constant 0 : i32
        %dma_start3A_178 = tpu.memref_slice %arg19[%dma_start3A, %dma_start3A_177] : memref<10000x128xf32, #tpu.memory_space<vmem_shared>> -> memref<10000x128xf32, #tpu.memory_space<vmem_shared>>
        tpu.enqueue_indirect_dma source(%dma_start3A_178 : memref<10000x128xf32, #tpu.memory_space<vmem_shared>>) target(%arg11 : memref<80x128xf32, #tpu.memory_space<vmem>>) offsets(%arg12 : memref<80xi32, #tpu.memory_space<vmem>>) semaphore(%run_scoped3A : memref<!tpu.dma_semaphore, #tpu.memory_space<semaphore_mem>>)
        %dma_wait3A = arith.constant 0 : i32
        %dma_wait3A_179 = arith.constant 0 : i32
        %dma_wait3A_180 = tpu.memref_slice %arg19[%dma_wait3A, %dma_wait3A_179] : memref<10000x128xf32, #tpu.memory_space<vmem_shared>> -> memref<10000x128xf32, #tpu.memory_space<vmem_shared>>
        tpu.wait_indirect_dma semaphore(%run_scoped3A : memref<!tpu.dma_semaphore, #tpu.memory_space<semaphore_mem>>) src(%dma_wait3A_180 : memref<10000x128xf32, #tpu.memory_space<vmem_shared>>) dst(%arg11 : memref<80x128xf32, #tpu.memory_space<vmem>>)
        tpu.yield
      }) : () -> ()
      %eq3A_166 = arith.constant 0 : i32
      %eq3A_167 = arith.cmpi eq, %arg0, %eq3A_166 : i32
      %convert_element_type3A_168 = arith.extui %eq3A_167 : i1 to i32
      %cond3A_169 = arith.constant 0 : i32
      %cond3A_170 = arith.cmpi ne, %convert_element_type3A_168, %cond3A_169 : i32
      scf.if %cond3A_170 {
        %run_scoped3A = arith.constant 1 : i32
        %run_scoped3A_177 = arith.constant 0 : i32
        "tpu.region"() ({
          %run_scoped3A_178 = tpu.sem_alloc : memref<!tpu.dma_semaphore, #tpu.memory_space<semaphore_mem>>
          %dma_start3A = arith.constant 0 : i32
          %dma_start3A_179 = tpu.memref_slice %arg7[%run_scoped3A, %run_scoped3A_177, %add3A, %dma_start3A] : memref<3x2x10000x128xf32, #tpu.memory_space<hbm>> -> memref<1x1x80x128xf32, #tpu.memory_space<hbm>>
          %dma_start3A_180 = tpu.memref_squeeze %dma_start3A_179 : memref<1x1x80x128xf32, #tpu.memory_space<hbm>> -> memref<80x128xf32, #tpu.memory_space<hbm>>
          %dma_start3A_181 = arith.constant 0 : i32
          %dma_start3A_182 = tpu.memref_slice %arg7[%run_scoped3A, %run_scoped3A_177, %add3A, %dma_start3A_181] : memref<3x2x10000x128xf32, #tpu.memory_space<hbm>> -> memref<1x1x80x128xf32, #tpu.memory_space<hbm>>
          %dma_start3A_183 = tpu.memref_squeeze %dma_start3A_182 : memref<1x1x80x128xf32, #tpu.memory_space<hbm>> -> memref<80x128xf32, #tpu.memory_space<hbm>>
          tpu.enqueue_dma source(%arg11 : memref<80x128xf32, #tpu.memory_space<vmem>>) target(%dma_start3A_183 : memref<80x128xf32, #tpu.memory_space<hbm>>) target_semaphore(%run_scoped3A_178 : memref<!tpu.dma_semaphore, #tpu.memory_space<semaphore_mem>>)
          %dma_wait3A = arith.constant 0 : i32
          %dma_wait3A_184 = tpu.memref_slice %arg7[%run_scoped3A, %run_scoped3A_177, %add3A, %dma_wait3A] : memref<3x2x10000x128xf32, #tpu.memory_space<hbm>> -> memref<1x1x80x128xf32, #tpu.memory_space<hbm>>
          %dma_wait3A_185 = tpu.memref_squeeze %dma_wait3A_184 : memref<1x1x80x128xf32, #tpu.memory_space<hbm>> -> memref<80x128xf32, #tpu.memory_space<hbm>>
          %dma_wait3A_186 = arith.constant 0 : i32
          %dma_wait3A_187 = tpu.memref_slice %arg7[%run_scoped3A, %run_scoped3A_177, %add3A, %dma_wait3A_186] : memref<3x2x10000x128xf32, #tpu.memory_space<hbm>> -> memref<1x1x80x128xf32, #tpu.memory_space<hbm>>
          %dma_wait3A_188 = tpu.memref_squeeze %dma_wait3A_187 : memref<1x1x80x128xf32, #tpu.memory_space<hbm>> -> memref<80x128xf32, #tpu.memory_space<hbm>>
          tpu.wait_dma2 semaphore(%run_scoped3A_178 : memref<!tpu.dma_semaphore, #tpu.memory_space<semaphore_mem>>) src(%arg11 : memref<80x128xf32, #tpu.memory_space<vmem>>) dst(%dma_wait3A_188 : memref<80x128xf32, #tpu.memory_space<hbm>>)
          tpu.yield
        }) : () -> ()
      } else {
      }
      %eq3A_171 = arith.constant 1 : i32
      %eq3A_172 = arith.cmpi eq, %arg0, %eq3A_171 : i32
      %convert_element_type3A_173 = arith.extui %eq3A_172 : i1 to i32
      %cond3A_174 = arith.constant 0 : i32
      %cond3A_175 = arith.cmpi ne, %convert_element_type3A_173, %cond3A_174 : i32
      scf.if %cond3A_175 {
        %run_scoped3A = arith.constant 1 : i32
        %run_scoped3A_177 = arith.constant 1 : i32
        "tpu.region"() ({
          %run_scoped3A_178 = tpu.sem_alloc : memref<!tpu.dma_semaphore, #tpu.memory_space<semaphore_mem>>
          %dma_start3A = arith.constant 0 : i32
          %dma_start3A_179 = tpu.memref_slice %arg7[%run_scoped3A, %run_scoped3A_177, %add3A, %dma_start3A] : memref<3x2x10000x128xf32, #tpu.memory_space<hbm>> -> memref<1x1x80x128xf32, #tpu.memory_space<hbm>>
          %dma_start3A_180 = tpu.memref_squeeze %dma_start3A_179 : memref<1x1x80x128xf32, #tpu.memory_space<hbm>> -> memref<80x128xf32, #tpu.memory_space<hbm>>
          %dma_start3A_181 = arith.constant 0 : i32
          %dma_start3A_182 = tpu.memref_slice %arg7[%run_scoped3A, %run_scoped3A_177, %add3A, %dma_start3A_181] : memref<3x2x10000x128xf32, #tpu.memory_space<hbm>> -> memref<1x1x80x128xf32, #tpu.memory_space<hbm>>
          %dma_start3A_183 = tpu.memref_squeeze %dma_start3A_182 : memref<1x1x80x128xf32, #tpu.memory_space<hbm>> -> memref<80x128xf32, #tpu.memory_space<hbm>>
          tpu.enqueue_dma source(%arg11 : memref<80x128xf32, #tpu.memory_space<vmem>>) target(%dma_start3A_183 : memref<80x128xf32, #tpu.memory_space<hbm>>) target_semaphore(%run_scoped3A_178 : memref<!tpu.dma_semaphore, #tpu.memory_space<semaphore_mem>>)
          %dma_wait3A = arith.constant 0 : i32
          %dma_wait3A_184 = tpu.memref_slice %arg7[%run_scoped3A, %run_scoped3A_177, %add3A, %dma_wait3A] : memref<3x2x10000x128xf32, #tpu.memory_space<hbm>> -> memref<1x1x80x128xf32, #tpu.memory_space<hbm>>
          %dma_wait3A_185 = tpu.memref_squeeze %dma_wait3A_184 : memref<1x1x80x128xf32, #tpu.memory_space<hbm>> -> memref<80x128xf32, #tpu.memory_space<hbm>>
          %dma_wait3A_186 = arith.constant 0 : i32
          %dma_wait3A_187 = tpu.memref_slice %arg7[%run_scoped3A, %run_scoped3A_177, %add3A, %dma_wait3A_186] : memref<3x2x10000x128xf32, #tpu.memory_space<hbm>> -> memref<1x1x80x128xf32, #tpu.memory_space<hbm>>
          %dma_wait3A_188 = tpu.memref_squeeze %dma_wait3A_187 : memref<1x1x80x128xf32, #tpu.memory_space<hbm>> -> memref<80x128xf32, #tpu.memory_space<hbm>>
          tpu.wait_dma2 semaphore(%run_scoped3A_178 : memref<!tpu.dma_semaphore, #tpu.memory_space<semaphore_mem>>) src(%arg11 : memref<80x128xf32, #tpu.memory_space<vmem>>) dst(%dma_wait3A_188 : memref<80x128xf32, #tpu.memory_space<hbm>>)
          tpu.yield
        }) : () -> ()
      } else {
      }
      %while3A_176 = arith.constant 0 : i32
      scf.yield %while3A_176 : i32
    }
    %eq3A_112 = arith.constant 0 : i32
    %eq3A_113 = arith.cmpi eq, %arg0, %eq3A_112 : i32
    %convert_element_type3A_114 = arith.extui %eq3A_113 : i1 to i32
    %cond3A_115 = arith.constant 0 : i32
    %cond3A_116 = arith.cmpi ne, %convert_element_type3A_114, %cond3A_115 : i32
    scf.if %cond3A_116 {
      %iota3A_162 = tpu.iota {dimensions = array<i32: 0>} : vector<16xi32>
      %broadcast_in_dim3A_163 = arith.constant 0 : i32
      %broadcast_in_dim3A_164 = vector.broadcast %broadcast_in_dim3A_163 : i32 to vector<16xi32>
      %mul3A_165 = arith.constant 5 : i32
      %mul3A_166 = arith.muli %select_n3A_31, %mul3A_165 : i32
      %while3A_167 = arith.constant 0 : i32
      %while3A_168 = arith.constant 0 : i32
      %while3A_169 = arith.subi %mul3A_166, %while3A_167 : i32
      %while3A_170 = arith.addi %while3A_167, %while3A_169 : i32
      %while3A_171 = arith.constant 1 : i32
      %while3A_172 = arith.divsi %while3A_169, %while3A_171 : i32
      %while3A_173 = arith.muli %while3A_172, %while3A_171 : i32
      %while3A_174 = arith.addi %while3A_167, %while3A_173 : i32
      %while3A_175 = arith.constant 1 : i32
      %while3A_176 = scf.for %while3A_188 = %while3A_167 to %while3A_174 step %while3A_175 iter_args(%while3A_189 = %while3A_168) -> (i32)  : i32 {
        %mul3A_190 = arith.constant 16 : i32
        %mul3A_191 = arith.muli %while3A_188, %mul3A_190 : i32
        %add3A = arith.addi %mul3A_26, %mul3A_191 : i32
        "tpu.region"() ({
          %run_scoped3A = tpu.sem_alloc : memref<!tpu.dma_semaphore, #tpu.memory_space<semaphore_mem>>
          %dma_start3A = tpu.memref_slice %arg6[%add3A] : memref<10240xi32, #tpu.memory_space<hbm>> -> memref<16xi32, #tpu.memory_space<hbm>>
          %dma_start3A_196 = tpu.memref_slice %arg6[%add3A] : memref<10240xi32, #tpu.memory_space<hbm>> -> memref<16xi32, #tpu.memory_space<hbm>>
          tpu.enqueue_dma source(%dma_start3A_196 : memref<16xi32, #tpu.memory_space<hbm>>) target(%arg13 : memref<16xi32, #tpu.memory_space<vmem>>) target_semaphore(%run_scoped3A : memref<!tpu.dma_semaphore, #tpu.memory_space<semaphore_mem>>)
          %dma_wait3A = tpu.memref_slice %arg6[%add3A] : memref<10240xi32, #tpu.memory_space<hbm>> -> memref<16xi32, #tpu.memory_space<hbm>>
          %dma_wait3A_197 = tpu.memref_slice %arg6[%add3A] : memref<10240xi32, #tpu.memory_space<hbm>> -> memref<16xi32, #tpu.memory_space<hbm>>
          tpu.wait_dma2 semaphore(%run_scoped3A : memref<!tpu.dma_semaphore, #tpu.memory_space<semaphore_mem>>) src(%dma_wait3A_197 : memref<16xi32, #tpu.memory_space<hbm>>) dst(%arg13 : memref<16xi32, #tpu.memory_space<vmem>>)
          tpu.yield
        }) : () -> ()
        "tpu.region"() ({
          %run_scoped3A = tpu.sem_alloc : memref<!tpu.dma_semaphore, #tpu.memory_space<semaphore_mem>>
          %dma_start3A = arith.constant 0 : i32
          %dma_start3A_196 = arith.constant 0 : i32
          %dma_start3A_197 = tpu.memref_slice %arg20[%dma_start3A, %dma_start3A_196] : memref<10000x16xf32, #tpu.memory_space<vmem_shared>> -> memref<10000x16xf32, #tpu.memory_space<vmem_shared>>
          tpu.enqueue_indirect_dma source(%dma_start3A_197 : memref<10000x16xf32, #tpu.memory_space<vmem_shared>>) target(%arg17 : memref<16x16xf32, #tpu.memory_space<vmem>>) offsets(%arg13 : memref<16xi32, #tpu.memory_space<vmem>>) semaphore(%run_scoped3A : memref<!tpu.dma_semaphore, #tpu.memory_space<semaphore_mem>>)
          %dma_wait3A = arith.constant 0 : i32
          %dma_wait3A_198 = arith.constant 0 : i32
          %dma_wait3A_199 = tpu.memref_slice %arg20[%dma_wait3A, %dma_wait3A_198] : memref<10000x16xf32, #tpu.memory_space<vmem_shared>> -> memref<10000x16xf32, #tpu.memory_space<vmem_shared>>
          tpu.wait_indirect_dma semaphore(%run_scoped3A : memref<!tpu.dma_semaphore, #tpu.memory_space<semaphore_mem>>) src(%dma_wait3A_199 : memref<10000x16xf32, #tpu.memory_space<vmem_shared>>) dst(%arg17 : memref<16x16xf32, #tpu.memory_space<vmem>>)
          tpu.yield
        }) : () -> ()
        %gather3A = tpu.vector_load_idx %arg17[%iota3A_162, %broadcast_in_dim3A_164] : memref<16x16xf32, #tpu.memory_space<vmem>>[vector<16xi32>, vector<16xi32>], vector<16xf32>,
        %mul3A_192 = arith.constant 16 : i32
        %mul3A_193 = arith.muli %while3A_188, %mul3A_192 : i32
        %swap3A = arith.index_cast %mul3A_193 : i32 to index
        %swap3A_194 = tpu.vector_load %arg18[%swap3A] {strides = array<i32>} : memref<640xf32, #tpu.memory_space<vmem>>, vector<16xf32>,
        tpu.vector_store %arg18[%swap3A], %gather3A {strides = array<i32>} : memref<640xf32, #tpu.memory_space<vmem>>, vector<16xf32>,
        %while3A_195 = arith.constant 0 : i32
        scf.yield %while3A_195 : i32
      }
      %while3A_177 = arith.constant 1 : i32
      %while3A_178 = scf.for %while3A_188 = %while3A_174 to %while3A_170 step %while3A_177 iter_args(%while3A_189 = %while3A_176) -> (i32)  : i32 {
        %mul3A_190 = arith.constant 16 : i32
        %mul3A_191 = arith.muli %while3A_188, %mul3A_190 : i32
        %add3A = arith.addi %mul3A_26, %mul3A_191 : i32
        "tpu.region"() ({
          %run_scoped3A = tpu.sem_alloc : memref<!tpu.dma_semaphore, #tpu.memory_space<semaphore_mem>>
          %dma_start3A = tpu.memref_slice %arg6[%add3A] : memref<10240xi32, #tpu.memory_space<hbm>> -> memref<16xi32, #tpu.memory_space<hbm>>
          %dma_start3A_196 = tpu.memref_slice %arg6[%add3A] : memref<10240xi32, #tpu.memory_space<hbm>> -> memref<16xi32, #tpu.memory_space<hbm>>
          tpu.enqueue_dma source(%dma_start3A_196 : memref<16xi32, #tpu.memory_space<hbm>>) target(%arg13 : memref<16xi32, #tpu.memory_space<vmem>>) target_semaphore(%run_scoped3A : memref<!tpu.dma_semaphore, #tpu.memory_space<semaphore_mem>>)
          %dma_wait3A = tpu.memref_slice %arg6[%add3A] : memref<10240xi32, #tpu.memory_space<hbm>> -> memref<16xi32, #tpu.memory_space<hbm>>
          %dma_wait3A_197 = tpu.memref_slice %arg6[%add3A] : memref<10240xi32, #tpu.memory_space<hbm>> -> memref<16xi32, #tpu.memory_space<hbm>>
          tpu.wait_dma2 semaphore(%run_scoped3A : memref<!tpu.dma_semaphore, #tpu.memory_space<semaphore_mem>>) src(%dma_wait3A_197 : memref<16xi32, #tpu.memory_space<hbm>>) dst(%arg13 : memref<16xi32, #tpu.memory_space<vmem>>)
          tpu.yield
        }) : () -> ()
        "tpu.region"() ({
          %run_scoped3A = tpu.sem_alloc : memref<!tpu.dma_semaphore, #tpu.memory_space<semaphore_mem>>
          %dma_start3A = arith.constant 0 : i32
          %dma_start3A_196 = arith.constant 0 : i32
          %dma_start3A_197 = tpu.memref_slice %arg20[%dma_start3A, %dma_start3A_196] : memref<10000x16xf32, #tpu.memory_space<vmem_shared>> -> memref<10000x16xf32, #tpu.memory_space<vmem_shared>>
          tpu.enqueue_indirect_dma source(%dma_start3A_197 : memref<10000x16xf32, #tpu.memory_space<vmem_shared>>) target(%arg17 : memref<16x16xf32, #tpu.memory_space<vmem>>) offsets(%arg13 : memref<16xi32, #tpu.memory_space<vmem>>) semaphore(%run_scoped3A : memref<!tpu.dma_semaphore, #tpu.memory_space<semaphore_mem>>)
          %dma_wait3A = arith.constant 0 : i32
          %dma_wait3A_198 = arith.constant 0 : i32
          %dma_wait3A_199 = tpu.memref_slice %arg20[%dma_wait3A, %dma_wait3A_198] : memref<10000x16xf32, #tpu.memory_space<vmem_shared>> -> memref<10000x16xf32, #tpu.memory_space<vmem_shared>>
          tpu.wait_indirect_dma semaphore(%run_scoped3A : memref<!tpu.dma_semaphore, #tpu.memory_space<semaphore_mem>>) src(%dma_wait3A_199 : memref<10000x16xf32, #tpu.memory_space<vmem_shared>>) dst(%arg17 : memref<16x16xf32, #tpu.memory_space<vmem>>)
          tpu.yield
        }) : () -> ()
        %gather3A = tpu.vector_load_idx %arg17[%iota3A_162, %broadcast_in_dim3A_164] : memref<16x16xf32, #tpu.memory_space<vmem>>[vector<16xi32>, vector<16xi32>], vector<16xf32>,
        %mul3A_192 = arith.constant 16 : i32
        %mul3A_193 = arith.muli %while3A_188, %mul3A_192 : i32
        %swap3A = arith.index_cast %mul3A_193 : i32 to index
        %swap3A_194 = tpu.vector_load %arg18[%swap3A] {strides = array<i32>} : memref<640xf32, #tpu.memory_space<vmem>>, vector<16xf32>,
        tpu.vector_store %arg18[%swap3A], %gather3A {strides = array<i32>} : memref<640xf32, #tpu.memory_space<vmem>>, vector<16xf32>,
        %while3A_195 = arith.constant 0 : i32
        scf.yield %while3A_195 : i32
      }
      %lt3A = arith.constant 15 : i32
      %lt3A_179 = arith.cmpi slt, %arg1, %lt3A : i32
      %convert_element_type3A_180 = arith.extui %lt3A_179 : i1 to i32
      %cond3A_181 = arith.constant 0 : i32
      %cond3A_182 = arith.cmpi ne, %convert_element_type3A_180, %cond3A_181 : i32
      scf.if %cond3A_182 {
        %add3A = arith.constant 10000 : i32
        %add3A_188 = arith.addi %add3A, %mul3A_26 : i32
        "tpu.region"() ({
          %run_scoped3A = tpu.sem_alloc : memref<!tpu.dma_semaphore, #tpu.memory_space<semaphore_mem>>
          %dma_start3A = tpu.memref_slice %arg8[%add3A_188] : memref<30000xf32, #tpu.memory_space<hbm>> -> memref<640xf32, #tpu.memory_space<hbm>>
          %dma_start3A_189 = tpu.memref_slice %arg8[%add3A_188] : memref<30000xf32, #tpu.memory_space<hbm>> -> memref<640xf32, #tpu.memory_space<hbm>>
          tpu.enqueue_dma source(%arg18 : memref<640xf32, #tpu.memory_space<vmem>>) target(%dma_start3A_189 : memref<640xf32, #tpu.memory_space<hbm>>) target_semaphore(%run_scoped3A : memref<!tpu.dma_semaphore, #tpu.memory_space<semaphore_mem>>)
          %dma_wait3A = tpu.memref_slice %arg8[%add3A_188] : memref<30000xf32, #tpu.memory_space<hbm>> -> memref<640xf32, #tpu.memory_space<hbm>>
          %dma_wait3A_190 = tpu.memref_slice %arg8[%add3A_188] : memref<30000xf32, #tpu.memory_space<hbm>> -> memref<640xf32, #tpu.memory_space<hbm>>
          tpu.wait_dma2 semaphore(%run_scoped3A : memref<!tpu.dma_semaphore, #tpu.memory_space<semaphore_mem>>) src(%arg18 : memref<640xf32, #tpu.memory_space<vmem>>) dst(%dma_wait3A_190 : memref<640xf32, #tpu.memory_space<hbm>>)
          tpu.yield
        }) : () -> ()
      } else {
      }
      %eq3A_183 = arith.constant 15 : i32
      %eq3A_184 = arith.cmpi eq, %arg1, %eq3A_183 : i32
      %convert_element_type3A_185 = arith.extui %eq3A_184 : i1 to i32
      %cond3A_186 = arith.constant 0 : i32
      %cond3A_187 = arith.cmpi ne, %convert_element_type3A_185, %cond3A_186 : i32
      scf.if %cond3A_187 {
        %add3A = arith.constant 10000 : i32
        %add3A_188 = arith.addi %add3A, %mul3A_26 : i32
        "tpu.region"() ({
          %run_scoped3A = tpu.sem_alloc : memref<!tpu.dma_semaphore, #tpu.memory_space<semaphore_mem>>
          %dma_start3A = arith.constant 0 : i32
          %dma_start3A_189 = tpu.memref_slice %arg18[%dma_start3A] : memref<640xf32, #tpu.memory_space<vmem>> -> memref<400xf32, #tpu.memory_space<vmem>>
          %dma_start3A_190 = tpu.memref_slice %arg8[%add3A_188] : memref<30000xf32, #tpu.memory_space<hbm>> -> memref<400xf32, #tpu.memory_space<hbm>>
          %dma_start3A_191 = tpu.memref_slice %arg8[%add3A_188] : memref<30000xf32, #tpu.memory_space<hbm>> -> memref<400xf32, #tpu.memory_space<hbm>>
          %dma_start3A_192 = arith.constant 0 : i32
          %dma_start3A_193 = tpu.memref_slice %arg18[%dma_start3A_192] : memref<640xf32, #tpu.memory_space<vmem>> -> memref<400xf32, #tpu.memory_space<vmem>>
          tpu.enqueue_dma source(%dma_start3A_193 : memref<400xf32, #tpu.memory_space<vmem>>) target(%dma_start3A_191 : memref<400xf32, #tpu.memory_space<hbm>>) target_semaphore(%run_scoped3A : memref<!tpu.dma_semaphore, #tpu.memory_space<semaphore_mem>>)
          %dma_wait3A = arith.constant 0 : i32
          %dma_wait3A_194 = tpu.memref_slice %arg18[%dma_wait3A] : memref<640xf32, #tpu.memory_space<vmem>> -> memref<400xf32, #tpu.memory_space<vmem>>
          %dma_wait3A_195 = tpu.memref_slice %arg8[%add3A_188] : memref<30000xf32, #tpu.memory_space<hbm>> -> memref<400xf32, #tpu.memory_space<hbm>>
          %dma_wait3A_196 = tpu.memref_slice %arg8[%add3A_188] : memref<30000xf32, #tpu.memory_space<hbm>> -> memref<400xf32, #tpu.memory_space<hbm>>
          %dma_wait3A_197 = arith.constant 0 : i32
          %dma_wait3A_198 = tpu.memref_slice %arg18[%dma_wait3A_197] : memref<640xf32, #tpu.memory_space<vmem>> -> memref<400xf32, #tpu.memory_space<vmem>>
          tpu.wait_dma2 semaphore(%run_scoped3A : memref<!tpu.dma_semaphore, #tpu.memory_space<semaphore_mem>>) src(%dma_wait3A_198 : memref<400xf32, #tpu.memory_space<vmem>>) dst(%dma_wait3A_196 : memref<400xf32, #tpu.memory_space<hbm>>)
          tpu.yield
        }) : () -> ()
      } else {
      }
    } else {
    }
    %barrier3A_117 = arith.constant 0 : index
    tpu.barrier barrier_id(%barrier3A_117)
    %while3A_118 = arith.constant 0 : i32
    %while3A_119 = arith.constant 0 : i32
    %while3A_120 = arith.subi %select_n3A_31, %while3A_118 : i32
    %while3A_121 = arith.addi %while3A_118, %while3A_120 : i32
    %while3A_122 = arith.constant 1 : i32
    %while3A_123 = arith.divsi %while3A_120, %while3A_122 : i32
    %while3A_124 = arith.muli %while3A_123, %while3A_122 : i32
    %while3A_125 = arith.addi %while3A_118, %while3A_124 : i32
    %while3A_126 = arith.constant 1 : i32
    %while3A_127 = scf.for %while3A_162 = %while3A_118 to %while3A_125 step %while3A_126 iter_args(%while3A_163 = %while3A_119) -> (i32)  : i32 {
      %mul3A_164 = arith.constant 80 : i32
      %mul3A_165 = arith.muli %while3A_162, %mul3A_164 : i32
      %add3A = arith.addi %mul3A_26, %mul3A_165 : i32
      "tpu.region"() ({
        %run_scoped3A = tpu.sem_alloc : memref<!tpu.dma_semaphore, #tpu.memory_space<semaphore_mem>>
        %dma_start3A = tpu.memref_slice %arg6[%add3A] : memref<10240xi32, #tpu.memory_space<hbm>> -> memref<80xi32, #tpu.memory_space<hbm>>
        %dma_start3A_167 = tpu.memref_slice %arg6[%add3A] : memref<10240xi32, #tpu.memory_space<hbm>> -> memref<80xi32, #tpu.memory_space<hbm>>
        tpu.enqueue_dma source(%dma_start3A_167 : memref<80xi32, #tpu.memory_space<hbm>>) target(%arg12 : memref<80xi32, #tpu.memory_space<vmem>>) target_semaphore(%run_scoped3A : memref<!tpu.dma_semaphore, #tpu.memory_space<semaphore_mem>>)
        %dma_wait3A = tpu.memref_slice %arg6[%add3A] : memref<10240xi32, #tpu.memory_space<hbm>> -> memref<80xi32, #tpu.memory_space<hbm>>
        %dma_wait3A_168 = tpu.memref_slice %arg6[%add3A] : memref<10240xi32, #tpu.memory_space<hbm>> -> memref<80xi32, #tpu.memory_space<hbm>>
        tpu.wait_dma2 semaphore(%run_scoped3A : memref<!tpu.dma_semaphore, #tpu.memory_space<semaphore_mem>>) src(%dma_wait3A_168 : memref<80xi32, #tpu.memory_space<hbm>>) dst(%arg12 : memref<80xi32, #tpu.memory_space<vmem>>)
        tpu.yield
      }) : () -> ()
      "tpu.region"() ({
        %run_scoped3A = tpu.sem_alloc : memref<!tpu.dma_semaphore, #tpu.memory_space<semaphore_mem>>
        %dma_start3A = arith.constant 0 : i32
        %dma_start3A_167 = arith.constant 0 : i32
        %dma_start3A_168 = tpu.memref_slice %arg19[%dma_start3A, %dma_start3A_167] : memref<10000x128xf32, #tpu.memory_space<vmem_shared>> -> memref<10000x128xf32, #tpu.memory_space<vmem_shared>>
        tpu.enqueue_indirect_dma source(%arg14 : memref<80x128xf32, #tpu.memory_space<vmem>>) target(%dma_start3A_168 : memref<10000x128xf32, #tpu.memory_space<vmem_shared>>) offsets(%arg12 : memref<80xi32, #tpu.memory_space<vmem>>) semaphore(%run_scoped3A : memref<!tpu.dma_semaphore, #tpu.memory_space<semaphore_mem>>)
        %dma_wait3A = arith.constant 0 : i32
        %dma_wait3A_169 = arith.constant 0 : i32
        %dma_wait3A_170 = tpu.memref_slice %arg19[%dma_wait3A, %dma_wait3A_169] : memref<10000x128xf32, #tpu.memory_space<vmem_shared>> -> memref<10000x128xf32, #tpu.memory_space<vmem_shared>>
        tpu.wait_indirect_dma semaphore(%run_scoped3A : memref<!tpu.dma_semaphore, #tpu.memory_space<semaphore_mem>>) src(%arg14 : memref<80x128xf32, #tpu.memory_space<vmem>>) dst(%dma_wait3A_170 : memref<10000x128xf32, #tpu.memory_space<vmem_shared>>)
        tpu.yield
      }) : () -> ()
      %while3A_166 = arith.constant 0 : i32
      scf.yield %while3A_166 : i32
    }
    %while3A_128 = arith.constant 1 : i32
    %while3A_129 = scf.for %while3A_162 = %while3A_125 to %while3A_121 step %while3A_128 iter_args(%while3A_163 = %while3A_127) -> (i32)  : i32 {
      %mul3A_164 = arith.constant 80 : i32
      %mul3A_165 = arith.muli %while3A_162, %mul3A_164 : i32
      %add3A = arith.addi %mul3A_26, %mul3A_165 : i32
      "tpu.region"() ({
        %run_scoped3A = tpu.sem_alloc : memref<!tpu.dma_semaphore, #tpu.memory_space<semaphore_mem>>
        %dma_start3A = tpu.memref_slice %arg6[%add3A] : memref<10240xi32, #tpu.memory_space<hbm>> -> memref<80xi32, #tpu.memory_space<hbm>>
        %dma_start3A_167 = tpu.memref_slice %arg6[%add3A] : memref<10240xi32, #tpu.memory_space<hbm>> -> memref<80xi32, #tpu.memory_space<hbm>>
        tpu.enqueue_dma source(%dma_start3A_167 : memref<80xi32, #tpu.memory_space<hbm>>) target(%arg12 : memref<80xi32, #tpu.memory_space<vmem>>) target_semaphore(%run_scoped3A : memref<!tpu.dma_semaphore, #tpu.memory_space<semaphore_mem>>)
        %dma_wait3A = tpu.memref_slice %arg6[%add3A] : memref<10240xi32, #tpu.memory_space<hbm>> -> memref<80xi32, #tpu.memory_space<hbm>>
        %dma_wait3A_168 = tpu.memref_slice %arg6[%add3A] : memref<10240xi32, #tpu.memory_space<hbm>> -> memref<80xi32, #tpu.memory_space<hbm>>
        tpu.wait_dma2 semaphore(%run_scoped3A : memref<!tpu.dma_semaphore, #tpu.memory_space<semaphore_mem>>) src(%dma_wait3A_168 : memref<80xi32, #tpu.memory_space<hbm>>) dst(%arg12 : memref<80xi32, #tpu.memory_space<vmem>>)
        tpu.yield
      }) : () -> ()
      "tpu.region"() ({
        %run_scoped3A = tpu.sem_alloc : memref<!tpu.dma_semaphore, #tpu.memory_space<semaphore_mem>>
        %dma_start3A = arith.constant 0 : i32
        %dma_start3A_167 = arith.constant 0 : i32
        %dma_start3A_168 = tpu.memref_slice %arg19[%dma_start3A, %dma_start3A_167] : memref<10000x128xf32, #tpu.memory_space<vmem_shared>> -> memref<10000x128xf32, #tpu.memory_space<vmem_shared>>
        tpu.enqueue_indirect_dma source(%arg14 : memref<80x128xf32, #tpu.memory_space<vmem>>) target(%dma_start3A_168 : memref<10000x128xf32, #tpu.memory_space<vmem_shared>>) offsets(%arg12 : memref<80xi32, #tpu.memory_space<vmem>>) semaphore(%run_scoped3A : memref<!tpu.dma_semaphore, #tpu.memory_space<semaphore_mem>>)
        %dma_wait3A = arith.constant 0 : i32
        %dma_wait3A_169 = arith.constant 0 : i32
        %dma_wait3A_170 = tpu.memref_slice %arg19[%dma_wait3A, %dma_wait3A_169] : memref<10000x128xf32, #tpu.memory_space<vmem_shared>> -> memref<10000x128xf32, #tpu.memory_space<vmem_shared>>
        tpu.wait_indirect_dma semaphore(%run_scoped3A : memref<!tpu.dma_semaphore, #tpu.memory_space<semaphore_mem>>) src(%arg14 : memref<80x128xf32, #tpu.memory_space<vmem>>) dst(%dma_wait3A_170 : memref<10000x128xf32, #tpu.memory_space<vmem_shared>>)
        tpu.yield
      }) : () -> ()
      %while3A_166 = arith.constant 0 : i32
      scf.yield %while3A_166 : i32
    }
    %eq3A_130 = arith.constant 0 : i32
    %eq3A_131 = arith.cmpi eq, %arg0, %eq3A_130 : i32
    %convert_element_type3A_132 = arith.extui %eq3A_131 : i1 to i32
    %cond3A_133 = arith.constant 0 : i32
    %cond3A_134 = arith.cmpi ne, %convert_element_type3A_132, %cond3A_133 : i32
    scf.if %cond3A_134 {
      %mul3A_162 = arith.constant 5 : i32
      %mul3A_163 = arith.muli %select_n3A_31, %mul3A_162 : i32
      %while3A_164 = arith.constant 0 : i32
      %while3A_165 = arith.constant 0 : i32
      %while3A_166 = arith.subi %mul3A_163, %while3A_164 : i32
      %while3A_167 = arith.addi %while3A_164, %while3A_166 : i32
      %while3A_168 = arith.constant 1 : i32
      %while3A_169 = arith.divsi %while3A_166, %while3A_168 : i32
      %while3A_170 = arith.muli %while3A_169, %while3A_168 : i32
      %while3A_171 = arith.addi %while3A_164, %while3A_170 : i32
      %while3A_172 = arith.constant 1 : i32
      %while3A_173 = scf.for %while3A_176 = %while3A_164 to %while3A_171 step %while3A_172 iter_args(%while3A_177 = %while3A_165) -> (i32)  : i32 {
        %mul3A_178 = arith.constant 16 : i32
        %mul3A_179 = arith.muli %while3A_176, %mul3A_178 : i32
        %add3A = arith.addi %mul3A_26, %mul3A_179 : i32
        "tpu.region"() ({
          %run_scoped3A = tpu.sem_alloc : memref<!tpu.dma_semaphore, #tpu.memory_space<semaphore_mem>>
          %dma_start3A = tpu.memref_slice %arg6[%add3A] : memref<10240xi32, #tpu.memory_space<hbm>> -> memref<16xi32, #tpu.memory_space<hbm>>
          %dma_start3A_181 = tpu.memref_slice %arg6[%add3A] : memref<10240xi32, #tpu.memory_space<hbm>> -> memref<16xi32, #tpu.memory_space<hbm>>
          tpu.enqueue_dma source(%dma_start3A_181 : memref<16xi32, #tpu.memory_space<hbm>>) target(%arg13 : memref<16xi32, #tpu.memory_space<vmem>>) target_semaphore(%run_scoped3A : memref<!tpu.dma_semaphore, #tpu.memory_space<semaphore_mem>>)
          %dma_wait3A = tpu.memref_slice %arg6[%add3A] : memref<10240xi32, #tpu.memory_space<hbm>> -> memref<16xi32, #tpu.memory_space<hbm>>
          %dma_wait3A_182 = tpu.memref_slice %arg6[%add3A] : memref<10240xi32, #tpu.memory_space<hbm>> -> memref<16xi32, #tpu.memory_space<hbm>>
          tpu.wait_dma2 semaphore(%run_scoped3A : memref<!tpu.dma_semaphore, #tpu.memory_space<semaphore_mem>>) src(%dma_wait3A_182 : memref<16xi32, #tpu.memory_space<hbm>>) dst(%arg13 : memref<16xi32, #tpu.memory_space<vmem>>)
          tpu.yield
        }) : () -> ()
        "tpu.region"() ({
          %run_scoped3A = tpu.sem_alloc : memref<!tpu.dma_semaphore, #tpu.memory_space<semaphore_mem>>
          %dma_start3A = arith.constant 0 : i32
          %dma_start3A_181 = arith.constant 0 : i32
          %dma_start3A_182 = tpu.memref_slice %arg20[%dma_start3A, %dma_start3A_181] : memref<10000x16xf32, #tpu.memory_space<vmem_shared>> -> memref<10000x16xf32, #tpu.memory_space<vmem_shared>>
          tpu.enqueue_indirect_dma source(%arg15 : memref<16x16xf32, #tpu.memory_space<vmem>>) target(%dma_start3A_182 : memref<10000x16xf32, #tpu.memory_space<vmem_shared>>) offsets(%arg13 : memref<16xi32, #tpu.memory_space<vmem>>) semaphore(%run_scoped3A : memref<!tpu.dma_semaphore, #tpu.memory_space<semaphore_mem>>)
          %dma_wait3A = arith.constant 0 : i32
          %dma_wait3A_183 = arith.constant 0 : i32
          %dma_wait3A_184 = tpu.memref_slice %arg20[%dma_wait3A, %dma_wait3A_183] : memref<10000x16xf32, #tpu.memory_space<vmem_shared>> -> memref<10000x16xf32, #tpu.memory_space<vmem_shared>>
          tpu.wait_indirect_dma semaphore(%run_scoped3A : memref<!tpu.dma_semaphore, #tpu.memory_space<semaphore_mem>>) src(%arg15 : memref<16x16xf32, #tpu.memory_space<vmem>>) dst(%dma_wait3A_184 : memref<10000x16xf32, #tpu.memory_space<vmem_shared>>)
          tpu.yield
        }) : () -> ()
        %while3A_180 = arith.constant 0 : i32
        scf.yield %while3A_180 : i32
      }
      %while3A_174 = arith.constant 1 : i32
      %while3A_175 = scf.for %while3A_176 = %while3A_171 to %while3A_167 step %while3A_174 iter_args(%while3A_177 = %while3A_173) -> (i32)  : i32 {
        %mul3A_178 = arith.constant 16 : i32
        %mul3A_179 = arith.muli %while3A_176, %mul3A_178 : i32
        %add3A = arith.addi %mul3A_26, %mul3A_179 : i32
        "tpu.region"() ({
          %run_scoped3A = tpu.sem_alloc : memref<!tpu.dma_semaphore, #tpu.memory_space<semaphore_mem>>
          %dma_start3A = tpu.memref_slice %arg6[%add3A] : memref<10240xi32, #tpu.memory_space<hbm>> -> memref<16xi32, #tpu.memory_space<hbm>>
          %dma_start3A_181 = tpu.memref_slice %arg6[%add3A] : memref<10240xi32, #tpu.memory_space<hbm>> -> memref<16xi32, #tpu.memory_space<hbm>>
          tpu.enqueue_dma source(%dma_start3A_181 : memref<16xi32, #tpu.memory_space<hbm>>) target(%arg13 : memref<16xi32, #tpu.memory_space<vmem>>) target_semaphore(%run_scoped3A : memref<!tpu.dma_semaphore, #tpu.memory_space<semaphore_mem>>)
          %dma_wait3A = tpu.memref_slice %arg6[%add3A] : memref<10240xi32, #tpu.memory_space<hbm>> -> memref<16xi32, #tpu.memory_space<hbm>>
          %dma_wait3A_182 = tpu.memref_slice %arg6[%add3A] : memref<10240xi32, #tpu.memory_space<hbm>> -> memref<16xi32, #tpu.memory_space<hbm>>
          tpu.wait_dma2 semaphore(%run_scoped3A : memref<!tpu.dma_semaphore, #tpu.memory_space<semaphore_mem>>) src(%dma_wait3A_182 : memref<16xi32, #tpu.memory_space<hbm>>) dst(%arg13 : memref<16xi32, #tpu.memory_space<vmem>>)
          tpu.yield
        }) : () -> ()
        "tpu.region"() ({
          %run_scoped3A = tpu.sem_alloc : memref<!tpu.dma_semaphore, #tpu.memory_space<semaphore_mem>>
          %dma_start3A = arith.constant 0 : i32
          %dma_start3A_181 = arith.constant 0 : i32
          %dma_start3A_182 = tpu.memref_slice %arg20[%dma_start3A, %dma_start3A_181] : memref<10000x16xf32, #tpu.memory_space<vmem_shared>> -> memref<10000x16xf32, #tpu.memory_space<vmem_shared>>
          tpu.enqueue_indirect_dma source(%arg15 : memref<16x16xf32, #tpu.memory_space<vmem>>) target(%dma_start3A_182 : memref<10000x16xf32, #tpu.memory_space<vmem_shared>>) offsets(%arg13 : memref<16xi32, #tpu.memory_space<vmem>>) semaphore(%run_scoped3A : memref<!tpu.dma_semaphore, #tpu.memory_space<semaphore_mem>>)
          %dma_wait3A = arith.constant 0 : i32
          %dma_wait3A_183 = arith.constant 0 : i32
          %dma_wait3A_184 = tpu.memref_slice %arg20[%dma_wait3A, %dma_wait3A_183] : memref<10000x16xf32, #tpu.memory_space<vmem_shared>> -> memref<10000x16xf32, #tpu.memory_space<vmem_shared>>
          tpu.wait_indirect_dma semaphore(%run_scoped3A : memref<!tpu.dma_semaphore, #tpu.memory_space<semaphore_mem>>) src(%arg15 : memref<16x16xf32, #tpu.memory_space<vmem>>) dst(%dma_wait3A_184 : memref<10000x16xf32, #tpu.memory_space<vmem_shared>>)
          tpu.yield
        }) : () -> ()
        %while3A_180 = arith.constant 0 : i32
        scf.yield %while3A_180 : i32
      }
    } else {
    }
    %barrier3A_135 = arith.constant 0 : index
    tpu.barrier barrier_id(%barrier3A_135)
    %scan3A_136 = arith.constant 0 : i32
    %scan3A_137 = arith.constant 0 : i32
    %scan3A_138 = arith.constant 125 : i32
    %scan3A_139 = arith.addi %scan3A_137, %scan3A_138 : i32
    %scan3A_140 = arith.constant 1 : i32
    %scan3A_141 = scf.for %scan3A_162 = %scan3A_137 to %scan3A_139 step %scan3A_140 iter_args(%scan3A_163 = %scan3A_136) -> (i32)  : i32 {
      %add3A = arith.constant 320000 : i32
      %add3A_164 = arith.addi %add3A, %mul3A_33 : i32
      %mul3A_165 = arith.constant 80 : i32
      %mul3A_166 = arith.muli %scan3A_162, %mul3A_165 : i32
      %add3A_167 = arith.addi %add3A_164, %mul3A_166 : i32
      "tpu.region"() ({
        %run_scoped3A = tpu.sem_alloc : memref<!tpu.dma_semaphore, #tpu.memory_space<semaphore_mem>>
        %dma_start3A = tpu.memref_slice %arg4[%add3A_167] : memref<480000xi32, #tpu.memory_space<hbm>> -> memref<80xi32, #tpu.memory_space<hbm>>
        %dma_start3A_184 = tpu.memref_slice %arg4[%add3A_167] : memref<480000xi32, #tpu.memory_space<hbm>> -> memref<80xi32, #tpu.memory_space<hbm>>
        tpu.enqueue_dma source(%dma_start3A_184 : memref<80xi32, #tpu.memory_space<hbm>>) target(%arg9 : memref<80xi32, #tpu.memory_space<vmem>>) target_semaphore(%run_scoped3A : memref<!tpu.dma_semaphore, #tpu.memory_space<semaphore_mem>>)
        %dma_wait3A = tpu.memref_slice %arg4[%add3A_167] : memref<480000xi32, #tpu.memory_space<hbm>> -> memref<80xi32, #tpu.memory_space<hbm>>
        %dma_wait3A_185 = tpu.memref_slice %arg4[%add3A_167] : memref<480000xi32, #tpu.memory_space<hbm>> -> memref<80xi32, #tpu.memory_space<hbm>>
        tpu.wait_dma2 semaphore(%run_scoped3A : memref<!tpu.dma_semaphore, #tpu.memory_space<semaphore_mem>>) src(%dma_wait3A_185 : memref<80xi32, #tpu.memory_space<hbm>>) dst(%arg9 : memref<80xi32, #tpu.memory_space<vmem>>)
        tpu.yield
      }) : () -> ()
      "tpu.region"() ({
        %run_scoped3A = tpu.sem_alloc : memref<!tpu.dma_semaphore, #tpu.memory_space<semaphore_mem>>
        %dma_start3A = tpu.memref_slice %arg5[%add3A_167] : memref<480000xi32, #tpu.memory_space<hbm>> -> memref<80xi32, #tpu.memory_space<hbm>>
        %dma_start3A_184 = tpu.memref_slice %arg5[%add3A_167] : memref<480000xi32, #tpu.memory_space<hbm>> -> memref<80xi32, #tpu.memory_space<hbm>>
        tpu.enqueue_dma source(%dma_start3A_184 : memref<80xi32, #tpu.memory_space<hbm>>) target(%arg10 : memref<80xi32, #tpu.memory_space<vmem>>) target_semaphore(%run_scoped3A : memref<!tpu.dma_semaphore, #tpu.memory_space<semaphore_mem>>)
        %dma_wait3A = tpu.memref_slice %arg5[%add3A_167] : memref<480000xi32, #tpu.memory_space<hbm>> -> memref<80xi32, #tpu.memory_space<hbm>>
        %dma_wait3A_185 = tpu.memref_slice %arg5[%add3A_167] : memref<480000xi32, #tpu.memory_space<hbm>> -> memref<80xi32, #tpu.memory_space<hbm>>
        tpu.wait_dma2 semaphore(%run_scoped3A : memref<!tpu.dma_semaphore, #tpu.memory_space<semaphore_mem>>) src(%dma_wait3A_185 : memref<80xi32, #tpu.memory_space<hbm>>) dst(%arg10 : memref<80xi32, #tpu.memory_space<vmem>>)
        tpu.yield
      }) : () -> ()
      %eq3A_168 = arith.constant 0 : i32
      %eq3A_169 = arith.cmpi eq, %arg0, %eq3A_168 : i32
      %convert_element_type3A_170 = arith.extui %eq3A_169 : i1 to i32
      %cond3A_171 = arith.constant 0 : i32
      %cond3A_172 = arith.cmpi ne, %convert_element_type3A_170, %cond3A_171 : i32
      scf.if %cond3A_172 {
        %dma_start3A = arith.constant 0 : i32
        %dma_start3A_184 = arith.constant 0 : i32
        %dma_start3A_185 = tpu.memref_slice %arg2[%dma_start3A, %dma_start3A_184] : memref<10000x128xf32, #tpu.memory_space<hbm>> -> memref<10000x128xf32, #tpu.memory_space<hbm>>
        tpu.enqueue_indirect_dma source(%dma_start3A_185 : memref<10000x128xf32, #tpu.memory_space<hbm>>) target(%arg11 : memref<80x128xf32, #tpu.memory_space<vmem>>) offsets(%arg9 : memref<80xi32, #tpu.memory_space<vmem>>) semaphore(%arg21 : memref<!tpu.dma_semaphore, #tpu.memory_space<semaphore_mem>>)
        %dma_wait3A = arith.constant 0 : i32
        %dma_wait3A_186 = arith.constant 0 : i32
        %dma_wait3A_187 = tpu.memref_slice %arg2[%dma_wait3A, %dma_wait3A_186] : memref<10000x128xf32, #tpu.memory_space<hbm>> -> memref<10000x128xf32, #tpu.memory_space<hbm>>
        tpu.wait_indirect_dma semaphore(%arg21 : memref<!tpu.dma_semaphore, #tpu.memory_space<semaphore_mem>>) src(%dma_wait3A_187 : memref<10000x128xf32, #tpu.memory_space<hbm>>) dst(%arg11 : memref<80x128xf32, #tpu.memory_space<vmem>>)
      } else {
      }
      %eq3A_173 = arith.constant 1 : i32
      %eq3A_174 = arith.cmpi eq, %arg0, %eq3A_173 : i32
      %convert_element_type3A_175 = arith.extui %eq3A_174 : i1 to i32
      %cond3A_176 = arith.constant 0 : i32
      %cond3A_177 = arith.cmpi ne, %convert_element_type3A_175, %cond3A_176 : i32
      scf.if %cond3A_177 {
        %dma_start3A = arith.constant 0 : i32
        %dma_start3A_184 = arith.constant 0 : i32
        %dma_start3A_185 = tpu.memref_slice %arg3[%dma_start3A, %dma_start3A_184] : memref<10000x128xf32, #tpu.memory_space<hbm>> -> memref<10000x128xf32, #tpu.memory_space<hbm>>
        tpu.enqueue_indirect_dma source(%dma_start3A_185 : memref<10000x128xf32, #tpu.memory_space<hbm>>) target(%arg11 : memref<80x128xf32, #tpu.memory_space<vmem>>) offsets(%arg9 : memref<80xi32, #tpu.memory_space<vmem>>) semaphore(%arg21 : memref<!tpu.dma_semaphore, #tpu.memory_space<semaphore_mem>>)
        %dma_wait3A = arith.constant 0 : i32
        %dma_wait3A_186 = arith.constant 0 : i32
        %dma_wait3A_187 = tpu.memref_slice %arg3[%dma_wait3A, %dma_wait3A_186] : memref<10000x128xf32, #tpu.memory_space<hbm>> -> memref<10000x128xf32, #tpu.memory_space<hbm>>
        tpu.wait_indirect_dma semaphore(%arg21 : memref<!tpu.dma_semaphore, #tpu.memory_space<semaphore_mem>>) src(%dma_wait3A_187 : memref<10000x128xf32, #tpu.memory_space<hbm>>) dst(%arg11 : memref<80x128xf32, #tpu.memory_space<vmem>>)
      } else {
      }
      "tpu.region"() ({
        %run_scoped3A = tpu.sem_alloc : memref<!tpu.dma_semaphore, #tpu.memory_space<semaphore_mem>>
        %dma_start3A = arith.constant 0 : i32
        %dma_start3A_184 = arith.constant 0 : i32
        %dma_start3A_185 = tpu.memref_slice %arg19[%dma_start3A, %dma_start3A_184] : memref<10000x128xf32, #tpu.memory_space<vmem_shared>> -> memref<10000x128xf32, #tpu.memory_space<vmem_shared>>
        tpu.enqueue_indirect_dma source(%arg11 : memref<80x128xf32, #tpu.memory_space<vmem>>) target(%dma_start3A_185 : memref<10000x128xf32, #tpu.memory_space<vmem_shared>>) offsets(%arg10 : memref<80xi32, #tpu.memory_space<vmem>>) semaphore(%run_scoped3A : memref<!tpu.dma_semaphore, #tpu.memory_space<semaphore_mem>>) {add = true}
        %dma_wait3A = arith.constant 0 : i32
        %dma_wait3A_186 = arith.constant 0 : i32
        %dma_wait3A_187 = tpu.memref_slice %arg19[%dma_wait3A, %dma_wait3A_186] : memref<10000x128xf32, #tpu.memory_space<vmem_shared>> -> memref<10000x128xf32, #tpu.memory_space<vmem_shared>>
        tpu.wait_indirect_dma semaphore(%run_scoped3A : memref<!tpu.dma_semaphore, #tpu.memory_space<semaphore_mem>>) src(%arg11 : memref<80x128xf32, #tpu.memory_space<vmem>>) dst(%dma_wait3A_187 : memref<10000x128xf32, #tpu.memory_space<vmem_shared>>)
        tpu.yield
      }) : () -> ()
      %eq3A_178 = arith.constant 0 : i32
      %eq3A_179 = arith.cmpi eq, %arg0, %eq3A_178 : i32
      %convert_element_type3A_180 = arith.extui %eq3A_179 : i1 to i32
      %cond3A_181 = arith.constant 0 : i32
      %cond3A_182 = arith.cmpi ne, %convert_element_type3A_180, %cond3A_181 : i32
      scf.if %cond3A_182 {
        "tpu.region"() ({
          %run_scoped3A = tpu.sem_alloc : memref<!tpu.dma_semaphore, #tpu.memory_space<semaphore_mem>>
          %dma_start3A = arith.constant 0 : i32
          %dma_start3A_184 = arith.constant 0 : i32
          %dma_start3A_185 = tpu.memref_slice %arg20[%dma_start3A, %dma_start3A_184] : memref<10000x16xf32, #tpu.memory_space<vmem_shared>> -> memref<10000x16xf32, #tpu.memory_space<vmem_shared>>
          tpu.enqueue_indirect_dma source(%arg16 : memref<80x16xf32, #tpu.memory_space<vmem>>) target(%dma_start3A_185 : memref<10000x16xf32, #tpu.memory_space<vmem_shared>>) offsets(%arg10 : memref<80xi32, #tpu.memory_space<vmem>>) semaphore(%run_scoped3A : memref<!tpu.dma_semaphore, #tpu.memory_space<semaphore_mem>>) {add = true}
          %dma_wait3A = arith.constant 0 : i32
          %dma_wait3A_186 = arith.constant 0 : i32
          %dma_wait3A_187 = tpu.memref_slice %arg20[%dma_wait3A, %dma_wait3A_186] : memref<10000x16xf32, #tpu.memory_space<vmem_shared>> -> memref<10000x16xf32, #tpu.memory_space<vmem_shared>>
          tpu.wait_indirect_dma semaphore(%run_scoped3A : memref<!tpu.dma_semaphore, #tpu.memory_space<semaphore_mem>>) src(%arg16 : memref<80x16xf32, #tpu.memory_space<vmem>>) dst(%dma_wait3A_187 : memref<10000x16xf32, #tpu.memory_space<vmem_shared>>)
          tpu.yield
        }) : () -> ()
      } else {
      }
      %scan3A_183 = arith.constant 0 : i32
      scf.yield %scan3A_183 : i32
    }
    %scan3A_142 = arith.constant 125 : i32
    %barrier3A_143 = arith.constant 0 : index
    tpu.barrier barrier_id(%barrier3A_143)
    %while3A_144 = arith.constant 0 : i32
    %while3A_145 = arith.constant 0 : i32
    %while3A_146 = arith.subi %select_n3A_31, %while3A_144 : i32
    %while3A_147 = arith.addi %while3A_144, %while3A_146 : i32
    %while3A_148 = arith.constant 1 : i32
    %while3A_149 = arith.divsi %while3A_146, %while3A_148 : i32
    %while3A_150 = arith.muli %while3A_149, %while3A_148 : i32
    %while3A_151 = arith.addi %while3A_144, %while3A_150 : i32
    %while3A_152 = arith.constant 1 : i32
    %while3A_153 = scf.for %while3A_162 = %while3A_144 to %while3A_151 step %while3A_152 iter_args(%while3A_163 = %while3A_145) -> (i32)  : i32 {
      %mul3A_164 = arith.constant 80 : i32
      %mul3A_165 = arith.muli %while3A_162, %mul3A_164 : i32
      %add3A = arith.addi %mul3A_26, %mul3A_165 : i32
      "tpu.region"() ({
        %run_scoped3A = tpu.sem_alloc : memref<!tpu.dma_semaphore, #tpu.memory_space<semaphore_mem>>
        %dma_start3A = tpu.memref_slice %arg6[%add3A] : memref<10240xi32, #tpu.memory_space<hbm>> -> memref<80xi32, #tpu.memory_space<hbm>>
        %dma_start3A_177 = tpu.memref_slice %arg6[%add3A] : memref<10240xi32, #tpu.memory_space<hbm>> -> memref<80xi32, #tpu.memory_space<hbm>>
        tpu.enqueue_dma source(%dma_start3A_177 : memref<80xi32, #tpu.memory_space<hbm>>) target(%arg12 : memref<80xi32, #tpu.memory_space<vmem>>) target_semaphore(%run_scoped3A : memref<!tpu.dma_semaphore, #tpu.memory_space<semaphore_mem>>)
        %dma_wait3A = tpu.memref_slice %arg6[%add3A] : memref<10240xi32, #tpu.memory_space<hbm>> -> memref<80xi32, #tpu.memory_space<hbm>>
        %dma_wait3A_178 = tpu.memref_slice %arg6[%add3A] : memref<10240xi32, #tpu.memory_space<hbm>> -> memref<80xi32, #tpu.memory_space<hbm>>
        tpu.wait_dma2 semaphore(%run_scoped3A : memref<!tpu.dma_semaphore, #tpu.memory_space<semaphore_mem>>) src(%dma_wait3A_178 : memref<80xi32, #tpu.memory_space<hbm>>) dst(%arg12 : memref<80xi32, #tpu.memory_space<vmem>>)
        tpu.yield
      }) : () -> ()
      "tpu.region"() ({
        %run_scoped3A = tpu.sem_alloc : memref<!tpu.dma_semaphore, #tpu.memory_space<semaphore_mem>>
        %dma_start3A = arith.constant 0 : i32
        %dma_start3A_177 = arith.constant 0 : i32
        %dma_start3A_178 = tpu.memref_slice %arg19[%dma_start3A, %dma_start3A_177] : memref<10000x128xf32, #tpu.memory_space<vmem_shared>> -> memref<10000x128xf32, #tpu.memory_space<vmem_shared>>
        tpu.enqueue_indirect_dma source(%dma_start3A_178 : memref<10000x128xf32, #tpu.memory_space<vmem_shared>>) target(%arg11 : memref<80x128xf32, #tpu.memory_space<vmem>>) offsets(%arg12 : memref<80xi32, #tpu.memory_space<vmem>>) semaphore(%run_scoped3A : memref<!tpu.dma_semaphore, #tpu.memory_space<semaphore_mem>>)
        %dma_wait3A = arith.constant 0 : i32
        %dma_wait3A_179 = arith.constant 0 : i32
        %dma_wait3A_180 = tpu.memref_slice %arg19[%dma_wait3A, %dma_wait3A_179] : memref<10000x128xf32, #tpu.memory_space<vmem_shared>> -> memref<10000x128xf32, #tpu.memory_space<vmem_shared>>
        tpu.wait_indirect_dma semaphore(%run_scoped3A : memref<!tpu.dma_semaphore, #tpu.memory_space<semaphore_mem>>) src(%dma_wait3A_180 : memref<10000x128xf32, #tpu.memory_space<vmem_shared>>) dst(%arg11 : memref<80x128xf32, #tpu.memory_space<vmem>>)
        tpu.yield
      }) : () -> ()
      %eq3A_166 = arith.constant 0 : i32
      %eq3A_167 = arith.cmpi eq, %arg0, %eq3A_166 : i32
      %convert_element_type3A_168 = arith.extui %eq3A_167 : i1 to i32
      %cond3A_169 = arith.constant 0 : i32
      %cond3A_170 = arith.cmpi ne, %convert_element_type3A_168, %cond3A_169 : i32
      scf.if %cond3A_170 {
        %run_scoped3A = arith.constant 2 : i32
        %run_scoped3A_177 = arith.constant 0 : i32
        "tpu.region"() ({
          %run_scoped3A_178 = tpu.sem_alloc : memref<!tpu.dma_semaphore, #tpu.memory_space<semaphore_mem>>
          %dma_start3A = arith.constant 0 : i32
          %dma_start3A_179 = tpu.memref_slice %arg7[%run_scoped3A, %run_scoped3A_177, %add3A, %dma_start3A] : memref<3x2x10000x128xf32, #tpu.memory_space<hbm>> -> memref<1x1x80x128xf32, #tpu.memory_space<hbm>>
          %dma_start3A_180 = tpu.memref_squeeze %dma_start3A_179 : memref<1x1x80x128xf32, #tpu.memory_space<hbm>> -> memref<80x128xf32, #tpu.memory_space<hbm>>
          %dma_start3A_181 = arith.constant 0 : i32
          %dma_start3A_182 = tpu.memref_slice %arg7[%run_scoped3A, %run_scoped3A_177, %add3A, %dma_start3A_181] : memref<3x2x10000x128xf32, #tpu.memory_space<hbm>> -> memref<1x1x80x128xf32, #tpu.memory_space<hbm>>
          %dma_start3A_183 = tpu.memref_squeeze %dma_start3A_182 : memref<1x1x80x128xf32, #tpu.memory_space<hbm>> -> memref<80x128xf32, #tpu.memory_space<hbm>>
          tpu.enqueue_dma source(%arg11 : memref<80x128xf32, #tpu.memory_space<vmem>>) target(%dma_start3A_183 : memref<80x128xf32, #tpu.memory_space<hbm>>) target_semaphore(%run_scoped3A_178 : memref<!tpu.dma_semaphore, #tpu.memory_space<semaphore_mem>>)
          %dma_wait3A = arith.constant 0 : i32
          %dma_wait3A_184 = tpu.memref_slice %arg7[%run_scoped3A, %run_scoped3A_177, %add3A, %dma_wait3A] : memref<3x2x10000x128xf32, #tpu.memory_space<hbm>> -> memref<1x1x80x128xf32, #tpu.memory_space<hbm>>
          %dma_wait3A_185 = tpu.memref_squeeze %dma_wait3A_184 : memref<1x1x80x128xf32, #tpu.memory_space<hbm>> -> memref<80x128xf32, #tpu.memory_space<hbm>>
          %dma_wait3A_186 = arith.constant 0 : i32
          %dma_wait3A_187 = tpu.memref_slice %arg7[%run_scoped3A, %run_scoped3A_177, %add3A, %dma_wait3A_186] : memref<3x2x10000x128xf32, #tpu.memory_space<hbm>> -> memref<1x1x80x128xf32, #tpu.memory_space<hbm>>
          %dma_wait3A_188 = tpu.memref_squeeze %dma_wait3A_187 : memref<1x1x80x128xf32, #tpu.memory_space<hbm>> -> memref<80x128xf32, #tpu.memory_space<hbm>>
          tpu.wait_dma2 semaphore(%run_scoped3A_178 : memref<!tpu.dma_semaphore, #tpu.memory_space<semaphore_mem>>) src(%arg11 : memref<80x128xf32, #tpu.memory_space<vmem>>) dst(%dma_wait3A_188 : memref<80x128xf32, #tpu.memory_space<hbm>>)
          tpu.yield
        }) : () -> ()
      } else {
      }
      %eq3A_171 = arith.constant 1 : i32
      %eq3A_172 = arith.cmpi eq, %arg0, %eq3A_171 : i32
      %convert_element_type3A_173 = arith.extui %eq3A_172 : i1 to i32
      %cond3A_174 = arith.constant 0 : i32
      %cond3A_175 = arith.cmpi ne, %convert_element_type3A_173, %cond3A_174 : i32
      scf.if %cond3A_175 {
        %run_scoped3A = arith.constant 2 : i32
        %run_scoped3A_177 = arith.constant 1 : i32
        "tpu.region"() ({
          %run_scoped3A_178 = tpu.sem_alloc : memref<!tpu.dma_semaphore, #tpu.memory_space<semaphore_mem>>
          %dma_start3A = arith.constant 0 : i32
          %dma_start3A_179 = tpu.memref_slice %arg7[%run_scoped3A, %run_scoped3A_177, %add3A, %dma_start3A] : memref<3x2x10000x128xf32, #tpu.memory_space<hbm>> -> memref<1x1x80x128xf32, #tpu.memory_space<hbm>>
          %dma_start3A_180 = tpu.memref_squeeze %dma_start3A_179 : memref<1x1x80x128xf32, #tpu.memory_space<hbm>> -> memref<80x128xf32, #tpu.memory_space<hbm>>
          %dma_start3A_181 = arith.constant 0 : i32
          %dma_start3A_182 = tpu.memref_slice %arg7[%run_scoped3A, %run_scoped3A_177, %add3A, %dma_start3A_181] : memref<3x2x10000x128xf32, #tpu.memory_space<hbm>> -> memref<1x1x80x128xf32, #tpu.memory_space<hbm>>
          %dma_start3A_183 = tpu.memref_squeeze %dma_start3A_182 : memref<1x1x80x128xf32, #tpu.memory_space<hbm>> -> memref<80x128xf32, #tpu.memory_space<hbm>>
          tpu.enqueue_dma source(%arg11 : memref<80x128xf32, #tpu.memory_space<vmem>>) target(%dma_start3A_183 : memref<80x128xf32, #tpu.memory_space<hbm>>) target_semaphore(%run_scoped3A_178 : memref<!tpu.dma_semaphore, #tpu.memory_space<semaphore_mem>>)
          %dma_wait3A = arith.constant 0 : i32
          %dma_wait3A_184 = tpu.memref_slice %arg7[%run_scoped3A, %run_scoped3A_177, %add3A, %dma_wait3A] : memref<3x2x10000x128xf32, #tpu.memory_space<hbm>> -> memref<1x1x80x128xf32, #tpu.memory_space<hbm>>
          %dma_wait3A_185 = tpu.memref_squeeze %dma_wait3A_184 : memref<1x1x80x128xf32, #tpu.memory_space<hbm>> -> memref<80x128xf32, #tpu.memory_space<hbm>>
          %dma_wait3A_186 = arith.constant 0 : i32
          %dma_wait3A_187 = tpu.memref_slice %arg7[%run_scoped3A, %run_scoped3A_177, %add3A, %dma_wait3A_186] : memref<3x2x10000x128xf32, #tpu.memory_space<hbm>> -> memref<1x1x80x128xf32, #tpu.memory_space<hbm>>
          %dma_wait3A_188 = tpu.memref_squeeze %dma_wait3A_187 : memref<1x1x80x128xf32, #tpu.memory_space<hbm>> -> memref<80x128xf32, #tpu.memory_space<hbm>>
          tpu.wait_dma2 semaphore(%run_scoped3A_178 : memref<!tpu.dma_semaphore, #tpu.memory_space<semaphore_mem>>) src(%arg11 : memref<80x128xf32, #tpu.memory_space<vmem>>) dst(%dma_wait3A_188 : memref<80x128xf32, #tpu.memory_space<hbm>>)
          tpu.yield
        }) : () -> ()
      } else {
      }
      %while3A_176 = arith.constant 0 : i32
      scf.yield %while3A_176 : i32
    }
    %while3A_154 = arith.constant 1 : i32
    %while3A_155 = scf.for %while3A_162 = %while3A_151 to %while3A_147 step %while3A_154 iter_args(%while3A_163 = %while3A_153) -> (i32)  : i32 {
      %mul3A_164 = arith.constant 80 : i32
      %mul3A_165 = arith.muli %while3A_162, %mul3A_164 : i32
      %add3A = arith.addi %mul3A_26, %mul3A_165 : i32
      "tpu.region"() ({
        %run_scoped3A = tpu.sem_alloc : memref<!tpu.dma_semaphore, #tpu.memory_space<semaphore_mem>>
        %dma_start3A = tpu.memref_slice %arg6[%add3A] : memref<10240xi32, #tpu.memory_space<hbm>> -> memref<80xi32, #tpu.memory_space<hbm>>
        %dma_start3A_177 = tpu.memref_slice %arg6[%add3A] : memref<10240xi32, #tpu.memory_space<hbm>> -> memref<80xi32, #tpu.memory_space<hbm>>
        tpu.enqueue_dma source(%dma_start3A_177 : memref<80xi32, #tpu.memory_space<hbm>>) target(%arg12 : memref<80xi32, #tpu.memory_space<vmem>>) target_semaphore(%run_scoped3A : memref<!tpu.dma_semaphore, #tpu.memory_space<semaphore_mem>>)
        %dma_wait3A = tpu.memref_slice %arg6[%add3A] : memref<10240xi32, #tpu.memory_space<hbm>> -> memref<80xi32, #tpu.memory_space<hbm>>
        %dma_wait3A_178 = tpu.memref_slice %arg6[%add3A] : memref<10240xi32, #tpu.memory_space<hbm>> -> memref<80xi32, #tpu.memory_space<hbm>>
        tpu.wait_dma2 semaphore(%run_scoped3A : memref<!tpu.dma_semaphore, #tpu.memory_space<semaphore_mem>>) src(%dma_wait3A_178 : memref<80xi32, #tpu.memory_space<hbm>>) dst(%arg12 : memref<80xi32, #tpu.memory_space<vmem>>)
        tpu.yield
      }) : () -> ()
      "tpu.region"() ({
        %run_scoped3A = tpu.sem_alloc : memref<!tpu.dma_semaphore, #tpu.memory_space<semaphore_mem>>
        %dma_start3A = arith.constant 0 : i32
        %dma_start3A_177 = arith.constant 0 : i32
        %dma_start3A_178 = tpu.memref_slice %arg19[%dma_start3A, %dma_start3A_177] : memref<10000x128xf32, #tpu.memory_space<vmem_shared>> -> memref<10000x128xf32, #tpu.memory_space<vmem_shared>>
        tpu.enqueue_indirect_dma source(%dma_start3A_178 : memref<10000x128xf32, #tpu.memory_space<vmem_shared>>) target(%arg11 : memref<80x128xf32, #tpu.memory_space<vmem>>) offsets(%arg12 : memref<80xi32, #tpu.memory_space<vmem>>) semaphore(%run_scoped3A : memref<!tpu.dma_semaphore, #tpu.memory_space<semaphore_mem>>)
        %dma_wait3A = arith.constant 0 : i32
        %dma_wait3A_179 = arith.constant 0 : i32
        %dma_wait3A_180 = tpu.memref_slice %arg19[%dma_wait3A, %dma_wait3A_179] : memref<10000x128xf32, #tpu.memory_space<vmem_shared>> -> memref<10000x128xf32, #tpu.memory_space<vmem_shared>>
        tpu.wait_indirect_dma semaphore(%run_scoped3A : memref<!tpu.dma_semaphore, #tpu.memory_space<semaphore_mem>>) src(%dma_wait3A_180 : memref<10000x128xf32, #tpu.memory_space<vmem_shared>>) dst(%arg11 : memref<80x128xf32, #tpu.memory_space<vmem>>)
        tpu.yield
      }) : () -> ()
      %eq3A_166 = arith.constant 0 : i32
      %eq3A_167 = arith.cmpi eq, %arg0, %eq3A_166 : i32
      %convert_element_type3A_168 = arith.extui %eq3A_167 : i1 to i32
      %cond3A_169 = arith.constant 0 : i32
      %cond3A_170 = arith.cmpi ne, %convert_element_type3A_168, %cond3A_169 : i32
      scf.if %cond3A_170 {
        %run_scoped3A = arith.constant 2 : i32
        %run_scoped3A_177 = arith.constant 0 : i32
        "tpu.region"() ({
          %run_scoped3A_178 = tpu.sem_alloc : memref<!tpu.dma_semaphore, #tpu.memory_space<semaphore_mem>>
          %dma_start3A = arith.constant 0 : i32
          %dma_start3A_179 = tpu.memref_slice %arg7[%run_scoped3A, %run_scoped3A_177, %add3A, %dma_start3A] : memref<3x2x10000x128xf32, #tpu.memory_space<hbm>> -> memref<1x1x80x128xf32, #tpu.memory_space<hbm>>
          %dma_start3A_180 = tpu.memref_squeeze %dma_start3A_179 : memref<1x1x80x128xf32, #tpu.memory_space<hbm>> -> memref<80x128xf32, #tpu.memory_space<hbm>>
          %dma_start3A_181 = arith.constant 0 : i32
          %dma_start3A_182 = tpu.memref_slice %arg7[%run_scoped3A, %run_scoped3A_177, %add3A, %dma_start3A_181] : memref<3x2x10000x128xf32, #tpu.memory_space<hbm>> -> memref<1x1x80x128xf32, #tpu.memory_space<hbm>>
          %dma_start3A_183 = tpu.memref_squeeze %dma_start3A_182 : memref<1x1x80x128xf32, #tpu.memory_space<hbm>> -> memref<80x128xf32, #tpu.memory_space<hbm>>
          tpu.enqueue_dma source(%arg11 : memref<80x128xf32, #tpu.memory_space<vmem>>) target(%dma_start3A_183 : memref<80x128xf32, #tpu.memory_space<hbm>>) target_semaphore(%run_scoped3A_178 : memref<!tpu.dma_semaphore, #tpu.memory_space<semaphore_mem>>)
          %dma_wait3A = arith.constant 0 : i32
          %dma_wait3A_184 = tpu.memref_slice %arg7[%run_scoped3A, %run_scoped3A_177, %add3A, %dma_wait3A] : memref<3x2x10000x128xf32, #tpu.memory_space<hbm>> -> memref<1x1x80x128xf32, #tpu.memory_space<hbm>>
          %dma_wait3A_185 = tpu.memref_squeeze %dma_wait3A_184 : memref<1x1x80x128xf32, #tpu.memory_space<hbm>> -> memref<80x128xf32, #tpu.memory_space<hbm>>
          %dma_wait3A_186 = arith.constant 0 : i32
          %dma_wait3A_187 = tpu.memref_slice %arg7[%run_scoped3A, %run_scoped3A_177, %add3A, %dma_wait3A_186] : memref<3x2x10000x128xf32, #tpu.memory_space<hbm>> -> memref<1x1x80x128xf32, #tpu.memory_space<hbm>>
          %dma_wait3A_188 = tpu.memref_squeeze %dma_wait3A_187 : memref<1x1x80x128xf32, #tpu.memory_space<hbm>> -> memref<80x128xf32, #tpu.memory_space<hbm>>
          tpu.wait_dma2 semaphore(%run_scoped3A_178 : memref<!tpu.dma_semaphore, #tpu.memory_space<semaphore_mem>>) src(%arg11 : memref<80x128xf32, #tpu.memory_space<vmem>>) dst(%dma_wait3A_188 : memref<80x128xf32, #tpu.memory_space<hbm>>)
          tpu.yield
        }) : () -> ()
      } else {
      }
      %eq3A_171 = arith.constant 1 : i32
      %eq3A_172 = arith.cmpi eq, %arg0, %eq3A_171 : i32
      %convert_element_type3A_173 = arith.extui %eq3A_172 : i1 to i32
      %cond3A_174 = arith.constant 0 : i32
      %cond3A_175 = arith.cmpi ne, %convert_element_type3A_173, %cond3A_174 : i32
      scf.if %cond3A_175 {
        %run_scoped3A = arith.constant 2 : i32
        %run_scoped3A_177 = arith.constant 1 : i32
        "tpu.region"() ({
          %run_scoped3A_178 = tpu.sem_alloc : memref<!tpu.dma_semaphore, #tpu.memory_space<semaphore_mem>>
          %dma_start3A = arith.constant 0 : i32
          %dma_start3A_179 = tpu.memref_slice %arg7[%run_scoped3A, %run_scoped3A_177, %add3A, %dma_start3A] : memref<3x2x10000x128xf32, #tpu.memory_space<hbm>> -> memref<1x1x80x128xf32, #tpu.memory_space<hbm>>
          %dma_start3A_180 = tpu.memref_squeeze %dma_start3A_179 : memref<1x1x80x128xf32, #tpu.memory_space<hbm>> -> memref<80x128xf32, #tpu.memory_space<hbm>>
          %dma_start3A_181 = arith.constant 0 : i32
          %dma_start3A_182 = tpu.memref_slice %arg7[%run_scoped3A, %run_scoped3A_177, %add3A, %dma_start3A_181] : memref<3x2x10000x128xf32, #tpu.memory_space<hbm>> -> memref<1x1x80x128xf32, #tpu.memory_space<hbm>>
          %dma_start3A_183 = tpu.memref_squeeze %dma_start3A_182 : memref<1x1x80x128xf32, #tpu.memory_space<hbm>> -> memref<80x128xf32, #tpu.memory_space<hbm>>
          tpu.enqueue_dma source(%arg11 : memref<80x128xf32, #tpu.memory_space<vmem>>) target(%dma_start3A_183 : memref<80x128xf32, #tpu.memory_space<hbm>>) target_semaphore(%run_scoped3A_178 : memref<!tpu.dma_semaphore, #tpu.memory_space<semaphore_mem>>)
          %dma_wait3A = arith.constant 0 : i32
          %dma_wait3A_184 = tpu.memref_slice %arg7[%run_scoped3A, %run_scoped3A_177, %add3A, %dma_wait3A] : memref<3x2x10000x128xf32, #tpu.memory_space<hbm>> -> memref<1x1x80x128xf32, #tpu.memory_space<hbm>>
          %dma_wait3A_185 = tpu.memref_squeeze %dma_wait3A_184 : memref<1x1x80x128xf32, #tpu.memory_space<hbm>> -> memref<80x128xf32, #tpu.memory_space<hbm>>
          %dma_wait3A_186 = arith.constant 0 : i32
          %dma_wait3A_187 = tpu.memref_slice %arg7[%run_scoped3A, %run_scoped3A_177, %add3A, %dma_wait3A_186] : memref<3x2x10000x128xf32, #tpu.memory_space<hbm>> -> memref<1x1x80x128xf32, #tpu.memory_space<hbm>>
          %dma_wait3A_188 = tpu.memref_squeeze %dma_wait3A_187 : memref<1x1x80x128xf32, #tpu.memory_space<hbm>> -> memref<80x128xf32, #tpu.memory_space<hbm>>
          tpu.wait_dma2 semaphore(%run_scoped3A_178 : memref<!tpu.dma_semaphore, #tpu.memory_space<semaphore_mem>>) src(%arg11 : memref<80x128xf32, #tpu.memory_space<vmem>>) dst(%dma_wait3A_188 : memref<80x128xf32, #tpu.memory_space<hbm>>)
          tpu.yield
        }) : () -> ()
      } else {
      }
      %while3A_176 = arith.constant 0 : i32
      scf.yield %while3A_176 : i32
    }
    %eq3A_156 = arith.constant 0 : i32
    %eq3A_157 = arith.cmpi eq, %arg0, %eq3A_156 : i32
    %convert_element_type3A_158 = arith.extui %eq3A_157 : i1 to i32
    %cond3A_159 = arith.constant 0 : i32
    %cond3A_160 = arith.cmpi ne, %convert_element_type3A_158, %cond3A_159 : i32
    scf.if %cond3A_160 {
      %iota3A_162 = tpu.iota {dimensions = array<i32: 0>} : vector<16xi32>
      %broadcast_in_dim3A_163 = arith.constant 0 : i32
      %broadcast_in_dim3A_164 = vector.broadcast %broadcast_in_dim3A_163 : i32 to vector<16xi32>
      %mul3A_165 = arith.constant 5 : i32
      %mul3A_166 = arith.muli %select_n3A_31, %mul3A_165 : i32
      %while3A_167 = arith.constant 0 : i32
      %while3A_168 = arith.constant 0 : i32
      %while3A_169 = arith.subi %mul3A_166, %while3A_167 : i32
      %while3A_170 = arith.addi %while3A_167, %while3A_169 : i32
      %while3A_171 = arith.constant 1 : i32
      %while3A_172 = arith.divsi %while3A_169, %while3A_171 : i32
      %while3A_173 = arith.muli %while3A_172, %while3A_171 : i32
      %while3A_174 = arith.addi %while3A_167, %while3A_173 : i32
      %while3A_175 = arith.constant 1 : i32
      %while3A_176 = scf.for %while3A_188 = %while3A_167 to %while3A_174 step %while3A_175 iter_args(%while3A_189 = %while3A_168) -> (i32)  : i32 {
        %mul3A_190 = arith.constant 16 : i32
        %mul3A_191 = arith.muli %while3A_188, %mul3A_190 : i32
        %add3A = arith.addi %mul3A_26, %mul3A_191 : i32
        "tpu.region"() ({
          %run_scoped3A = tpu.sem_alloc : memref<!tpu.dma_semaphore, #tpu.memory_space<semaphore_mem>>
          %dma_start3A = tpu.memref_slice %arg6[%add3A] : memref<10240xi32, #tpu.memory_space<hbm>> -> memref<16xi32, #tpu.memory_space<hbm>>
          %dma_start3A_196 = tpu.memref_slice %arg6[%add3A] : memref<10240xi32, #tpu.memory_space<hbm>> -> memref<16xi32, #tpu.memory_space<hbm>>
          tpu.enqueue_dma source(%dma_start3A_196 : memref<16xi32, #tpu.memory_space<hbm>>) target(%arg13 : memref<16xi32, #tpu.memory_space<vmem>>) target_semaphore(%run_scoped3A : memref<!tpu.dma_semaphore, #tpu.memory_space<semaphore_mem>>)
          %dma_wait3A = tpu.memref_slice %arg6[%add3A] : memref<10240xi32, #tpu.memory_space<hbm>> -> memref<16xi32, #tpu.memory_space<hbm>>
          %dma_wait3A_197 = tpu.memref_slice %arg6[%add3A] : memref<10240xi32, #tpu.memory_space<hbm>> -> memref<16xi32, #tpu.memory_space<hbm>>
          tpu.wait_dma2 semaphore(%run_scoped3A : memref<!tpu.dma_semaphore, #tpu.memory_space<semaphore_mem>>) src(%dma_wait3A_197 : memref<16xi32, #tpu.memory_space<hbm>>) dst(%arg13 : memref<16xi32, #tpu.memory_space<vmem>>)
          tpu.yield
        }) : () -> ()
        "tpu.region"() ({
          %run_scoped3A = tpu.sem_alloc : memref<!tpu.dma_semaphore, #tpu.memory_space<semaphore_mem>>
          %dma_start3A = arith.constant 0 : i32
          %dma_start3A_196 = arith.constant 0 : i32
          %dma_start3A_197 = tpu.memref_slice %arg20[%dma_start3A, %dma_start3A_196] : memref<10000x16xf32, #tpu.memory_space<vmem_shared>> -> memref<10000x16xf32, #tpu.memory_space<vmem_shared>>
          tpu.enqueue_indirect_dma source(%dma_start3A_197 : memref<10000x16xf32, #tpu.memory_space<vmem_shared>>) target(%arg17 : memref<16x16xf32, #tpu.memory_space<vmem>>) offsets(%arg13 : memref<16xi32, #tpu.memory_space<vmem>>) semaphore(%run_scoped3A : memref<!tpu.dma_semaphore, #tpu.memory_space<semaphore_mem>>)
          %dma_wait3A = arith.constant 0 : i32
          %dma_wait3A_198 = arith.constant 0 : i32
          %dma_wait3A_199 = tpu.memref_slice %arg20[%dma_wait3A, %dma_wait3A_198] : memref<10000x16xf32, #tpu.memory_space<vmem_shared>> -> memref<10000x16xf32, #tpu.memory_space<vmem_shared>>
          tpu.wait_indirect_dma semaphore(%run_scoped3A : memref<!tpu.dma_semaphore, #tpu.memory_space<semaphore_mem>>) src(%dma_wait3A_199 : memref<10000x16xf32, #tpu.memory_space<vmem_shared>>) dst(%arg17 : memref<16x16xf32, #tpu.memory_space<vmem>>)
          tpu.yield
        }) : () -> ()
        %gather3A = tpu.vector_load_idx %arg17[%iota3A_162, %broadcast_in_dim3A_164] : memref<16x16xf32, #tpu.memory_space<vmem>>[vector<16xi32>, vector<16xi32>], vector<16xf32>,
        %mul3A_192 = arith.constant 16 : i32
        %mul3A_193 = arith.muli %while3A_188, %mul3A_192 : i32
        %swap3A = arith.index_cast %mul3A_193 : i32 to index
        %swap3A_194 = tpu.vector_load %arg18[%swap3A] {strides = array<i32>} : memref<640xf32, #tpu.memory_space<vmem>>, vector<16xf32>,
        tpu.vector_store %arg18[%swap3A], %gather3A {strides = array<i32>} : memref<640xf32, #tpu.memory_space<vmem>>, vector<16xf32>,
        %while3A_195 = arith.constant 0 : i32
        scf.yield %while3A_195 : i32
      }
      %while3A_177 = arith.constant 1 : i32
      %while3A_178 = scf.for %while3A_188 = %while3A_174 to %while3A_170 step %while3A_177 iter_args(%while3A_189 = %while3A_176) -> (i32)  : i32 {
        %mul3A_190 = arith.constant 16 : i32
        %mul3A_191 = arith.muli %while3A_188, %mul3A_190 : i32
        %add3A = arith.addi %mul3A_26, %mul3A_191 : i32
        "tpu.region"() ({
          %run_scoped3A = tpu.sem_alloc : memref<!tpu.dma_semaphore, #tpu.memory_space<semaphore_mem>>
          %dma_start3A = tpu.memref_slice %arg6[%add3A] : memref<10240xi32, #tpu.memory_space<hbm>> -> memref<16xi32, #tpu.memory_space<hbm>>
          %dma_start3A_196 = tpu.memref_slice %arg6[%add3A] : memref<10240xi32, #tpu.memory_space<hbm>> -> memref<16xi32, #tpu.memory_space<hbm>>
          tpu.enqueue_dma source(%dma_start3A_196 : memref<16xi32, #tpu.memory_space<hbm>>) target(%arg13 : memref<16xi32, #tpu.memory_space<vmem>>) target_semaphore(%run_scoped3A : memref<!tpu.dma_semaphore, #tpu.memory_space<semaphore_mem>>)
          %dma_wait3A = tpu.memref_slice %arg6[%add3A] : memref<10240xi32, #tpu.memory_space<hbm>> -> memref<16xi32, #tpu.memory_space<hbm>>
          %dma_wait3A_197 = tpu.memref_slice %arg6[%add3A] : memref<10240xi32, #tpu.memory_space<hbm>> -> memref<16xi32, #tpu.memory_space<hbm>>
          tpu.wait_dma2 semaphore(%run_scoped3A : memref<!tpu.dma_semaphore, #tpu.memory_space<semaphore_mem>>) src(%dma_wait3A_197 : memref<16xi32, #tpu.memory_space<hbm>>) dst(%arg13 : memref<16xi32, #tpu.memory_space<vmem>>)
          tpu.yield
        }) : () -> ()
        "tpu.region"() ({
          %run_scoped3A = tpu.sem_alloc : memref<!tpu.dma_semaphore, #tpu.memory_space<semaphore_mem>>
          %dma_start3A = arith.constant 0 : i32
          %dma_start3A_196 = arith.constant 0 : i32
          %dma_start3A_197 = tpu.memref_slice %arg20[%dma_start3A, %dma_start3A_196] : memref<10000x16xf32, #tpu.memory_space<vmem_shared>> -> memref<10000x16xf32, #tpu.memory_space<vmem_shared>>
          tpu.enqueue_indirect_dma source(%dma_start3A_197 : memref<10000x16xf32, #tpu.memory_space<vmem_shared>>) target(%arg17 : memref<16x16xf32, #tpu.memory_space<vmem>>) offsets(%arg13 : memref<16xi32, #tpu.memory_space<vmem>>) semaphore(%run_scoped3A : memref<!tpu.dma_semaphore, #tpu.memory_space<semaphore_mem>>)
          %dma_wait3A = arith.constant 0 : i32
          %dma_wait3A_198 = arith.constant 0 : i32
          %dma_wait3A_199 = tpu.memref_slice %arg20[%dma_wait3A, %dma_wait3A_198] : memref<10000x16xf32, #tpu.memory_space<vmem_shared>> -> memref<10000x16xf32, #tpu.memory_space<vmem_shared>>
          tpu.wait_indirect_dma semaphore(%run_scoped3A : memref<!tpu.dma_semaphore, #tpu.memory_space<semaphore_mem>>) src(%dma_wait3A_199 : memref<10000x16xf32, #tpu.memory_space<vmem_shared>>) dst(%arg17 : memref<16x16xf32, #tpu.memory_space<vmem>>)
          tpu.yield
        }) : () -> ()
        %gather3A = tpu.vector_load_idx %arg17[%iota3A_162, %broadcast_in_dim3A_164] : memref<16x16xf32, #tpu.memory_space<vmem>>[vector<16xi32>, vector<16xi32>], vector<16xf32>,
        %mul3A_192 = arith.constant 16 : i32
        %mul3A_193 = arith.muli %while3A_188, %mul3A_192 : i32
        %swap3A = arith.index_cast %mul3A_193 : i32 to index
        %swap3A_194 = tpu.vector_load %arg18[%swap3A] {strides = array<i32>} : memref<640xf32, #tpu.memory_space<vmem>>, vector<16xf32>,
        tpu.vector_store %arg18[%swap3A], %gather3A {strides = array<i32>} : memref<640xf32, #tpu.memory_space<vmem>>, vector<16xf32>,
        %while3A_195 = arith.constant 0 : i32
        scf.yield %while3A_195 : i32
      }
      %lt3A = arith.constant 15 : i32
      %lt3A_179 = arith.cmpi slt, %arg1, %lt3A : i32
      %convert_element_type3A_180 = arith.extui %lt3A_179 : i1 to i32
      %cond3A_181 = arith.constant 0 : i32
      %cond3A_182 = arith.cmpi ne, %convert_element_type3A_180, %cond3A_181 : i32
      scf.if %cond3A_182 {
        %add3A = arith.constant 20000 : i32
        %add3A_188 = arith.addi %add3A, %mul3A_26 : i32
        "tpu.region"() ({
          %run_scoped3A = tpu.sem_alloc : memref<!tpu.dma_semaphore, #tpu.memory_space<semaphore_mem>>
          %dma_start3A = tpu.memref_slice %arg8[%add3A_188] : memref<30000xf32, #tpu.memory_space<hbm>> -> memref<640xf32, #tpu.memory_space<hbm>>
          %dma_start3A_189 = tpu.memref_slice %arg8[%add3A_188] : memref<30000xf32, #tpu.memory_space<hbm>> -> memref<640xf32, #tpu.memory_space<hbm>>
          tpu.enqueue_dma source(%arg18 : memref<640xf32, #tpu.memory_space<vmem>>) target(%dma_start3A_189 : memref<640xf32, #tpu.memory_space<hbm>>) target_semaphore(%run_scoped3A : memref<!tpu.dma_semaphore, #tpu.memory_space<semaphore_mem>>)
          %dma_wait3A = tpu.memref_slice %arg8[%add3A_188] : memref<30000xf32, #tpu.memory_space<hbm>> -> memref<640xf32, #tpu.memory_space<hbm>>
          %dma_wait3A_190 = tpu.memref_slice %arg8[%add3A_188] : memref<30000xf32, #tpu.memory_space<hbm>> -> memref<640xf32, #tpu.memory_space<hbm>>
          tpu.wait_dma2 semaphore(%run_scoped3A : memref<!tpu.dma_semaphore, #tpu.memory_space<semaphore_mem>>) src(%arg18 : memref<640xf32, #tpu.memory_space<vmem>>) dst(%dma_wait3A_190 : memref<640xf32, #tpu.memory_space<hbm>>)
          tpu.yield
        }) : () -> ()
      } else {
      }
      %eq3A_183 = arith.constant 15 : i32
      %eq3A_184 = arith.cmpi eq, %arg1, %eq3A_183 : i32
      %convert_element_type3A_185 = arith.extui %eq3A_184 : i1 to i32
      %cond3A_186 = arith.constant 0 : i32
      %cond3A_187 = arith.cmpi ne, %convert_element_type3A_185, %cond3A_186 : i32
      scf.if %cond3A_187 {
        %add3A = arith.constant 20000 : i32
        %add3A_188 = arith.addi %add3A, %mul3A_26 : i32
        "tpu.region"() ({
          %run_scoped3A = tpu.sem_alloc : memref<!tpu.dma_semaphore, #tpu.memory_space<semaphore_mem>>
          %dma_start3A = arith.constant 0 : i32
          %dma_start3A_189 = tpu.memref_slice %arg18[%dma_start3A] : memref<640xf32, #tpu.memory_space<vmem>> -> memref<400xf32, #tpu.memory_space<vmem>>
          %dma_start3A_190 = tpu.memref_slice %arg8[%add3A_188] : memref<30000xf32, #tpu.memory_space<hbm>> -> memref<400xf32, #tpu.memory_space<hbm>>
          %dma_start3A_191 = tpu.memref_slice %arg8[%add3A_188] : memref<30000xf32, #tpu.memory_space<hbm>> -> memref<400xf32, #tpu.memory_space<hbm>>
          %dma_start3A_192 = arith.constant 0 : i32
          %dma_start3A_193 = tpu.memref_slice %arg18[%dma_start3A_192] : memref<640xf32, #tpu.memory_space<vmem>> -> memref<400xf32, #tpu.memory_space<vmem>>
          tpu.enqueue_dma source(%dma_start3A_193 : memref<400xf32, #tpu.memory_space<vmem>>) target(%dma_start3A_191 : memref<400xf32, #tpu.memory_space<hbm>>) target_semaphore(%run_scoped3A : memref<!tpu.dma_semaphore, #tpu.memory_space<semaphore_mem>>)
          %dma_wait3A = arith.constant 0 : i32
          %dma_wait3A_194 = tpu.memref_slice %arg18[%dma_wait3A] : memref<640xf32, #tpu.memory_space<vmem>> -> memref<400xf32, #tpu.memory_space<vmem>>
          %dma_wait3A_195 = tpu.memref_slice %arg8[%add3A_188] : memref<30000xf32, #tpu.memory_space<hbm>> -> memref<400xf32, #tpu.memory_space<hbm>>
          %dma_wait3A_196 = tpu.memref_slice %arg8[%add3A_188] : memref<30000xf32, #tpu.memory_space<hbm>> -> memref<400xf32, #tpu.memory_space<hbm>>
          %dma_wait3A_197 = arith.constant 0 : i32
          %dma_wait3A_198 = tpu.memref_slice %arg18[%dma_wait3A_197] : memref<640xf32, #tpu.memory_space<vmem>> -> memref<400xf32, #tpu.memory_space<vmem>>
          tpu.wait_dma2 semaphore(%run_scoped3A : memref<!tpu.dma_semaphore, #tpu.memory_space<semaphore_mem>>) src(%dma_wait3A_198 : memref<400xf32, #tpu.memory_space<vmem>>) dst(%dma_wait3A_196 : memref<400xf32, #tpu.memory_space<hbm>>)
          tpu.yield
        }) : () -> ()
      } else {
      }
    } else {
    }
    %barrier3A_161 = arith.constant 0 : index
    tpu.barrier barrier_id(%barrier3A_161)
    return
  }
}

#map = affine_map<(d0, d1) -> (0, 0)>
#map1 = affine_map<(d0, d1) -> (0)>
module attributes {stable_mosaic.version = 14 : i64} {
  func.func @_gather_rows_body(%arg0: i32, %arg1: i32, %arg2: memref<10000x128xf32, #tpu.memory_space<hbm>>, %arg3: memref<50176xi32, #tpu.memory_space<hbm>>, %arg4: memref<50176x128xf32, #tpu.memory_space<hbm>>, %arg5: memref<112xi32, #tpu.memory_space<vmem>>, %arg6: memref<112x128xf32, #tpu.memory_space<vmem>>, %arg7: memref<!tpu.dma_semaphore, #tpu.memory_space<semaphore_mem>>) attributes {dimension_semantics = [#tpu.dimension_semantics<core_parallel>, #tpu.dimension_semantics<subcore_parallel>], iteration_bounds = array<i64: 2, 16>, scalar_prefetch = 0 : i64, scratch_operands = 3 : i64, tpu.core_type = #tpu.core_type<sc_vector_subcore>, window_params = [{transform_indices = #map}, {transform_indices = #map1}, {transform_indices = #map}]} {
    %mul3A = arith.constant 2 : i32
    %mul3A_0 = arith.muli %arg1, %mul3A : i32
    %add3A = arith.addi %mul3A_0, %arg0 : i32
    %mul3A_1 = arith.constant 1568 : i32
    %mul3A_2 = arith.muli %add3A, %mul3A_1 : i32
    %scan3A = arith.constant 0 : i32
    %scan3A_3 = arith.constant 0 : i32
    %scan3A_4 = arith.constant 14 : i32
    %scan3A_5 = arith.addi %scan3A_3, %scan3A_4 : i32
    %scan3A_6 = arith.constant 1 : i32
    %scan3A_7 = scf.for %scan3A_9 = %scan3A_3 to %scan3A_5 step %scan3A_6 iter_args(%scan3A_10 = %scan3A) -> (i32)  : i32 {
      %mul3A_11 = arith.constant 112 : i32
      %mul3A_12 = arith.muli %scan3A_9, %mul3A_11 : i32
      %add3A_13 = arith.addi %mul3A_2, %mul3A_12 : i32
      "tpu.region"() ({
        %run_scoped3A = tpu.sem_alloc : memref<!tpu.dma_semaphore, #tpu.memory_space<semaphore_mem>>
        %dma_start3A_19 = tpu.memref_slice %arg3[%add3A_13] : memref<50176xi32, #tpu.memory_space<hbm>> -> memref<112xi32, #tpu.memory_space<hbm>>
        %dma_start3A_20 = tpu.memref_slice %arg3[%add3A_13] : memref<50176xi32, #tpu.memory_space<hbm>> -> memref<112xi32, #tpu.memory_space<hbm>>
        tpu.enqueue_dma source(%dma_start3A_20 : memref<112xi32, #tpu.memory_space<hbm>>) target(%arg5 : memref<112xi32, #tpu.memory_space<vmem>>) target_semaphore(%run_scoped3A : memref<!tpu.dma_semaphore, #tpu.memory_space<semaphore_mem>>)
        %dma_wait3A_21 = tpu.memref_slice %arg3[%add3A_13] : memref<50176xi32, #tpu.memory_space<hbm>> -> memref<112xi32, #tpu.memory_space<hbm>>
        %dma_wait3A_22 = tpu.memref_slice %arg3[%add3A_13] : memref<50176xi32, #tpu.memory_space<hbm>> -> memref<112xi32, #tpu.memory_space<hbm>>
        tpu.wait_dma2 semaphore(%run_scoped3A : memref<!tpu.dma_semaphore, #tpu.memory_space<semaphore_mem>>) src(%dma_wait3A_22 : memref<112xi32, #tpu.memory_space<hbm>>) dst(%arg5 : memref<112xi32, #tpu.memory_space<vmem>>)
        tpu.yield
      }) : () -> ()
      %dma_start3A = arith.constant 0 : i32
      %dma_start3A_14 = arith.constant 0 : i32
      %dma_start3A_15 = tpu.memref_slice %arg2[%dma_start3A, %dma_start3A_14] : memref<10000x128xf32, #tpu.memory_space<hbm>> -> memref<10000x128xf32, #tpu.memory_space<hbm>>
      tpu.enqueue_indirect_dma source(%dma_start3A_15 : memref<10000x128xf32, #tpu.memory_space<hbm>>) target(%arg6 : memref<112x128xf32, #tpu.memory_space<vmem>>) offsets(%arg5 : memref<112xi32, #tpu.memory_space<vmem>>) semaphore(%arg7 : memref<!tpu.dma_semaphore, #tpu.memory_space<semaphore_mem>>)
      %dma_wait3A = arith.constant 0 : i32
      %dma_wait3A_16 = arith.constant 0 : i32
      %dma_wait3A_17 = tpu.memref_slice %arg2[%dma_wait3A, %dma_wait3A_16] : memref<10000x128xf32, #tpu.memory_space<hbm>> -> memref<10000x128xf32, #tpu.memory_space<hbm>>
      tpu.wait_indirect_dma semaphore(%arg7 : memref<!tpu.dma_semaphore, #tpu.memory_space<semaphore_mem>>) src(%dma_wait3A_17 : memref<10000x128xf32, #tpu.memory_space<hbm>>) dst(%arg6 : memref<112x128xf32, #tpu.memory_space<vmem>>)
      "tpu.region"() ({
        %run_scoped3A = tpu.sem_alloc : memref<!tpu.dma_semaphore, #tpu.memory_space<semaphore_mem>>
        %dma_start3A_19 = arith.constant 0 : i32
        %dma_start3A_20 = tpu.memref_slice %arg4[%add3A_13, %dma_start3A_19] : memref<50176x128xf32, #tpu.memory_space<hbm>> -> memref<112x128xf32, #tpu.memory_space<hbm>>
        %dma_start3A_21 = arith.constant 0 : i32
        %dma_start3A_22 = tpu.memref_slice %arg4[%add3A_13, %dma_start3A_21] : memref<50176x128xf32, #tpu.memory_space<hbm>> -> memref<112x128xf32, #tpu.memory_space<hbm>>
        tpu.enqueue_dma source(%arg6 : memref<112x128xf32, #tpu.memory_space<vmem>>) target(%dma_start3A_22 : memref<112x128xf32, #tpu.memory_space<hbm>>) target_semaphore(%run_scoped3A : memref<!tpu.dma_semaphore, #tpu.memory_space<semaphore_mem>>)
        %dma_wait3A_23 = arith.constant 0 : i32
        %dma_wait3A_24 = tpu.memref_slice %arg4[%add3A_13, %dma_wait3A_23] : memref<50176x128xf32, #tpu.memory_space<hbm>> -> memref<112x128xf32, #tpu.memory_space<hbm>>
        %dma_wait3A_25 = arith.constant 0 : i32
        %dma_wait3A_26 = tpu.memref_slice %arg4[%add3A_13, %dma_wait3A_25] : memref<50176x128xf32, #tpu.memory_space<hbm>> -> memref<112x128xf32, #tpu.memory_space<hbm>>
        tpu.wait_dma2 semaphore(%run_scoped3A : memref<!tpu.dma_semaphore, #tpu.memory_space<semaphore_mem>>) src(%arg6 : memref<112x128xf32, #tpu.memory_space<vmem>>) dst(%dma_wait3A_26 : memref<112x128xf32, #tpu.memory_space<hbm>>)
        tpu.yield
      }) : () -> ()
      %scan3A_18 = arith.constant 0 : i32
      scf.yield %scan3A_18 : i32
    }
    %scan3A_8 = arith.constant 14 : i32
    return
  }
}

module attributes {stable_mosaic.version = 14 : i64} {
  func.func @_dense_body(%arg0: i32, %arg1: memref<1000x256xf32, #tpu.memory_space<vmem>>, %arg2: memref<3x2x1000x128xf32, #tpu.memory_space<vmem>>, %arg3: memref<3x1000x1xf32, #tpu.memory_space<vmem>>, %arg4: memref<1024x256xf32, #tpu.memory_space<vmem>>, %arg5: memref<1x256xf32, #tpu.memory_space<vmem>>, %arg6: memref<256x128xf32, #tpu.memory_space<vmem>>, %arg7: memref<1x128xf32, #tpu.memory_space<vmem>>, %arg8: memref<1000x128xf32, #tpu.memory_space<vmem>>) attributes {dimension_semantics = [#tpu.dimension_semantics<arbitrary>], iteration_bounds = array<i64: 10>, scalar_prefetch = 0 : i64, scratch_operands = 0 : i64, tpu.core_type = #tpu.core_type<tc>, window_params = [{transform_indices = @transform_0, window_bounds = array<i64: 1000, 256>}, {transform_indices = @transform_1, window_bounds = array<i64: 3, 2, 1000, 128>}, {transform_indices = @transform_2, window_bounds = array<i64: 3, 1000, 1>}, {pipeline_mode = #tpu.pipeline_mode<synchronous>, transform_indices = @transform_3, window_bounds = array<i64: 1024, 256>}, {pipeline_mode = #tpu.pipeline_mode<synchronous>, transform_indices = @transform_4, window_bounds = array<i64: 1, 256>}, {pipeline_mode = #tpu.pipeline_mode<synchronous>, transform_indices = @transform_5, window_bounds = array<i64: 256, 128>}, {pipeline_mode = #tpu.pipeline_mode<synchronous>, transform_indices = @transform_6, window_bounds = array<i64: 1, 128>}, {transform_indices = @transform_7, window_bounds = array<i64: 1000, 128>}]} {
    %get3A = arith.constant 0 : index
    %get3A_0 = arith.constant 0 : index
    %get3A_1 = vector.load %arg1[%get3A, %get3A_0] : memref<1000x256xf32, #tpu.memory_space<vmem>>, vector<1000x256xf32>
    %get3A_2 = arith.constant 0 : index
    %get3A_3 = arith.constant 0 : index
    %get3A_4 = arith.constant 0 : index
    %get3A_5 = vector.load %arg3[%get3A_2, %get3A_3, %get3A_4] : memref<3x1000x1xf32, #tpu.memory_space<vmem>>, vector<1x1000x1xf32>
    %get3A_6 = vector.shape_cast %get3A_5 : vector<1x1000x1xf32> to vector<1000x1xf32>
    %max3A = arith.constant 1.000000e+00 : f32
    %max3A_7 = vector.broadcast %max3A : f32 to vector<1000x1xf32>
    %max3A_8 = arith.maximumf %get3A_6, %max3A_7 : vector<1000x1xf32>
    %div3A = arith.constant 1.000000e+00 : f32
    %div3A_9 = vector.broadcast %div3A : f32 to vector<1000x1xf32>
    %div3A_10 = arith.divf %div3A_9, %max3A_8 : vector<1000x1xf32>
    %get3A_11 = arith.constant 0 : index
    %get3A_12 = arith.constant 0 : index
    %get3A_13 = arith.constant 0 : index
    %get3A_14 = arith.constant 0 : index
    %get3A_15 = vector.load %arg2[%get3A_11, %get3A_12, %get3A_13, %get3A_14] : memref<3x2x1000x128xf32, #tpu.memory_space<vmem>>, vector<1x1x1000x128xf32>
    %get3A_16 = vector.shape_cast %get3A_15 : vector<1x1x1000x128xf32> to vector<1000x128xf32>
    %mul3A = vector.broadcast %div3A_10 : vector<1000x1xf32> to vector<1000x128xf32>
    %mul3A_17 = arith.mulf %get3A_16, %mul3A : vector<1000x128xf32>
    %get3A_18 = arith.constant 0 : index
    %get3A_19 = arith.constant 1 : index
    %get3A_20 = arith.constant 0 : index
    %get3A_21 = arith.constant 0 : index
    %get3A_22 = vector.load %arg2[%get3A_18, %get3A_19, %get3A_20, %get3A_21] : memref<3x2x1000x128xf32, #tpu.memory_space<vmem>>, vector<1x1x1000x128xf32>
    %get3A_23 = vector.shape_cast %get3A_22 : vector<1x1x1000x128xf32> to vector<1000x128xf32>
    %mul3A_24 = vector.broadcast %div3A_10 : vector<1000x1xf32> to vector<1000x128xf32>
    %mul3A_25 = arith.mulf %get3A_23, %mul3A_24 : vector<1000x128xf32>
    %get3A_26 = arith.constant 1 : index
    %get3A_27 = arith.constant 0 : index
    %get3A_28 = arith.constant 0 : index
    %get3A_29 = vector.load %arg3[%get3A_26, %get3A_27, %get3A_28] : memref<3x1000x1xf32, #tpu.memory_space<vmem>>, vector<1x1000x1xf32>
    %get3A_30 = vector.shape_cast %get3A_29 : vector<1x1000x1xf32> to vector<1000x1xf32>
    %max3A_31 = arith.constant 1.000000e+00 : f32
    %max3A_32 = vector.broadcast %max3A_31 : f32 to vector<1000x1xf32>
    %max3A_33 = arith.maximumf %get3A_30, %max3A_32 : vector<1000x1xf32>
    %div3A_34 = arith.constant 1.000000e+00 : f32
    %div3A_35 = vector.broadcast %div3A_34 : f32 to vector<1000x1xf32>
    %div3A_36 = arith.divf %div3A_35, %max3A_33 : vector<1000x1xf32>
    %get3A_37 = arith.constant 1 : index
    %get3A_38 = arith.constant 0 : index
    %get3A_39 = arith.constant 0 : index
    %get3A_40 = arith.constant 0 : index
    %get3A_41 = vector.load %arg2[%get3A_37, %get3A_38, %get3A_39, %get3A_40] : memref<3x2x1000x128xf32, #tpu.memory_space<vmem>>, vector<1x1x1000x128xf32>
    %get3A_42 = vector.shape_cast %get3A_41 : vector<1x1x1000x128xf32> to vector<1000x128xf32>
    %mul3A_43 = vector.broadcast %div3A_36 : vector<1000x1xf32> to vector<1000x128xf32>
    %mul3A_44 = arith.mulf %get3A_42, %mul3A_43 : vector<1000x128xf32>
    %get3A_45 = arith.constant 1 : index
    %get3A_46 = arith.constant 1 : index
    %get3A_47 = arith.constant 0 : index
    %get3A_48 = arith.constant 0 : index
    %get3A_49 = vector.load %arg2[%get3A_45, %get3A_46, %get3A_47, %get3A_48] : memref<3x2x1000x128xf32, #tpu.memory_space<vmem>>, vector<1x1x1000x128xf32>
    %get3A_50 = vector.shape_cast %get3A_49 : vector<1x1x1000x128xf32> to vector<1000x128xf32>
    %mul3A_51 = vector.broadcast %div3A_36 : vector<1000x1xf32> to vector<1000x128xf32>
    %mul3A_52 = arith.mulf %get3A_50, %mul3A_51 : vector<1000x128xf32>
    %get3A_53 = arith.constant 2 : index
    %get3A_54 = arith.constant 0 : index
    %get3A_55 = arith.constant 0 : index
    %get3A_56 = vector.load %arg3[%get3A_53, %get3A_54, %get3A_55] : memref<3x1000x1xf32, #tpu.memory_space<vmem>>, vector<1x1000x1xf32>
    %get3A_57 = vector.shape_cast %get3A_56 : vector<1x1000x1xf32> to vector<1000x1xf32>
    %max3A_58 = arith.constant 1.000000e+00 : f32
    %max3A_59 = vector.broadcast %max3A_58 : f32 to vector<1000x1xf32>
    %max3A_60 = arith.maximumf %get3A_57, %max3A_59 : vector<1000x1xf32>
    %div3A_61 = arith.constant 1.000000e+00 : f32
    %div3A_62 = vector.broadcast %div3A_61 : f32 to vector<1000x1xf32>
    %div3A_63 = arith.divf %div3A_62, %max3A_60 : vector<1000x1xf32>
    %get3A_64 = arith.constant 2 : index
    %get3A_65 = arith.constant 0 : index
    %get3A_66 = arith.constant 0 : index
    %get3A_67 = arith.constant 0 : index
    %get3A_68 = vector.load %arg2[%get3A_64, %get3A_65, %get3A_66, %get3A_67] : memref<3x2x1000x128xf32, #tpu.memory_space<vmem>>, vector<1x1x1000x128xf32>
    %get3A_69 = vector.shape_cast %get3A_68 : vector<1x1x1000x128xf32> to vector<1000x128xf32>
    %mul3A_70 = vector.broadcast %div3A_63 : vector<1000x1xf32> to vector<1000x128xf32>
    %mul3A_71 = arith.mulf %get3A_69, %mul3A_70 : vector<1000x128xf32>
    %get3A_72 = arith.constant 2 : index
    %get3A_73 = arith.constant 1 : index
    %get3A_74 = arith.constant 0 : index
    %get3A_75 = arith.constant 0 : index
    %get3A_76 = vector.load %arg2[%get3A_72, %get3A_73, %get3A_74, %get3A_75] : memref<3x2x1000x128xf32, #tpu.memory_space<vmem>>, vector<1x1x1000x128xf32>
    %get3A_77 = vector.shape_cast %get3A_76 : vector<1x1x1000x128xf32> to vector<1000x128xf32>
    %mul3A_78 = vector.broadcast %div3A_63 : vector<1000x1xf32> to vector<1000x128xf32>
    %mul3A_79 = arith.mulf %get3A_77, %mul3A_78 : vector<1000x128xf32>
    %concatenate3A = tpu.concatenate %get3A_1, %mul3A_17, %mul3A_25, %mul3A_44, %mul3A_52, %mul3A_71, %mul3A_79 in 1 : vector<1000x256xf32>, vector<1000x128xf32>, vector<1000x128xf32>, vector<1000x128xf32>, vector<1000x128xf32>, vector<1000x128xf32>, vector<1000x128xf32> -> vector<1000x1024xf32>
    %get3A_80 = arith.constant 0 : index
    %get3A_81 = arith.constant 0 : index
    %get3A_82 = vector.load %arg4[%get3A_80, %get3A_81] : memref<1024x256xf32, #tpu.memory_space<vmem>>, vector<1024x256xf32>
    %dot_general3A = arith.constant dense<0.000000e+00> : vector<1000x256xf32>
    %dot_general3A_83 = tpu.matmul %concatenate3A, %get3A_82, %dot_general3A {dimension_numbers = #tpu.dot_dimension_numbers<[1], [0], [0], [1], [0, 0, 1, 1], [], []>, transpose_lhs_hint = false} : vector<1000x1024xf32>, vector<1024x256xf32>, vector<1000x256xf32> -> vector<1000x256xf32>
    %get3A_84 = arith.constant 0 : index
    %get3A_85 = arith.constant 0 : index
    %get3A_86 = vector.load %arg5[%get3A_84, %get3A_85] : memref<1x256xf32, #tpu.memory_space<vmem>>, vector<1x256xf32>
    %add3A = vector.broadcast %get3A_86 : vector<1x256xf32> to vector<1000x256xf32>
    %add3A_87 = arith.addf %dot_general3A_83, %add3A : vector<1000x256xf32>
    %tanh3A = math.tanh %add3A_87 : vector<1000x256xf32>
    %get3A_88 = arith.constant 0 : index
    %get3A_89 = arith.constant 0 : index
    %get3A_90 = vector.load %arg6[%get3A_88, %get3A_89] : memref<256x128xf32, #tpu.memory_space<vmem>>, vector<256x128xf32>
    %dot_general3A_91 = arith.constant dense<0.000000e+00> : vector<1000x128xf32>
    %dot_general3A_92 = tpu.matmul %tanh3A, %get3A_90, %dot_general3A_91 {dimension_numbers = #tpu.dot_dimension_numbers<[1], [0], [0], [1], [0, 0, 1, 1], [], []>, transpose_lhs_hint = false} : vector<1000x256xf32>, vector<256x128xf32>, vector<1000x128xf32> -> vector<1000x128xf32>
    %get3A_93 = arith.constant 0 : index
    %get3A_94 = arith.constant 0 : index
    %get3A_95 = vector.load %arg7[%get3A_93, %get3A_94] : memref<1x128xf32, #tpu.memory_space<vmem>>, vector<1x128xf32>
    %add3A_96 = vector.broadcast %get3A_95 : vector<1x128xf32> to vector<1000x128xf32>
    %add3A_97 = arith.addf %dot_general3A_92, %add3A_96 : vector<1000x128xf32>
    %swap3A = arith.constant 0 : index
    %swap3A_98 = arith.constant 0 : index
    %swap3A_99 = vector.load %arg8[%swap3A, %swap3A_98] : memref<1000x128xf32, #tpu.memory_space<vmem>>, vector<1000x128xf32>
    tpu.vector_store %arg8[%swap3A, %swap3A_98], %add3A_97 {strides = array<i32>} : memref<1000x128xf32, #tpu.memory_space<vmem>>, vector<1000x128xf32>,
    return
  }
  func.func @transform_0(%arg0: i32) -> (i32, i32) {
    %c0_i32 = arith.constant 0 : i32
    %c0_i32_0 = arith.constant 0 : i32
    return %arg0, %c0_i32 : i32, i32
  }
  func.func @transform_1(%arg0: i32) -> (i32, i32, i32, i32) {
    %c0_i32 = arith.constant 0 : i32
    %c0_i32_0 = arith.constant 0 : i32
    %c0_i32_1 = arith.constant 0 : i32
    %c0_i32_2 = arith.constant 0 : i32
    return %c0_i32, %c0_i32_0, %arg0, %c0_i32_1 : i32, i32, i32, i32
  }
  func.func @transform_2(%arg0: i32) -> (i32, i32, i32) {
    %c0_i32 = arith.constant 0 : i32
    %c0_i32_0 = arith.constant 0 : i32
    %c0_i32_1 = arith.constant 0 : i32
    return %c0_i32, %arg0, %c0_i32_0 : i32, i32, i32
  }
  func.func @transform_3(%arg0: i32) -> (i32, i32) {
    %c0_i32 = arith.constant 0 : i32
    %c0_i32_0 = arith.constant 0 : i32
    %c0_i32_1 = arith.constant 0 : i32
    return %c0_i32, %c0_i32_0 : i32, i32
  }
  func.func @transform_4(%arg0: i32) -> (i32, i32) {
    %c0_i32 = arith.constant 0 : i32
    %c0_i32_0 = arith.constant 0 : i32
    %c0_i32_1 = arith.constant 0 : i32
    return %c0_i32, %c0_i32_0 : i32, i32
  }
  func.func @transform_5(%arg0: i32) -> (i32, i32) {
    %c0_i32 = arith.constant 0 : i32
    %c0_i32_0 = arith.constant 0 : i32
    %c0_i32_1 = arith.constant 0 : i32
    return %c0_i32, %c0_i32_0 : i32, i32
  }
  func.func @transform_6(%arg0: i32) -> (i32, i32) {
    %c0_i32 = arith.constant 0 : i32
    %c0_i32_0 = arith.constant 0 : i32
    %c0_i32_1 = arith.constant 0 : i32
    return %c0_i32, %c0_i32_0 : i32, i32
  }
  func.func @transform_7(%arg0: i32) -> (i32, i32) {
    %c0_i32 = arith.constant 0 : i32
    %c0_i32_0 = arith.constant 0 : i32
    return %arg0, %c0_i32 : i32, i32
  }
}

</mosaic_0001>

<sc_bundles>
// kernel: kernel.5.cloned.1.call-start
scs
__scs_entry_jumppad:
0x0: {  	(pc) =	sbr.rel $0x88, $3  }
0x1: {  	(tag) =	ssettag $0x0;
	lr =	simm.s32 $0x1  }
0x2: {  	[smem:$0x3F98] =	sst lr;
	_ =	strace $0xD0000000  }
0x3: {  	_ = 	snop  }
0x4: {  	_ = 	snop  }
0x5: {  	_ = 	snop  }
0x6: {  	_ = 	snop  }
0x7: {  	_ = 	snop  }
__scs_overlays_trampoline_lowered:
0x8: {  	[smem:$0x3FA7] =	sst s0  }
0x9: {  	[smem:$0x3FA8] =	sst s1  }
0xa: {  	[smem:$0x3FA9] =	sst s2  }
0xb: {  	[smem:$0x3FAA] =	sst s3  }
0xc: {  	[smem:$0x3FAB] =	sst s4  }
0xd: {  	[smem:$0x3FAC] =	sst s5  }
0xe: {  	[smem:$0x3FAD] =	sst s6  }
0xf: {  	[smem:$0x3FAE] =	sst s7  }
0x10: {  	[smem:$0x3FAF] =	sst s8  }
0x11: {  	[smem:$0x3FB0] =	sst s9;
	s0 =	simm.s32 @!p0 $0x0  }
0x12: {  	s1 =	sld [smem:$0x3F96];
	s0 =	simm.s32 @p0 $0x1  }
0x13: {  	[smem:$0x3FB1] =	sst s0;
	s0 =	simm.s32 @!p1 $0x0  }
0x14: {  	s2 =	sld [smem:$0x3F95];
	s0 =	simm.s32 @p1 $0x1  }
0x15: {  	[smem:$0x3FB2] =	sst s0;
	s0 =	simm.s32 @!p2 $0x0  }
0x16: {  	s3 =	sld [smem:$0x3FDB];
	s0 =	simm.s32 @p2 $0x1  }
0x17: {  	s4 =	simm.s32 $0x1BF5;
	[smem:$0x3FB4] =	sst s0  }
0x18: {  	s0 =	sld [smem:$0x3F97];
	_ =	swait.ge [sflag:s4], $0x0  }
0x19: {  	s7 =	sld [smem:$0x3F98]  }
0x1a: {  	s8 =	sadd.s32 $0xFFFFE003, lr  }
0x1b: {  	s9 =	sadd.s32 $0xFFFFFEF7, lr;
	s5 =	simm.s32 $0xFFFFFFFF;
	p2 =	slt.u32 s8, $0xFFFFF086  }
0x1c: {  	p1 =	slt.u32 s9, $0xF7A;
	s5 =	simm.s32 @!p2 $0x0  }
0x1d: {  	s5 =	simm.s32 @p1 $0x1;
	p0 =	seq.s32 s7, s2  }
0x1e: {  	s7 =	smul.u32 @!p0 $0xF7A, s2;
	p2 =	seq.s32 @!p0 s5, $0x0  }
0x1f: {  	s9 =	smul.u32 $0xF7A, s1;
	s8 =	simm.s32 @!p0 $0x1BF5;
	p2 =	por !p2, p0  }
0x20: {  	[sflag:s8] =	ssyncset.s32 @!p0 $0xFFFFF086;
	s6 =	sadd.s32 @!p0 s3, s7;
	s7 =	simm.s32 @!p0 $0x108  }
0x21: {  	s3 =	sadd.s32 s3, s9;
	s6 =	sadd.s32 @!p0 $0x88, s6;
	s7 =	simm.s32 @p2 $0x1082  }
0x22: {  	[simem:s7], [sflag:s8] =	dma.local @!p0 [hbm:s6], $0xF7A  }
0x23: {  	s9 =	sor.u32 $0xD0000000, s2;
	s6 =	simm.s32 $0x108;
	_ =	swait.ge @!p0 [sflag:s8], $0x0  }
0x24: {  	s3 =	sadd.s32 $0x88, s3;
	s6 =	simm.s32 @!p1 $0x1082;
	[sflag:s4] =	ssyncset.s32 $0xFFFFF086  }
0x25: {  	[simem:s6], [sflag:s4] =	dma.local [hbm:s3], $0xF7A  }
0x26: {  	[smem:$0x3F98] =	sst s1;
	(tag) =	ssettag s2;
	_ =	strace s9  }
0x27: {  	s1 =	sld [smem:$0x3FA8]  }
0x28: {  	s2 =	sld [smem:$0x3FA9]  }
0x29: {  	s4 =	sld [smem:$0x3FAB]  }
0x2a: {  	p0 =	seq.s32 s5, $0x0;
	s5 =	sld [smem:$0x3FAC]  }
0x2b: {  	s6 =	sld [smem:$0x3FAD]  }
0x2c: {  	s7 =	sld [smem:$0x3FAE]  }
0x2d: {  	s3 =	simm.s32 $0x108;
	s8 =	sld [smem:$0x3FAF]  }
0x2e: {  	s3 =	simm.s32 @!p0 $0x1082;
	s9 =	sld [smem:$0x3FB0]  }
0x2f: {  	lr =	sadd.s32 s0, s3;
	s0 =	sld [smem:$0x3FA7]  }
0x30: {  	s3 =	sld [smem:$0x3FAA]  }
0x31: {  	[smem:$0x3FB3] =	sst s10  }
0x32: {  	s10 =	sld [smem:$0x3FB1];
	_ =	sdelay $0x3  }
0x33: {  	p0 =	seq.s32 s10, $0x1;
	s10 =	sld [smem:$0x3FB3];
	_ =	sdelay $0x3  }
0x34: {  	[smem:$0x3FB3] =	sst s10  }
0x35: {  	s10 =	sld [smem:$0x3FB2];
	_ =	sdelay $0x3  }
0x36: {  	p1 =	seq.s32 s10, $0x1;
	s10 =	sld [smem:$0x3FB3];
	_ =	sdelay $0x3  }
0x37: {  	[smem:$0x3FB3] =	sst s10  }
0x38: {  	s10 =	sld [smem:$0x3FB4]  }
0x39: {  	_ = 	snop;
	(pc) =	sbr.ind lr, $3  }
0x3a: {  	_ = 	snop  }
0x3b: {  	_ = 	snop  }
0x3c: {  	p2 =	seq.s32 s10, $0x1;
	s10 =	sld [smem:$0x3FB3]  }
0x3d: {  	_ =	shalt  }
0x3e: {  	_ =	shalt  }
0x3f: {  	_ =	shalt  }
0x40: {  	_ =	shalt  }
0x41: {  	_ =	shalt  }
0x42: {  	_ =	shalt  }
0x43: {  	_ =	shalt  }
0x44: {  	_ =	shalt  }
0x45: {  	_ =	shalt  }
0x46: {  	_ =	shalt  }
0x47: {  	_ =	shalt  }
0x48: {  	_ =	shalt  }
0x49: {  	_ =	shalt  }
0x4a: {  	_ =	shalt  }
0x4b: {  	_ =	shalt  }
0x4c: {  	_ =	shalt  }
0x4d: {  	_ =	shalt  }
0x4e: {  	_ =	shalt  }
0x4f: {  	_ =	shalt  }
0x50: {  	_ =	shalt  }
0x51: {  	_ =	shalt  }
0x52: {  	_ =	shalt  }
0x53: {  	_ =	shalt  }
0x54: {  	_ =	shalt  }
0x55: {  	_ =	shalt  }
0x56: {  	_ =	shalt  }
0x57: {  	_ =	shalt  }
0x58: {  	_ =	shalt  }
0x59: {  	_ =	shalt  }
0x5a: {  	_ =	shalt  }
0x5b: {  	_ =	shalt  }
0x5c: {  	_ =	shalt  }
0x5d: {  	_ =	shalt  }
0x5e: {  	_ =	shalt  }
0x5f: {  	_ =	shalt  }
0x60: {  	_ =	shalt  }
0x61: {  	_ =	shalt  }
0x62: {  	_ =	shalt  }
0x63: {  	_ =	shalt  }
0x64: {  	_ =	shalt  }
0x65: {  	_ =	shalt  }
0x66: {  	_ =	shalt  }
0x67: {  	_ =	shalt  }
0x68: {  	_ =	shalt  }
0x69: {  	_ =	shalt  }
0x6a: {  	_ =	shalt  }
0x6b: {  	_ =	shalt  }
0x6c: {  	_ =	shalt  }
0x6d: {  	_ =	shalt  }
0x6e: {  	_ =	shalt  }
0x6f: {  	_ =	shalt  }
0x70: {  	_ =	shalt  }
0x71: {  	_ =	shalt  }
0x72: {  	_ =	shalt  }
0x73: {  	_ =	shalt  }
0x74: {  	_ =	shalt  }
0x75: {  	_ =	shalt  }
0x76: {  	_ =	shalt  }
0x77: {  	_ =	shalt  }
0x78: {  	_ =	shalt  }
0x79: {  	_ =	shalt  }
0x7a: {  	_ =	shalt  }
0x7b: {  	_ =	shalt  }
0x7c: {  	_ =	shalt  }
0x7d: {  	_ =	shalt  }
0x7e: {  	_ =	shalt  }
0x7f: {  	_ =	shalt  }
0x80: {  	_ =	shalt  }
0x81: {  	_ =	shalt  }
0x82: {  	_ =	shalt  }
0x83: {  	_ =	shalt  }
0x84: {  	_ =	shalt  }
0x85: {  	_ =	shalt  }
0x86: {  	_ =	shalt  }
0x87: {  	_ =	shalt  }
.Lfunc_end0:
.L_simem_size_0:
called_computation_lowered:
.L_overlay_start_0:
0x88: {  	s2 =	sld [smem:$0x3FD9]  }
0x89: {  	s3 =	sld [smem:$0x3FFE];
	_ =	sdelay $0x1  }
0x8a: {  	s1 =	srdreg.scid  }
0x8b: {  	s0 =	sand.u32 $0x1, s1  }
0x8c: {  	s17 =	sshll.u32 s0, $0xA;
	s2 =	sadd.s32 s3, s2  }
0x8d: {  	s2 =	sadd.s32 s2, s17  }
0x8e: {  	[smem:$0x3FBF] =	sst s2  }
0x8f: {  	_ = 	snop  }
0x90: {  	s2 =	sld [smem:$0x3FD0];
	(tm) =	ssettm $0x1  }
0x91: {  	s18 =	sld [smem:$0x3FFB];
	_ =	sdelay $0x3  }
0x92: {  	_ =	strace s18  }
0x93: {  	s3 =	sld [smem:$0x3FFC];
	_ =	sdelay $0x3  }
0x94: {  	_ =	strace s3  }
0x95: {  	s3 =	sld [smem:$0x3FFD];
	_ =	sdelay $0x3  }
0x96: {  	_ =	strace s3  }
0x97: {  	_ =	strace $0x8FFFFFFF  }
0x98: {  	s19 =	sld [smem:$0x3FDB];
	_ =	sdelay $0x1  }
0x99: {  	s4 =	simm.s32 $_scs_section_size  }
0x9a: {  	s5 =	simm.s32 $_size__tile_overlayer_lowered;
	s6 =	simm.s32 $_tile_overlayer_lowered  }
0x9b: {  	s22 =	simm.s32 $0x1BFF;
	s21 =	sshll.u32 s6, $0x1;
	s3 =	sadd.s32 s4, s19  }
0x9c: {  	s7 =	simm.s32 $0x0;
	s20 =	sshll.u32 s5, $0x1;
	s5 =	sadd.s32 s21, s3  }
0x9d: {  	[timem:s7], [sflag:s22] =	dma.local [hbm:s5], s20  }
0x9e: {  	_ =	swait.ge [sflag:s22], s20  }
0x9f: {  	s4 =	ssub.s32 $0x0, s20;
	[sflag:s22] =	ssyncset.done $0x0  }
0xa0: {  	[sflag:s22] =	ssyncadd.s32 s4;
	_ =	sdelay $0x1  }
0xa1: {  	s23 =	simm.s32 $0x1B8B  }
0xa2: {  	_ =	swait.ge [sflag:s23], $0x1  }
0xa3: {  	[sflag:s23] =	ssyncset.done $0x0  }
0xa4: {  	s25 =	simm.s32 $0x1B8E;
	s24 =	sld [smem:$0x3FFE];
	[sflag:s23] =	ssyncadd.s32 $0xFFFFFFFF  }
0xa5: {  	s26 =	simm.s32 $execute0_lowered;
	[smem:$0x3FD2] =	sst s25  }
0xa6: {  	s5 =	sshll.u32 s26, $0x1;
	_ =	strace $0x80000046;
	[dreg:$0x1] =	wrdreg $0xFFFFFFFF  }
0xa7: {  	s28 =	simm.s32 $_size_execute0_lowered;
	s3 =	sadd.s32 s3, s5;
	[dreg:$0x0] =	wrdreg $0x0  }
0xa8: {  	s5 =	sshll.u32 s28, $0x1;
	[dreg:$0x2] =	wrdreg s3  }
0xa9: {  	[dreg:$0x3] =	wrdreg s5  }
0xaa: {  	[dreg:$0x4] =	wrdreg $0xC0  }
0xab: {  	_ =	task [dreg:s7], $0x5FFFF  }
0xac: {  	[dreg:$0x1] =	wrdreg $0xFFFFFFFF  }
0xad: {  	[dreg:$0x0] =	wrdreg $0x60  }
0xae: {  	[dreg:$0x2] =	wrdreg s24  }
0xaf: {  	[dreg:$0x3] =	wrdreg s2  }
0xb0: {  	[dreg:$0x4] =	wrdreg $0x8C800  }
0xb1: {  	[dreg:$0x5] =	wrdreg $0x1C5000  }
0xb2: {  	[dreg:$0x6] =	wrdreg $0x9  }
0xb3: {  	_ =	task.clear_ibuf [dreg:s7], $0x7FFFF;
	_ =	strace $0x90000046  }
0xb4: {  	s29 =	simm.s32 $0x9;
	_ =	strace $0x80000048  }
0xb5: {  	_ =	swait.ge [sflag:s29], $0x1  }
0xb6: {  	[sflag:s29] =	ssyncadd.s32 $0xFFFFFFFF  }
0xb7: {  	_ =	strace $0x90000048  }
0xb8: {  	_ =	sfence  }
0xb9: {  	s30 =	sld [smem:$0x0];
	_ =	sdelay $0x2  }
0xba: {  	s31 =	sshll.u32 s1, $0xD;
	s1 =	sshrl.u32 s1, $0x2  }
0xbb: {  	s3 =	sand.u32 $0x4000, s31;
	s1 =	sadd.s32 s1, s30  }
0xbc: {  	s0 =	sor.u32 s3, s0;
	s1 =	sshll.u32 s1, $0x11  }
0xbd: {  	s0 =	sor.u32 s1, s0  }
0xbe: {  	s0 =	sadd.s32 $0x8F2B, s0  }
0xbf: {  	[sflag:s0] =	ssyncadd.remote.s32 $0x1  }
0xc0: {  	_ =	sfence.sel $0xFFFF  }
0xc1: {  	[dreg:$0x0] =	wrdreg $0xFFFFFFFF;
	(pc) =	sbr.abs _section_cstart, $3  }
0xc2: {  	[dreg:$0x1] =	wrdreg $0xFFFFFFFF  }
0xc3: {  	_ =	task.clear_ibuf [dreg:s7], $0x2FFFF;
	_ =	strace $0x9FFFFFFF  }
0xc4: {  	(tm) =	ssettm $0x7FFFFFFF  }
0xc5: {  	_ =	shalt  }
tec
execute0_lowered:
.L_overlay_start_1:
0x0: {  	(tag) =	ssettag $0x1  }
0x1: {  	s0 =	rddreg [dreg:$0x0]  }
0x2: {  	s1 =	rddreg [dreg:$0x1]  }
0x3: {  	s3 =	rddreg [dreg:$0x2]  }
0x4: {  	s4 =	rddreg [dreg:$0x3]  }
0x5: {  	s5 =	simm.s32 $0x0;
	s6 =	stileid.u32;
	s9 =	srdreg.scid  }
0x6: {  	s14 =	simm.s32 $0x5;
	s31 =	simm.s32 $0x2900;
	s2 =	smul.u32 $0x4E2, s6  }
0x7: {  	[smem:$0x7FF] =	sst s5;
	s30 =	smul.u32 $0x280, s6;
	s8 =	sadd.s32 $0x1000, s0  }
0x8: {  	s7 =	sadd.s32 $0x45A00, s0;
	s10 =	sand.u32 $0x1, s9;
	s9 =	sadd.s32 $0x47000, s0  }
0x9: {  	p0 =	seq.s32 s6, $0xF;
	s26 =	sadd.s32 $0x464B0, s0;
	s29 =	sadd.s32 $0x46992, s0  }
0xa: {  	s16 =	smul.u32 $0x2800, s6;
	_ =	strace $0x80000047;
	[dreg:$0xa] =	wrdreg s26  }
0xb: {  	s17 =	smul.u32 $0x14000, s6;
	s12 =	ssub.s32 $0x2, s10;
	[dreg:$0xc] =	wrdreg s29  }
0xc: {  	s14 =	simm.s32 @!p0 $0x8;
	p1 =	seq.s32 s10, $0x0;
	[dreg:$0x7] =	wrdreg s9  }
0xd: {  	s2 =	sadd.s32 s2, s0;
	s11 =	sshrl.u32 s30, $0x3;
	s13 =	sshrl.u32 s12, $0x1  }
0xe: {  	s1 =	smov.u32 @p1 s8;
	p1 =	sne.s32 s10, $0x0;
	[dreg:$0x8] =	wrdreg s14  }
0xf: {  	s24 =	sadd.s32 $0x138800, s17;
	s26 =	sadd.s32 $0x61A800, s17;
	[dreg:$0x5] =	wrdreg s30  }
0x10: {  	s29 =	sadd.s32 $0xFFFFFFFF, s14;
	s8 =	simm.s32 $0x0;
	[dreg:$0x6] =	wrdreg s11  }
0x11: {  	s11 =	sadd.s32 s11, s0;
	s12 =	ssub.s32 s12, s13;
	s0 =	sadd.s32 $0x46E74, s0  }
0x12: {  	s18 =	sadd.s32 $0x36E00, s2;
	s19 =	sadd.s32 $0x28200, s2;
	[dreg:$0x10] =	wrdreg s24  }
0x13: {  	s20 =	sadd.s32 $0x3BC20, s2;
	s21 =	sadd.s32 $0x2D020, s2;
	[dreg:$0x13] =	wrdreg s26  }
0x14: {  	s22 =	sadd.s32 $0x40A40, s2;
	s23 =	sadd.s32 $0x31E40, s2;
	[dreg:$0x15] =	wrdreg s29  }
0x15: {  	s2 =	simm.s32 $0x50;
	s25 =	sadd.s32 $0x46000, s11;
	[dreg:$0xe] =	wrdreg s0  }
0x16: {  	s13 =	simm.s32 $0x10;
	s28 =	sadd.s32 $0x464E2, s11;
	[dreg:$0x9] =	wrdreg s25  }
0x17: {  	s24 =	simm.s32 $0x1;
	s11 =	sadd.s32 $0x469C4, s11;
	[dreg:$0xb] =	wrdreg s28  }
0x18: {  	s15 =	smax.u32 s12, $0x1;
	s0 =	sadd.s32 s16, s9;
	[dreg:$0xd] =	wrdreg s11  }
.Ltmp0:
0x19: {  	s12 =	simm.s32 $0x2980;
	[dreg:$0xf] =	wrdreg s15;
	(pc) =	sbr.rel .LBB2_1-.Ltmp0, $4  }
0x1a: {  	s16 =	simm.s32 $0x80;
	[dreg:$0x11] =	wrdreg s0;
	s25 =	sadd.s32 $0x3A9800, s17  }
0x1b: {  	s28 =	smul.u32 $0x5, s14;
	s0 =	simm.s32 $0x2;
	s11 =	simm.s32 $0x2A00  }
0x1c: {  	v0 =	vimm.f32 $0.0e+00;
	vm0 =	vcmask $0x300;
	v2 =	vlaneseq.u32;
	s14 =	simm.s32 $0x5200;
	s15 =	simm.s32 $0x3;
	[dreg:$0x12] =	wrdreg s25  }
0x1d: {  	v1 =	vsel vm0, $0x3F800000, v0;
	v2 =	vmul.u32 $0x80, v2;
	s17 =	simm.s32 $0x100;
	s25 =	simm.s32 $0x8200;
	[dreg:$0x14] =	wrdreg s28  }
.LBB2_63:
0x1e: {  	s10 =	simm.s32 $0x8A00  }
.LBB2_69:
0x1f: {  	s6 =	sadd.s32 s7, s29;
	[tilespmem:s10+$0x0] =	vst @p2 v3  }
0x20: {  	[tilespmem:s12], [sflag:$0x2] =	stream.linear.gather [hbm4b:s6+s5], $0x10, $0x38;
	[tilespmem:$0x1EC10] =	vst v63  }
0x21: {  	_ =	swait.ge [sflag:s0], $0x10  }
0x22: {  	[sflag:s0] =	ssyncset.done $0x0  }
0x23: {  	[sflag:s0] =	ssyncadd.s32 $0xFFFFFFF0  }
0x24: {  	[tilespmem:s25], [sflag:$0x2] =	stream.indirect.gather [spmem:s4], $0x10, s12, s13, $0xb8;
	[tilespmem:$0x1EC10] =	vst v63  }
0x25: {  	_ =	swait.ge [sflag:s0], $0x100  }
0x26: {  	[sflag:s0] =	ssyncset.done $0x0  }
0x27: {  	[sflag:s0] =	ssyncadd.s32 $0xFFFFFF00  }
0x28: {  	v3 =	vld.idx.msk [tilespmem:v2+s25+$0x0], $0xffff;
	_ =	sdelay $0x2  }
0x29: {  	s6 =	sadd.s32 @p2 $0x10, s10  }
0x2a: {  	s8 =	smov.u32 @p2 s6  }
0x2b: {  	s6 =	simm.s32 @p0 $0x0;
	s10 =	rddreg [dreg:$0xe];
	[tilespmem:s8+$0x0] =	vst v3;
	s8 =	simm.s32 @p0 $0x8A00  }
0x2c: {  	[hbm4b:s10+s6] =	stream.linear.scatter @p0 [tilespmem:s8], [sflag:$0x2], $0x190, $0x38;
	[tilespmem:$0x1EC10] =	vst v63  }
0x2d: {  	s6 =	simm.s32 @p0 $0x2  }
0x2e: {  	_ =	swait.ge @p0 [sflag:s6], $0x190  }
0x2f: {  	s8 =	simm.s32 @!p0 $0x8A00;
	[sflag:s6] =	ssyncset.done @p0 $0x0  }
0x30: {  	s10 =	rddreg [dreg:$0xd];
	[sflag:s6] =	ssyncadd.s32 @p0 $0xFFFFFE70;
	s6 =	simm.s32 @!p0 $0x0  }
0x31: {  	[hbm4b:s10+s6] =	stream.linear.scatter @!p0 [tilespmem:s8], [sflag:$0x2], $0x280, $0x38;
	[tilespmem:$0x1EC10] =	vst v63  }
0x32: {  	s6 =	simm.s32 @!p0 $0x2  }
0x33: {  	_ =	swait.ge @!p0 [sflag:s6], $0x280  }
0x34: {  	[sflag:s6] =	ssyncset.done @!p0 $0x0  }
0x35: {  	[sflag:s6] =	ssyncadd.s32 @!p0 $0xFFFFFD80  }
.LBB2_70:
0x36: {  	s8 =	rddreg [dreg:$0x16]  }
0x37: {  	s6 =	rddreg [dreg:$0xf];
	s8 =	sadd.s32 $0x1, s8  }
0x38: {  	p2 =	sne.s32 s8, s6  }
.Ltmp1:
0x39: {  	_ = 	snop;
	(pc) =	sbr.rel @!p2 .LBB2_71-.Ltmp1, $2  }
0x3a: {  	_ =	sdelay $0x1  }
0x3b: {  	[bflag:$0x0] =	sbarrier.arrive $0xFFFF;
	_ =	sdelay $0x1  }
.LBB2_1:
0x3c: {  	[dreg:$0x16] =	wrdreg s8;
	s8 =	simm.s32 $0x0;
	s10 =	simm.s32 $0x200  }
.LBB2_2:
0x3d: {  	p2 =	sne.s32 s10, $0x9E00;
	[tilespmem:s8+$0x2A70] =	vst v0  }
0x3e: {  	[tilespmem:s8+$0x2A00] =	vst v0  }
0x3f: {  	[tilespmem:s8+$0x2A10] =	vst v0  }
.Ltmp2:
0x40: {  	[tilespmem:s8+$0x2A20] =	vst v0;
	(pc) =	sbr.rel @p2 .LBB2_2-.Ltmp2, $4  }
0x41: {  	[tilespmem:s8+$0x2A30] =	vst v0  }
0x42: {  	[tilespmem:s8+$0x2A40] =	vst v0  }
0x43: {  	[tilespmem:s8+$0x2A50] =	vst v0  }
0x44: {  	[tilespmem:s8+$0x2A60] =	vst v0;
	s8 =	sshra.s32 s10, $0x2;
	s10 =	sadd.s32 $0x200, s10  }
0x45: {  	[tilespmem:s8+$0x2A70] =	vst v0  }
0x46: {  	[tilespmem:s8+$0x2A00] =	vst v0  }
0x47: {  	[tilespmem:s8+$0x2A10] =	vst v0  }
0x48: {  	[tilespmem:s8+$0x2A20] =	vst v0  }
0x49: {  	[tilespmem:s8+$0x2A30] =	vst v0  }
0x4a: {  	[tilespmem:s8+$0x2A40] =	vst v0  }
0x4b: {  	[tilespmem:s8+$0x2A50] =	vst v0  }
0x4c: {  	[tilespmem:s8+$0x2A60] =	vst v0  }
0x4d: {  	[tilespmem:$0x5200] =	vst v0  }
0x4e: {  	[tilespmem:$0x5280] =	vst v0  }
0x4f: {  	[tilespmem:$0x5300] =	vst v0  }
0x50: {  	[tilespmem:$0x5380] =	vst v0  }
0x51: {  	[tilespmem:$0x5400] =	vst v0  }
0x52: {  	[tilespmem:$0x5480] =	vst v0  }
0x53: {  	[tilespmem:$0x5500] =	vst v0  }
0x54: {  	[tilespmem:$0x5580] =	vst v0  }
0x55: {  	[tilespmem:$0x5600] =	vst v0  }
0x56: {  	[tilespmem:$0x5680] =	vst v0  }
0x57: {  	[tilespmem:$0x5700] =	vst v0  }
0x58: {  	[tilespmem:$0x5780] =	vst v0  }
0x59: {  	[tilespmem:$0x5800] =	vst v0  }
0x5a: {  	[tilespmem:$0x5880] =	vst v0  }
0x5b: {  	[tilespmem:$0x5900] =	vst v0  }
0x5c: {  	s8 =	simm.s32 $0x200;
	s10 =	simm.s32 $0x0;
	[tilespmem:$0x5980] =	vst v0  }
.LBB2_4:
0x5d: {  	p2 =	sne.s32 s8, $0x9E00;
	[tilespmem:s10+$0x5A00] =	vst v1;
	s10 =	smov.u32 s8;
	s8 =	sadd.s32 $0x200, s8  }
.Ltmp3:
0x5e: {  	(pc) =	sbr.rel @p2 .LBB2_4-.Ltmp3, $2  }
0x5f: {  	_ =	sdelay $0x2  }
0x60: {  	s10 =	sshra.s32 s10, $0x2  }
0x61: {  	s6 =	rddreg [dreg:$0x8]  }
0x62: {  	p2 =	sne.s32 s6, $0x1  }
.Ltmp4:
0x63: {  	_ = 	snop;
	(pc) =	sbr.rel @!p2 .LBB2_8-.Ltmp4, $3  }
0x64: {  	_ =	sdelay $0x1  }
0x65: {  	s26 =	rddreg [dreg:$0x6];
	s6 =	sadd.s32 $0xFFFFFFFF, s6  }
0x66: {  	[tilespmem:s10+$0x5A00] =	vst v1;
	p3 =	por $0x0, $0x0;
	[dreg:$0x17] =	wrdreg s6  }
0x67: {  	s6 =	rddreg [dreg:$0x6]  }
0x68: {  	s8 =	sadd.s32 s7, s6  }
0x69: {  	[tilespmem:s31], [sflag:$0x2] =	stream.linear.gather [hbm4b:s8+s5], $0x50, $0x38;
	[tilespmem:$0x1EC10] =	vst v63  }
0x6a: {  	_ =	swait.ge [sflag:s0], $0x50  }
0x6b: {  	s29 =	rddreg [dreg:$0x17]  }
0x6c: {  	p4 =	sne.s32 s29, $0x1  }
.Ltmp5:
0x6d: {  	[sflag:s0] =	ssyncset.done $0x0;
	(pc) =	sbr.rel @!p4 .LBB2_8-.Ltmp5, $4  }
0x6e: {  	[sflag:s0] =	ssyncadd.s32 $0xFFFFFFB0  }
0x6f: {  	[spmem:s3] =	stream.indirect.scatter [tilespmem:s11], [sflag:$0x2], $0x80, s31, s2, $0xb8;
	[tilespmem:$0x1EC10] =	vst v63  }
0x70: {  	s10 =	sadd.s32 $0x50, s30;
	p3 =	por $0x1, $0x1;
	_ =	swait.ge [sflag:s0], $0x2800  }
0x71: {  	s26 =	sshrl.u32 s10, $0x3;
	s8 =	sadd.s32 $0xFFFFFFFF, s29;
	[sflag:s0] =	ssyncset.done $0x0  }
.LBB2_7:
0x72: {  	p4 =	sne.s32 s8, $0x1;
	s26 =	sadd.s32 s7, s26;
	[sflag:s0] =	ssyncadd.s32 $0xFFFFD800  }
0x73: {  	[tilespmem:s31], [sflag:$0x2] =	stream.linear.gather [hbm4b:s26+s5], $0x50, $0x38;
	[tilespmem:$0x1EC10] =	vst v63  }
0x74: {  	s8 =	sadd.s32 $0xFFFFFFFF, s8;
	_ =	swait.ge [sflag:s0], $0x50  }
.Ltmp6:
0x75: {  	[sflag:s0] =	ssyncset.done $0x0;
	(pc) =	sbr.rel @p4 .LBB2_7-.Ltmp6, $4  }
0x76: {  	[sflag:s0] =	ssyncadd.s32 $0xFFFFFFB0  }
0x77: {  	[spmem:s3] =	stream.indirect.scatter [tilespmem:s11], [sflag:$0x2], $0x80, s31, s2, $0xb8;
	[tilespmem:$0x1EC10] =	vst v63  }
0x78: {  	s10 =	sadd.s32 $0x50, s10;
	_ =	swait.ge [sflag:s0], $0x2800  }
0x79: {  	s26 =	sshrl.u32 s10, $0x3;
	[sflag:s0] =	ssyncset.done $0x0  }
.LBB2_8:
0x7a: {  	s8 =	sadd.s32 s7, s26;
	[sflag:s0] =	ssyncadd.s32 @p3 $0xFFFFD800  }
0x7b: {  	[tilespmem:s31], [sflag:$0x2] =	stream.linear.gather [hbm4b:s8+s5], $0x50, $0x38;
	[tilespmem:$0x1EC10] =	vst v63  }
0x7c: {  	_ =	swait.ge [sflag:s0], $0x50  }
0x7d: {  	[sflag:s0] =	ssyncset.done $0x0  }
.Ltmp7:
0x7e: {  	[sflag:s0] =	ssyncadd.s32 $0xFFFFFFB0;
	(pc) =	sbr.rel @p1 .LBB2_13-.Ltmp7, $4  }
0x7f: {  	[spmem:s3] =	stream.indirect.scatter [tilespmem:s11], [sflag:$0x2], $0x80, s31, s2, $0xb8;
	[tilespmem:$0x1EC10] =	vst v63  }
0x80: {  	_ =	swait.ge [sflag:s0], $0x2800  }
0x81: {  	[sflag:s0] =	ssyncset.done $0x0  }
0x82: {  	[sflag:s0] =	ssyncadd.s32 $0xFFFFD800  }
0x83: {  	s6 =	rddreg [dreg:$0x14]  }
0x84: {  	p4 =	sne.s32 s6, $0x1  }
.Ltmp8:
0x85: {  	_ = 	snop;
	(pc) =	sbr.rel @!p4 .LBB2_12-.Ltmp8, $2  }
0x86: {  	_ =	sdelay $0x2  }
0x87: {  	s26 =	sshrl.u32 s30, $0x3;
	p3 =	por $0x0, $0x0;
	s8 =	sadd.s32 $0xFFFFFFFF, s6  }
0x88: {  	s10 =	sadd.s32 s7, s26  }
0x89: {  	[tilespmem:s12], [sflag:$0x2] =	stream.linear.gather [hbm4b:s10+s5], $0x10, $0x38;
	[tilespmem:$0x1EC10] =	vst v63  }
0x8a: {  	p4 =	sne.s32 s8, $0x1;
	_ =	swait.ge [sflag:s0], $0x10  }
.Ltmp9:
0x8b: {  	[sflag:s0] =	ssyncset.done $0x0;
	(pc) =	sbr.rel @!p4 .LBB2_12-.Ltmp9, $4  }
0x8c: {  	[sflag:s0] =	ssyncadd.s32 $0xFFFFFFF0  }
0x8d: {  	[spmem:s4] =	stream.indirect.scatter [tilespmem:s14], [sflag:$0x2], $0x10, s12, s13, $0xb8;
	[tilespmem:$0x1EC10] =	vst v63  }
0x8e: {  	s8 =	sadd.s32 $0xFFFFFFFF, s8;
	s10 =	sadd.s32 $0x10, s30;
	_ =	swait.ge [sflag:s0], $0x100  }
0x8f: {  	p3 =	por $0x1, $0x1;
	s26 =	sshrl.u32 s10, $0x3;
	[sflag:s0] =	ssyncset.done $0x0  }
.LBB2_11:
0x90: {  	p4 =	sne.s32 s8, $0x1;
	s26 =	sadd.s32 s7, s26;
	[sflag:s0] =	ssyncadd.s32 $0xFFFFFF00  }
0x91: {  	[tilespmem:s12], [sflag:$0x2] =	stream.linear.gather [hbm4b:s26+s5], $0x10, $0x38;
	[tilespmem:$0x1EC10] =	vst v63  }
0x92: {  	s8 =	sadd.s32 $0xFFFFFFFF, s8;
	_ =	swait.ge [sflag:s0], $0x10  }
.Ltmp10:
0x93: {  	[sflag:s0] =	ssyncset.done $0x0;
	(pc) =	sbr.rel @p4 .LBB2_11-.Ltmp10, $4  }
0x94: {  	[sflag:s0] =	ssyncadd.s32 $0xFFFFFFF0  }
0x95: {  	[spmem:s4] =	stream.indirect.scatter [tilespmem:s14], [sflag:$0x2], $0x10, s12, s13, $0xb8;
	[tilespmem:$0x1EC10] =	vst v63  }
0x96: {  	s10 =	sadd.s32 $0x10, s10;
	_ =	swait.ge [sflag:s0], $0x100  }
0x97: {  	s26 =	sshrl.u32 s10, $0x3;
	[sflag:s0] =	ssyncset.done $0x0  }
.LBB2_12:
0x98: {  	s8 =	sadd.s32 s7, s26;
	[sflag:s0] =	ssyncadd.s32 @p3 $0xFFFFFF00  }
0x99: {  	[tilespmem:s12], [sflag:$0x2] =	stream.linear.gather [hbm4b:s8+s5], $0x10, $0x38;
	[tilespmem:$0x1EC10] =	vst v63  }
0x9a: {  	_ =	swait.ge [sflag:s0], $0x10  }
0x9b: {  	[sflag:s0] =	ssyncset.done $0x0  }
0x9c: {  	[sflag:s0] =	ssyncadd.s32 $0xFFFFFFF0  }
0x9d: {  	[spmem:s4] =	stream.indirect.scatter [tilespmem:s14], [sflag:$0x2], $0x10, s12, s13, $0xb8;
	[tilespmem:$0x1EC10] =	vst v63  }
0x9e: {  	_ =	swait.ge [sflag:s0], $0x100  }
0x9f: {  	[sflag:s0] =	ssyncset.done $0x0  }
0xa0: {  	[sflag:s0] =	ssyncadd.s32 $0xFFFFFF00  }
.LBB2_13:
0xa1: {  	[bflag:$0x0] =	sbarrier.arrive $0xFFFF;
	s8 =	sadd.s32 $0x0, s19  }
0xa2: {  	[tilespmem:s5], [sflag:$0x3] =	stream.linear.gather [hbm4b:s8+s5], $0x50, $0x38;
	[tilespmem:$0x1EC10] =	vst v63  }
0xa3: {  	_ =	swait.ge [sflag:s15], $0x50  }
0xa4: {  	[sflag:s15] =	ssyncset.done $0x0  }
0xa5: {  	s26 =	sadd.s32 $0x0, s18;
	[sflag:s15] =	ssyncadd.s32 $0xFFFFFFB0  }
0xa6: {  	[tilespmem:s16], [sflag:$0x3] =	stream.linear.gather [hbm4b:s26+s5], $0x50, $0x38;
	[tilespmem:$0x1EC10] =	vst v63  }
0xa7: {  	_ =	swait.ge [sflag:s15], $0x50  }
0xa8: {  	[sflag:s15] =	ssyncset.done $0x0  }
0xa9: {  	[sflag:s15] =	ssyncadd.s32 $0xFFFFFFB0  }
0xaa: {  	[tilespmem:s17], [sflag:$0x1] =	stream.indirect.gather [hbm4b:s1+s2], $0x80, s5, s2, $0xb8;
	[tilespmem:$0x1EC10] =	vst v63  }
0xab: {  	_ =	swait.ge [sflag:s24], $0x2800  }
0xac: {  	[sflag:s24] =	ssyncset.done $0x0  }
0xad: {  	[sflag:s24] =	ssyncadd.s32 $0xFFFFD800  }
0xae: {  	[spmem:s3] =	stream.indirect.scatter.add.f32 [tilespmem:s17], [sflag:$0x3], $0x80, s16, s2, $0xb8;
	[tilespmem:$0x1EC10] =	vst v63  }
0xaf: {  	_ =	swait.ge [sflag:s15], $0x2800  }
0xb0: {  	s30 =	simm.s32 @!p1 $0x5A00;
	s29 =	simm.s32 @!p1 $0x50;
	[sflag:s15] =	ssyncset.done $0x0  }
0xb1: {  	s8 =	simm.s32 @!p1 $0x2;
	s26 =	simm.s32 @!p1 $0x80;
	[sflag:s15] =	ssyncadd.s32 $0xFFFFD800  }
0xb2: {  	[spmem:s4] =	stream.indirect.scatter.add.f32 @!p1 [tilespmem:s30], [sflag:$0x2], $0x10, s26, s29, $0xb8;
	[tilespmem:$0x1EC10] =	vst v63  }
0xb3: {  	_ =	swait.ge @!p1 [sflag:s8], $0x500  }
0xb4: {  	s10 =	simm.s32 $0xA;
	s28 =	simm.s32 $0x14;
	[sflag:s8] =	ssyncset.done @!p1 $0x0  }
.LBB2_14:
0xb5: {  	s6 =	sadd.s32 s10, s19  }
0xb6: {  	[sflag:s8] =	ssyncadd.s32 @!p1 $0xFFFFFB00;
	s9 =	smov.u32 s28;
	s28 =	sadd.s32 $0xA, s28  }
0xb7: {  	[tilespmem:s5], [sflag:$0x3] =	stream.linear.gather [hbm4b:s6+s5], $0x50, $0x38;
	[tilespmem:$0x1EC10] =	vst v63  }
0xb8: {  	p3 =	sne.s32 s28, $0x4E2;
	_ =	swait.ge [sflag:s15], $0x50  }
0xb9: {  	[sflag:s15] =	ssyncset.done $0x0  }
0xba: {  	s6 =	sadd.s32 s10, s18;
	s10 =	smov.u32 s9;
	[sflag:s15] =	ssyncadd.s32 $0xFFFFFFB0  }
0xbb: {  	[tilespmem:s16], [sflag:$0x3] =	stream.linear.gather [hbm4b:s6+s5], $0x50, $0x38;
	[tilespmem:$0x1EC10] =	vst v63  }
0xbc: {  	_ =	swait.ge [sflag:s15], $0x50  }
0xbd: {  	[sflag:s15] =	ssyncset.done $0x0  }
0xbe: {  	[sflag:s15] =	ssyncadd.s32 $0xFFFFFFB0  }
0xbf: {  	[tilespmem:s17], [sflag:$0x1] =	stream.indirect.gather [hbm4b:s1+s2], $0x80, s5, s2, $0xb8;
	[tilespmem:$0x1EC10] =	vst v63  }
0xc0: {  	_ =	swait.ge [sflag:s24], $0x2800  }
0xc1: {  	[sflag:s24] =	ssyncset.done $0x0  }
0xc2: {  	[sflag:s24] =	ssyncadd.s32 $0xFFFFD800  }
0xc3: {  	[spmem:s3] =	stream.indirect.scatter.add.f32 [tilespmem:s17], [sflag:$0x3], $0x80, s16, s2, $0xb8;
	[tilespmem:$0x1EC10] =	vst v63  }
0xc4: {  	_ =	swait.ge [sflag:s15], $0x2800  }
.Ltmp11:
0xc5: {  	[sflag:s15] =	ssyncset.done $0x0;
	(pc) =	sbr.rel @p3 .LBB2_14-.Ltmp11, $4  }
0xc6: {  	[sflag:s15] =	ssyncadd.s32 $0xFFFFD800  }
0xc7: {  	[spmem:s4] =	stream.indirect.scatter.add.f32 @!p1 [tilespmem:s30], [sflag:$0x2], $0x10, s26, s29, $0xb8;
	[tilespmem:$0x1EC10] =	vst v63  }
0xc8: {  	_ =	swait.ge @!p1 [sflag:s8], $0x500  }
0xc9: {  	[sflag:s8] =	ssyncset.done @!p1 $0x0  }
0xca: {  	s6 =	sadd.s32 s10, s19;
	[sflag:s8] =	ssyncadd.s32 @!p1 $0xFFFFFB00  }
0xcb: {  	[tilespmem:s5], [sflag:$0x3] =	stream.linear.gather [hbm4b:s6+s5], $0x50, $0x38;
	[tilespmem:$0x1EC10] =	vst v63  }
0xcc: {  	_ =	swait.ge [sflag:s15], $0x50  }
0xcd: {  	[sflag:s15] =	ssyncset.done $0x0  }
0xce: {  	s30 =	sadd.s32 s10, s18;
	[sflag:s15] =	ssyncadd.s32 $0xFFFFFFB0  }
0xcf: {  	[tilespmem:s16], [sflag:$0x3] =	stream.linear.gather [hbm4b:s30+s5], $0x50, $0x38;
	[tilespmem:$0x1EC10] =	vst v63  }
0xd0: {  	_ =	swait.ge [sflag:s15], $0x50  }
0xd1: {  	[sflag:s15] =	ssyncset.done $0x0  }
0xd2: {  	[sflag:s15] =	ssyncadd.s32 $0xFFFFFFB0  }
0xd3: {  	[tilespmem:s17], [sflag:$0x1] =	stream.indirect.gather [hbm4b:s1+s2], $0x80, s5, s2, $0xb8;
	[tilespmem:$0x1EC10] =	vst v63  }
0xd4: {  	_ =	swait.ge [sflag:s24], $0x2800  }
0xd5: {  	[sflag:s24] =	ssyncset.done $0x0  }
0xd6: {  	[sflag:s24] =	ssyncadd.s32 $0xFFFFD800  }
0xd7: {  	[spmem:s3] =	stream.indirect.scatter.add.f32 [tilespmem:s17], [sflag:$0x3], $0x80, s16, s2, $0xb8;
	[tilespmem:$0x1EC10] =	vst v63  }
0xd8: {  	_ =	swait.ge [sflag:s15], $0x2800  }
0xd9: {  	s8 =	simm.s32 @!p1 $0x5A00;
	s9 =	simm.s32 @!p1 $0x50;
	[sflag:s15] =	ssyncset.done $0x0  }
0xda: {  	s10 =	simm.s32 @!p1 $0x80;
	s6 =	simm.s32 @!p1 $0x2;
	[sflag:s15] =	ssyncadd.s32 $0xFFFFD800  }
0xdb: {  	[spmem:s4] =	stream.indirect.scatter.add.f32 @!p1 [tilespmem:s8], [sflag:$0x2], $0x10, s10, s9, $0xb8;
	[tilespmem:$0x1EC10] =	vst v63  }
0xdc: {  	_ =	swait.ge @!p1 [sflag:s6], $0x500  }
0xdd: {  	[sflag:s6] =	ssyncset.done @!p1 $0x0  }
0xde: {  	[sflag:s6] =	ssyncadd.s32 @!p1 $0xFFFFFB00  }
.Ltmp12:
0xdf: {  	[bflag:$0x0] =	sbarrier.arrive $0xFFFF;
	(pc) =	sbr.rel .LBB2_16-.Ltmp12, $4  }
0xe0: {  	s9 =	rddreg [dreg:$0x5]  }
0xe1: {  	s26 =	rddreg [dreg:$0x10]  }
0xe2: {  	s28 =	rddreg [dreg:$0x11]  }
0xe3: {  	s8 =	simm.s32 $0x0;
	s29 =	rddreg [dreg:$0x15];
	s10 =	smov.u32 s9  }
.LBB2_19:
0xe4: {  	s29 =	sadd.s32 $0xFFFFFFFF, s29  }
0xe5: {  	s28 =	sadd.s32 $0x500, s28;
	s26 =	sadd.s32 $0x2800, s26;
	s10 =	sadd.s32 $0x50, s10  }
.LBB2_16:
0xe6: {  	s6 =	sshrl.u32 s10, $0x3  }
0xe7: {  	s6 =	sadd.s32 s7, s6  }
0xe8: {  	[tilespmem:s31], [sflag:$0x3] =	stream.linear.gather [hbm4b:s6+s5], $0x50, $0x38;
	[tilespmem:$0x1EC10] =	vst v63  }
0xe9: {  	_ =	swait.ge [sflag:s15], $0x50  }
0xea: {  	[sflag:s15] =	ssyncset.done $0x0  }
.Ltmp13:
0xeb: {  	[sflag:s15] =	ssyncadd.s32 $0xFFFFFFB0;
	(pc) =	sbr.rel @p1 .LBB2_20-.Ltmp13, $4  }
0xec: {  	[tilespmem:s17], [sflag:$0x3] =	stream.indirect.gather [spmem:s3], $0x80, s31, s2, $0xb8;
	[tilespmem:$0x1EC10] =	vst v63  }
0xed: {  	_ =	swait.ge [sflag:s15], $0x2800  }
0xee: {  	[sflag:s15] =	ssyncset.done $0x0  }
0xef: {  	[sflag:s15] =	ssyncadd.s32 $0xFFFFD800  }
0xf0: {  	p3 =	seq.s32 s29, $0x0  }
.Ltmp14:
0xf1: {  	_ = 	snop;
	(pc) =	sbr.rel @p3 .LBB2_22-.Ltmp14, $4  }
0xf2: {  	[hbm4b:s28+s5] =	stream.linear.scatter [tilespmem:s17], [sflag:$0x3], $0x2800, $0x38;
	[tilespmem:$0x1EC10] =	vst v63  }
0xf3: {  	_ =	swait.ge [sflag:s15], $0x2800  }
0xf4: {  	[sflag:s15] =	ssyncset.done $0x0  }
0xf5: {  	[sflag:s15] =	ssyncadd.s32 $0xFFFFD800  }
.Ltmp15:
0xf6: {  	(pc) =	sbr.rel .LBB2_19-.Ltmp15, $2  }
0xf7: {  	_ =	sdelay $0x2  }
0xf8: {  	s8 =	sadd.s32 $0x1, s8  }
.LBB2_20:
0xf9: {  	s6 =	sshrl.u32 s26, $0x3;
	s30 =	rddreg [dreg:$0x7];
	p3 =	seq.s32 s29, $0x0  }
.Ltmp16:
0xfa: {  	s6 =	sadd.s32 s30, s6;
	(pc) =	sbr.rel @p3 .LBB2_28-.Ltmp16, $4  }
0xfb: {  	[hbm4b:s6+s5] =	stream.linear.scatter [tilespmem:s17], [sflag:$0x2], $0x2800, $0x38;
	[tilespmem:$0x1EC10] =	vst v63  }
0xfc: {  	_ =	swait.ge [sflag:s0], $0x2800  }
0xfd: {  	[sflag:s0] =	ssyncset.done $0x0  }
0xfe: {  	[sflag:s0] =	ssyncadd.s32 $0xFFFFD800  }
.Ltmp17:
0xff: {  	(pc) =	sbr.rel .LBB2_19-.Ltmp17, $2  }
0x100: {  	_ =	sdelay $0x2  }
0x101: {  	s8 =	sadd.s32 $0x1, s8  }
.LBB2_22:
0x102: {  	s6 =	rddreg [dreg:$0x14]  }
0x103: {  	p4 =	sne.s32 s6, $0x1  }
.Ltmp18:
0x104: {  	_ = 	snop;
	(pc) =	sbr.rel @!p4 .LBB2_23-.Ltmp18, $3  }
0x105: {  	_ =	sdelay $0x1  }
0x106: {  	s8 =	simm.s32 $0x8A00  }
0x107: {  	s29 =	sshrl.u32 s9, $0x3;
	p3 =	por $0x0, $0x0;
	s10 =	sadd.s32 $0xFFFFFFFF, s6  }
0x108: {  	s6 =	sadd.s32 s7, s29  }
0x109: {  	[tilespmem:s12], [sflag:$0x2] =	stream.linear.gather [hbm4b:s6+s5], $0x10, $0x38;
	[tilespmem:$0x1EC10] =	vst v63  }
0x10a: {  	_ =	swait.ge [sflag:s0], $0x10  }
0x10b: {  	[sflag:s0] =	ssyncset.done $0x0  }
0x10c: {  	[sflag:s0] =	ssyncadd.s32 $0xFFFFFFF0  }
0x10d: {  	[tilespmem:s25], [sflag:$0x2] =	stream.indirect.gather [spmem:s4], $0x10, s12, s13, $0xb8;
	[tilespmem:$0x1EC10] =	vst v63  }
0x10e: {  	_ =	swait.ge [sflag:s0], $0x100  }
0x10f: {  	[sflag:s0] =	ssyncset.done $0x0  }
0x110: {  	p4 =	sne.s32 s10, $0x1;
	[sflag:s0] =	ssyncadd.s32 $0xFFFFFF00  }
.Ltmp19:
0x111: {  	v3 =	vld.idx.msk [tilespmem:v2+s25+$0x0], $0xffff;
	(pc) =	sbr.rel @!p4 .LBB2_25-.Ltmp19, $3  }
0x112: {  	_ =	sdelay $0x1  }
0x113: {  	s26 =	sadd.s32 $0xFFFFFFFF, s10;
	s28 =	sadd.s32 $0x10, s9  }
0x114: {  	p3 =	por $0x1, $0x1;
	s10 =	simm.s32 $0x8A00;
	s29 =	sshrl.u32 s28, $0x3  }
.LBB2_26:
0x115: {  	p4 =	sne.s32 s26, $0x1;
	s6 =	sadd.s32 s7, s29;
	[tilespmem:s10+$0x0] =	vst v3;
	s10 =	sadd.s32 $0x10, s10  }
0x116: {  	[tilespmem:s12], [sflag:$0x2] =	stream.linear.gather [hbm4b:s6+s5], $0x10, $0x38;
	[tilespmem:$0x1EC10] =	vst v63  }
0x117: {  	s26 =	sadd.s32 $0xFFFFFFFF, s26;
	_ =	swait.ge [sflag:s0], $0x10  }
0x118: {  	[sflag:s0] =	ssyncset.done $0x0  }
0x119: {  	[sflag:s0] =	ssyncadd.s32 $0xFFFFFFF0  }
0x11a: {  	[tilespmem:s25], [sflag:$0x2] =	stream.indirect.gather [spmem:s4], $0x10, s12, s13, $0xb8;
	[tilespmem:$0x1EC10] =	vst v63  }
0x11b: {  	_ =	swait.ge [sflag:s0], $0x100  }
0x11c: {  	[sflag:s0] =	ssyncset.done $0x0  }
0x11d: {  	[sflag:s0] =	ssyncadd.s32 $0xFFFFFF00  }
0x11e: {  	v3 =	vld.idx.msk [tilespmem:v2+s25+$0x0], $0xffff  }
.Ltmp20:
0x11f: {  	(pc) =	sbr.rel @p4 .LBB2_26-.Ltmp20, $3  }
0x120: {  	_ =	sdelay $0x1  }
0x121: {  	s28 =	sadd.s32 $0x10, s28  }
0x122: {  	s29 =	sshrl.u32 s28, $0x3  }
.LBB2_27:
0x123: {  	s6 =	sadd.s32 s7, s29;
	[tilespmem:s10+$0x0] =	vst @p3 v3  }
0x124: {  	[tilespmem:s12], [sflag:$0x2] =	stream.linear.gather [hbm4b:s6+s5], $0x10, $0x38;
	[tilespmem:$0x1EC10] =	vst v63  }
0x125: {  	_ =	swait.ge [sflag:s0], $0x10  }
0x126: {  	[sflag:s0] =	ssyncset.done $0x0  }
0x127: {  	[sflag:s0] =	ssyncadd.s32 $0xFFFFFFF0  }
0x128: {  	[tilespmem:s25], [sflag:$0x2] =	stream.indirect.gather [spmem:s4], $0x10, s12, s13, $0xb8;
	[tilespmem:$0x1EC10] =	vst v63  }
0x129: {  	_ =	swait.ge [sflag:s0], $0x100  }
0x12a: {  	[sflag:s0] =	ssyncset.done $0x0  }
0x12b: {  	[sflag:s0] =	ssyncadd.s32 $0xFFFFFF00  }
0x12c: {  	v3 =	vld.idx.msk [tilespmem:v2+s25+$0x0], $0xffff;
	_ =	sdelay $0x2  }
0x12d: {  	s6 =	sadd.s32 @p3 $0x10, s10  }
0x12e: {  	s8 =	smov.u32 @p3 s6  }
0x12f: {  	s6 =	simm.s32 @p0 $0x0;
	s10 =	rddreg [dreg:$0xa];
	[tilespmem:s8+$0x0] =	vst v3;
	s8 =	simm.s32 @p0 $0x8A00  }
0x130: {  	[hbm4b:s10+s6] =	stream.linear.scatter @p0 [tilespmem:s8], [sflag:$0x2], $0x190, $0x38;
	[tilespmem:$0x1EC10] =	vst v63  }
0x131: {  	s6 =	simm.s32 @p0 $0x2  }
0x132: {  	_ =	swait.ge @p0 [sflag:s6], $0x190  }
0x133: {  	s8 =	simm.s32 @!p0 $0x8A00;
	[sflag:s6] =	ssyncset.done @p0 $0x0  }
0x134: {  	s10 =	rddreg [dreg:$0x9];
	[sflag:s6] =	ssyncadd.s32 @p0 $0xFFFFFE70;
	s6 =	simm.s32 @!p0 $0x0  }
0x135: {  	[hbm4b:s10+s6] =	stream.linear.scatter @!p0 [tilespmem:s8], [sflag:$0x2], $0x280, $0x38;
	[tilespmem:$0x1EC10] =	vst v63  }
0x136: {  	s6 =	simm.s32 @!p0 $0x2  }
0x137: {  	_ =	swait.ge @!p0 [sflag:s6], $0x280  }
0x138: {  	[sflag:s6] =	ssyncset.done @!p0 $0x0  }
0x139: {  	[sflag:s6] =	ssyncadd.s32 @!p0 $0xFFFFFD80  }
.LBB2_28:
.Ltmp21:
0x13a: {  	(pc) =	sbr.rel @!p2 .LBB2_31-.Ltmp21, $3  }
0x13b: {  	_ =	sdelay $0x1  }
0x13c: {  	[bflag:$0x0] =	sbarrier.arrive $0xFFFF  }
0x13d: {  	s26 =	sshrl.u32 s9, $0x3;
	p3 =	por $0x0, $0x0  }
0x13e: {  	s6 =	sadd.s32 s7, s26  }
0x13f: {  	[tilespmem:s31], [sflag:$0x2] =	stream.linear.gather [hbm4b:s6+s5], $0x50, $0x38;
	[tilespmem:$0x1EC10] =	vst v63  }
0x140: {  	_ =	swait.ge [sflag:s0], $0x50  }
0x141: {  	s30 =	rddreg [dreg:$0x17]  }
0x142: {  	p4 =	sne.s32 s30, $0x1  }
.Ltmp22:
0x143: {  	[sflag:s0] =	ssyncset.done $0x0;
	(pc) =	sbr.rel @!p4 .LBB2_31-.Ltmp22, $4  }
0x144: {  	[sflag:s0] =	ssyncadd.s32 $0xFFFFFFB0  }
0x145: {  	[spmem:s3] =	stream.indirect.scatter [tilespmem:s11], [sflag:$0x2], $0x80, s31, s2, $0xb8;
	[tilespmem:$0x1EC10] =	vst v63  }
0x146: {  	s10 =	sadd.s32 $0x50, s9;
	p3 =	por $0x1, $0x1;
	_ =	swait.ge [sflag:s0], $0x2800  }
0x147: {  	s26 =	sshrl.u32 s10, $0x3;
	s8 =	sadd.s32 $0xFFFFFFFF, s30;
	[sflag:s0] =	ssyncset.done $0x0  }
.LBB2_30:
0x148: {  	p4 =	sne.s32 s8, $0x1;
	s6 =	sadd.s32 s7, s26;
	[sflag:s0] =	ssyncadd.s32 $0xFFFFD800  }
0x149: {  	[tilespmem:s31], [sflag:$0x2] =	stream.linear.gather [hbm4b:s6+s5], $0x50, $0x38;
	[tilespmem:$0x1EC10] =	vst v63  }
0x14a: {  	s8 =	sadd.s32 $0xFFFFFFFF, s8;
	_ =	swait.ge [sflag:s0], $0x50  }
.Ltmp23:
0x14b: {  	[sflag:s0] =	ssyncset.done $0x0;
	(pc) =	sbr.rel @p4 .LBB2_30-.Ltmp23, $4  }
0x14c: {  	[sflag:s0] =	ssyncadd.s32 $0xFFFFFFB0  }
0x14d: {  	[spmem:s3] =	stream.indirect.scatter [tilespmem:s11], [sflag:$0x2], $0x80, s31, s2, $0xb8;
	[tilespmem:$0x1EC10] =	vst v63  }
0x14e: {  	s10 =	sadd.s32 $0x50, s10;
	_ =	swait.ge [sflag:s0], $0x2800  }
0x14f: {  	s26 =	sshrl.u32 s10, $0x3;
	[sflag:s0] =	ssyncset.done $0x0  }
.LBB2_31:
0x150: {  	s6 =	sadd.s32 s7, s26;
	[sflag:s0] =	ssyncadd.s32 @p3 $0xFFFFD800  }
0x151: {  	[tilespmem:s31], [sflag:$0x2] =	stream.linear.gather [hbm4b:s6+s5], $0x50, $0x38;
	[tilespmem:$0x1EC10] =	vst v63  }
0x152: {  	_ =	swait.ge [sflag:s0], $0x50  }
0x153: {  	[sflag:s0] =	ssyncset.done $0x0  }
.Ltmp24:
0x154: {  	[sflag:s0] =	ssyncadd.s32 $0xFFFFFFB0;
	(pc) =	sbr.rel @p1 .LBB2_36-.Ltmp24, $4  }
0x155: {  	[spmem:s3] =	stream.indirect.scatter [tilespmem:s11], [sflag:$0x2], $0x80, s31, s2, $0xb8;
	[tilespmem:$0x1EC10] =	vst v63  }
0x156: {  	_ =	swait.ge [sflag:s0], $0x2800  }
0x157: {  	[sflag:s0] =	ssyncset.done $0x0  }
0x158: {  	[sflag:s0] =	ssyncadd.s32 $0xFFFFD800  }
0x159: {  	s6 =	rddreg [dreg:$0x14]  }
0x15a: {  	p4 =	sne.s32 s6, $0x1  }
.Ltmp25:
0x15b: {  	_ = 	snop;
	(pc) =	sbr.rel @!p4 .LBB2_35-.Ltmp25, $2  }
0x15c: {  	_ =	sdelay $0x2  }
0x15d: {  	s26 =	sshrl.u32 s9, $0x3;
	p3 =	por $0x0, $0x0;
	s8 =	sadd.s32 $0xFFFFFFFF, s6  }
0x15e: {  	s6 =	sadd.s32 s7, s26  }
0x15f: {  	[tilespmem:s12], [sflag:$0x2] =	stream.linear.gather [hbm4b:s6+s5], $0x10, $0x38;
	[tilespmem:$0x1EC10] =	vst v63  }
0x160: {  	p4 =	sne.s32 s8, $0x1;
	_ =	swait.ge [sflag:s0], $0x10  }
.Ltmp26:
0x161: {  	[sflag:s0] =	ssyncset.done $0x0;
	(pc) =	sbr.rel @!p4 .LBB2_35-.Ltmp26, $4  }
0x162: {  	[sflag:s0] =	ssyncadd.s32 $0xFFFFFFF0  }
0x163: {  	[spmem:s4] =	stream.indirect.scatter [tilespmem:s14], [sflag:$0x2], $0x10, s12, s13, $0xb8;
	[tilespmem:$0x1EC10] =	vst v63  }
0x164: {  	s8 =	sadd.s32 $0xFFFFFFFF, s8;
	s10 =	sadd.s32 $0x10, s9;
	_ =	swait.ge [sflag:s0], $0x100  }
0x165: {  	p3 =	por $0x1, $0x1;
	s26 =	sshrl.u32 s10, $0x3;
	[sflag:s0] =	ssyncset.done $0x0  }
.LBB2_34:
0x166: {  	p4 =	sne.s32 s8, $0x1;
	s6 =	sadd.s32 s7, s26;
	[sflag:s0] =	ssyncadd.s32 $0xFFFFFF00  }
0x167: {  	[tilespmem:s12], [sflag:$0x2] =	stream.linear.gather [hbm4b:s6+s5], $0x10, $0x38;
	[tilespmem:$0x1EC10] =	vst v63  }
0x168: {  	s8 =	sadd.s32 $0xFFFFFFFF, s8;
	_ =	swait.ge [sflag:s0], $0x10  }
.Ltmp27:
0x169: {  	[sflag:s0] =	ssyncset.done $0x0;
	(pc) =	sbr.rel @p4 .LBB2_34-.Ltmp27, $4  }
0x16a: {  	[sflag:s0] =	ssyncadd.s32 $0xFFFFFFF0  }
0x16b: {  	[spmem:s4] =	stream.indirect.scatter [tilespmem:s14], [sflag:$0x2], $0x10, s12, s13, $0xb8;
	[tilespmem:$0x1EC10] =	vst v63  }
0x16c: {  	s10 =	sadd.s32 $0x10, s10;
	_ =	swait.ge [sflag:s0], $0x100  }
0x16d: {  	s26 =	sshrl.u32 s10, $0x3;
	[sflag:s0] =	ssyncset.done $0x0  }
.LBB2_35:
0x16e: {  	s6 =	sadd.s32 s7, s26;
	[sflag:s0] =	ssyncadd.s32 @p3 $0xFFFFFF00  }
0x16f: {  	[tilespmem:s12], [sflag:$0x2] =	stream.linear.gather [hbm4b:s6+s5], $0x10, $0x38;
	[tilespmem:$0x1EC10] =	vst v63  }
0x170: {  	_ =	swait.ge [sflag:s0], $0x10  }
0x171: {  	[sflag:s0] =	ssyncset.done $0x0  }
0x172: {  	[sflag:s0] =	ssyncadd.s32 $0xFFFFFFF0  }
0x173: {  	[spmem:s4] =	stream.indirect.scatter [tilespmem:s14], [sflag:$0x2], $0x10, s12, s13, $0xb8;
	[tilespmem:$0x1EC10] =	vst v63  }
0x174: {  	_ =	swait.ge [sflag:s0], $0x100  }
0x175: {  	[sflag:s0] =	ssyncset.done $0x0  }
0x176: {  	[sflag:s0] =	ssyncadd.s32 $0xFFFFFF00  }
.LBB2_36:
0x177: {  	[bflag:$0x0] =	sbarrier.arrive $0xFFFF;
	s6 =	sadd.s32 $0x0, s21  }
0x178: {  	[tilespmem:s5], [sflag:$0x3] =	stream.linear.gather [hbm4b:s6+s5], $0x50, $0x38;
	[tilespmem:$0x1EC10] =	vst v63  }
0x179: {  	_ =	swait.ge [sflag:s15], $0x50  }
0x17a: {  	[sflag:s15] =	ssyncset.done $0x0  }
0x17b: {  	s26 =	sadd.s32 $0x0, s20;
	[sflag:s15] =	ssyncadd.s32 $0xFFFFFFB0  }
0x17c: {  	[tilespmem:s16], [sflag:$0x3] =	stream.linear.gather [hbm4b:s26+s5], $0x50, $0x38;
	[tilespmem:$0x1EC10] =	vst v63  }
0x17d: {  	_ =	swait.ge [sflag:s15], $0x50  }
0x17e: {  	[sflag:s15] =	ssyncset.done $0x0  }
0x17f: {  	[sflag:s15] =	ssyncadd.s32 $0xFFFFFFB0  }
0x180: {  	[tilespmem:s17], [sflag:$0x1] =	stream.indirect.gather [hbm4b:s1+s2], $0x80, s5, s2, $0xb8;
	[tilespmem:$0x1EC10] =	vst v63  }
0x181: {  	_ =	swait.ge [sflag:s24], $0x2800  }
0x182: {  	[sflag:s24] =	ssyncset.done $0x0  }
0x183: {  	[sflag:s24] =	ssyncadd.s32 $0xFFFFD800  }
0x184: {  	[spmem:s3] =	stream.indirect.scatter.add.f32 [tilespmem:s17], [sflag:$0x3], $0x80, s16, s2, $0xb8;
	[tilespmem:$0x1EC10] =	vst v63  }
0x185: {  	_ =	swait.ge [sflag:s15], $0x2800  }
0x186: {  	s8 =	simm.s32 @!p1 $0x2;
	s30 =	simm.s32 @!p1 $0x5A00;
	[sflag:s15] =	ssyncset.done $0x0  }
0x187: {  	s29 =	simm.s32 @!p1 $0x50;
	s26 =	simm.s32 @!p1 $0x80;
	[sflag:s15] =	ssyncadd.s32 $0xFFFFD800  }
0x188: {  	[spmem:s4] =	stream.indirect.scatter.add.f32 @!p1 [tilespmem:s30], [sflag:$0x2], $0x10, s26, s29, $0xb8;
	[tilespmem:$0x1EC10] =	vst v63  }
0x189: {  	_ =	swait.ge @!p1 [sflag:s8], $0x500  }
0x18a: {  	s10 =	simm.s32 $0xA;
	s28 =	simm.s32 $0x14;
	[sflag:s8] =	ssyncset.done @!p1 $0x0  }
.LBB2_37:
0x18b: {  	s6 =	sadd.s32 s10, s21  }
0x18c: {  	[sflag:s8] =	ssyncadd.s32 @!p1 $0xFFFFFB00;
	s9 =	smov.u32 s28;
	s28 =	sadd.s32 $0xA, s28  }
0x18d: {  	[tilespmem:s5], [sflag:$0x3] =	stream.linear.gather [hbm4b:s6+s5], $0x50, $0x38;
	[tilespmem:$0x1EC10] =	vst v63  }
0x18e: {  	p3 =	sne.s32 s28, $0x4E2;
	_ =	swait.ge [sflag:s15], $0x50  }
0x18f: {  	[sflag:s15] =	ssyncset.done $0x0  }
0x190: {  	s6 =	sadd.s32 s10, s20;
	s10 =	smov.u32 s9;
	[sflag:s15] =	ssyncadd.s32 $0xFFFFFFB0  }
0x191: {  	[tilespmem:s16], [sflag:$0x3] =	stream.linear.gather [hbm4b:s6+s5], $0x50, $0x38;
	[tilespmem:$0x1EC10] =	vst v63  }
0x192: {  	_ =	swait.ge [sflag:s15], $0x50  }
0x193: {  	[sflag:s15] =	ssyncset.done $0x0  }
0x194: {  	[sflag:s15] =	ssyncadd.s32 $0xFFFFFFB0  }
0x195: {  	[tilespmem:s17], [sflag:$0x1] =	stream.indirect.gather [hbm4b:s1+s2], $0x80, s5, s2, $0xb8;
	[tilespmem:$0x1EC10] =	vst v63  }
0x196: {  	_ =	swait.ge [sflag:s24], $0x2800  }
0x197: {  	[sflag:s24] =	ssyncset.done $0x0  }
0x198: {  	[sflag:s24] =	ssyncadd.s32 $0xFFFFD800  }
0x199: {  	[spmem:s3] =	stream.indirect.scatter.add.f32 [tilespmem:s17], [sflag:$0x3], $0x80, s16, s2, $0xb8;
	[tilespmem:$0x1EC10] =	vst v63  }
0x19a: {  	_ =	swait.ge [sflag:s15], $0x2800  }
.Ltmp28:
0x19b: {  	[sflag:s15] =	ssyncset.done $0x0;
	(pc) =	sbr.rel @p3 .LBB2_37-.Ltmp28, $4  }
0x19c: {  	[sflag:s15] =	ssyncadd.s32 $0xFFFFD800  }
0x19d: {  	[spmem:s4] =	stream.indirect.scatter.add.f32 @!p1 [tilespmem:s30], [sflag:$0x2], $0x10, s26, s29, $0xb8;
	[tilespmem:$0x1EC10] =	vst v63  }
0x19e: {  	_ =	swait.ge @!p1 [sflag:s8], $0x500  }
0x19f: {  	[sflag:s8] =	ssyncset.done @!p1 $0x0  }
0x1a0: {  	s6 =	sadd.s32 s10, s21;
	[sflag:s8] =	ssyncadd.s32 @!p1 $0xFFFFFB00  }
0x1a1: {  	[tilespmem:s5], [sflag:$0x3] =	stream.linear.gather [hbm4b:s6+s5], $0x50, $0x38;
	[tilespmem:$0x1EC10] =	vst v63  }
0x1a2: {  	_ =	swait.ge [sflag:s15], $0x50  }
0x1a3: {  	[sflag:s15] =	ssyncset.done $0x0  }
0x1a4: {  	s30 =	sadd.s32 s10, s20;
	[sflag:s15] =	ssyncadd.s32 $0xFFFFFFB0  }
0x1a5: {  	[tilespmem:s16], [sflag:$0x3] =	stream.linear.gather [hbm4b:s30+s5], $0x50, $0x38;
	[tilespmem:$0x1EC10] =	vst v63  }
0x1a6: {  	_ =	swait.ge [sflag:s15], $0x50  }
0x1a7: {  	[sflag:s15] =	ssyncset.done $0x0  }
0x1a8: {  	[sflag:s15] =	ssyncadd.s32 $0xFFFFFFB0  }
0x1a9: {  	[tilespmem:s17], [sflag:$0x1] =	stream.indirect.gather [hbm4b:s1+s2], $0x80, s5, s2, $0xb8;
	[tilespmem:$0x1EC10] =	vst v63  }
0x1aa: {  	_ =	swait.ge [sflag:s24], $0x2800  }
0x1ab: {  	[sflag:s24] =	ssyncset.done $0x0  }
0x1ac: {  	[sflag:s24] =	ssyncadd.s32 $0xFFFFD800  }
0x1ad: {  	[spmem:s3] =	stream.indirect.scatter.add.f32 [tilespmem:s17], [sflag:$0x3], $0x80, s16, s2, $0xb8;
	[tilespmem:$0x1EC10] =	vst v63  }
0x1ae: {  	_ =	swait.ge [sflag:s15], $0x2800  }
0x1af: {  	s8 =	simm.s32 @!p1 $0x5A00;
	s9 =	simm.s32 @!p1 $0x50;
	[sflag:s15] =	ssyncset.done $0x0  }
0x1b0: {  	s10 =	simm.s32 @!p1 $0x80;
	s6 =	simm.s32 @!p1 $0x2;
	[sflag:s15] =	ssyncadd.s32 $0xFFFFD800  }
0x1b1: {  	[spmem:s4] =	stream.indirect.scatter.add.f32 @!p1 [tilespmem:s8], [sflag:$0x2], $0x10, s10, s9, $0xb8;
	[tilespmem:$0x1EC10] =	vst v63  }
0x1b2: {  	_ =	swait.ge @!p1 [sflag:s6], $0x500  }
0x1b3: {  	[sflag:s6] =	ssyncset.done @!p1 $0x0  }
0x1b4: {  	[sflag:s6] =	ssyncadd.s32 @!p1 $0xFFFFFB00  }
.Ltmp29:
0x1b5: {  	[bflag:$0x0] =	sbarrier.arrive $0xFFFF;
	(pc) =	sbr.rel .LBB2_39-.Ltmp29, $4  }
0x1b6: {  	s9 =	rddreg [dreg:$0x5]  }
0x1b7: {  	s10 =	rddreg [dreg:$0x12]  }
0x1b8: {  	s26 =	rddreg [dreg:$0x15]  }
0x1b9: {  	s28 =	rddreg [dreg:$0x7];
	s8 =	smov.u32 s9  }
.LBB2_43:
0x1ba: {  	s6 =	sshrl.u32 s10, $0x3  }
.Ltmp30:
0x1bb: {  	s6 =	sadd.s32 s28, s6;
	(pc) =	sbr.rel @p3 .LBB2_49-.Ltmp30, $4  }
0x1bc: {  	[hbm4b:s6+s5] =	stream.linear.scatter [tilespmem:s17], [sflag:$0x2], $0x2800, $0x38;
	[tilespmem:$0x1EC10] =	vst v63  }
0x1bd: {  	_ =	swait.ge [sflag:s0], $0x2800  }
0x1be: {  	[sflag:s0] =	ssyncset.done $0x0  }
0x1bf: {  	[sflag:s0] =	ssyncadd.s32 $0xFFFFD800  }
.LBB2_44:
0x1c0: {  	s26 =	sadd.s32 $0xFFFFFFFF, s26;
	s10 =	sadd.s32 $0x2800, s10;
	s8 =	sadd.s32 $0x50, s8  }
.LBB2_39:
0x1c1: {  	s6 =	sshrl.u32 s8, $0x3  }
0x1c2: {  	s6 =	sadd.s32 s7, s6  }
0x1c3: {  	[tilespmem:s31], [sflag:$0x3] =	stream.linear.gather [hbm4b:s6+s5], $0x50, $0x38;
	[tilespmem:$0x1EC10] =	vst v63  }
0x1c4: {  	_ =	swait.ge [sflag:s15], $0x50  }
0x1c5: {  	[sflag:s15] =	ssyncset.done $0x0  }
.Ltmp31:
0x1c6: {  	[sflag:s15] =	ssyncadd.s32 $0xFFFFFFB0;
	(pc) =	sbr.rel @p1 .LBB2_43-.Ltmp31, $4  }
0x1c7: {  	[tilespmem:s17], [sflag:$0x3] =	stream.indirect.gather [spmem:s3], $0x80, s31, s2, $0xb8;
	[tilespmem:$0x1EC10] =	vst v63  }
0x1c8: {  	_ =	swait.ge [sflag:s15], $0x2800  }
0x1c9: {  	[sflag:s15] =	ssyncset.done $0x0  }
0x1ca: {  	p3 =	seq.s32 s26, $0x0;
	[sflag:s15] =	ssyncadd.s32 $0xFFFFD800  }
0x1cb: {  	s6 =	sadd.s32 $0xFFEC7800, s10  }
0x1cc: {  	s6 =	sshrl.u32 s6, $0x3  }
.Ltmp32:
0x1cd: {  	s6 =	sadd.s32 s28, s6;
	(pc) =	sbr.rel @!p3 .LBB2_44-.Ltmp32, $4  }
0x1ce: {  	[hbm4b:s6+s5] =	stream.linear.scatter [tilespmem:s17], [sflag:$0x3], $0x2800, $0x38;
	[tilespmem:$0x1EC10] =	vst v63  }
0x1cf: {  	_ =	swait.ge [sflag:s15], $0x2800  }
0x1d0: {  	[sflag:s15] =	ssyncset.done $0x0  }
0x1d1: {  	[sflag:s15] =	ssyncadd.s32 $0xFFFFD800  }
0x1d2: {  	s6 =	rddreg [dreg:$0x14]  }
0x1d3: {  	p4 =	sne.s32 s6, $0x1  }
.Ltmp33:
0x1d4: {  	_ = 	snop;
	(pc) =	sbr.rel @!p4 .LBB2_42-.Ltmp33, $3  }
0x1d5: {  	_ =	sdelay $0x1  }
0x1d6: {  	s8 =	simm.s32 $0x8A00  }
0x1d7: {  	s29 =	sshrl.u32 s9, $0x3;
	p3 =	por $0x0, $0x0;
	s10 =	sadd.s32 $0xFFFFFFFF, s6  }
0x1d8: {  	s6 =	sadd.s32 s7, s29  }
0x1d9: {  	[tilespmem:s12], [sflag:$0x2] =	stream.linear.gather [hbm4b:s6+s5], $0x10, $0x38;
	[tilespmem:$0x1EC10] =	vst v63  }
0x1da: {  	_ =	swait.ge [sflag:s0], $0x10  }
0x1db: {  	[sflag:s0] =	ssyncset.done $0x0  }
0x1dc: {  	[sflag:s0] =	ssyncadd.s32 $0xFFFFFFF0  }
0x1dd: {  	[tilespmem:s25], [sflag:$0x2] =	stream.indirect.gather [spmem:s4], $0x10, s12, s13, $0xb8;
	[tilespmem:$0x1EC10] =	vst v63  }
0x1de: {  	_ =	swait.ge [sflag:s0], $0x100  }
0x1df: {  	[sflag:s0] =	ssyncset.done $0x0  }
0x1e0: {  	p4 =	sne.s32 s10, $0x1;
	[sflag:s0] =	ssyncadd.s32 $0xFFFFFF00  }
.Ltmp34:
0x1e1: {  	v3 =	vld.idx.msk [tilespmem:v2+s25+$0x0], $0xffff;
	(pc) =	sbr.rel @!p4 .LBB2_46-.Ltmp34, $3  }
0x1e2: {  	_ =	sdelay $0x1  }
0x1e3: {  	s26 =	sadd.s32 $0xFFFFFFFF, s10;
	s28 =	sadd.s32 $0x10, s9  }
0x1e4: {  	p3 =	por $0x1, $0x1;
	s10 =	simm.s32 $0x8A00;
	s29 =	sshrl.u32 s28, $0x3  }
.LBB2_47:
0x1e5: {  	p4 =	sne.s32 s26, $0x1;
	s6 =	sadd.s32 s7, s29;
	[tilespmem:s10+$0x0] =	vst v3;
	s10 =	sadd.s32 $0x10, s10  }
0x1e6: {  	[tilespmem:s12], [sflag:$0x2] =	stream.linear.gather [hbm4b:s6+s5], $0x10, $0x38;
	[tilespmem:$0x1EC10] =	vst v63  }
0x1e7: {  	s26 =	sadd.s32 $0xFFFFFFFF, s26;
	_ =	swait.ge [sflag:s0], $0x10  }
0x1e8: {  	[sflag:s0] =	ssyncset.done $0x0  }
0x1e9: {  	[sflag:s0] =	ssyncadd.s32 $0xFFFFFFF0  }
0x1ea: {  	[tilespmem:s25], [sflag:$0x2] =	stream.indirect.gather [spmem:s4], $0x10, s12, s13, $0xb8;
	[tilespmem:$0x1EC10] =	vst v63  }
0x1eb: {  	_ =	swait.ge [sflag:s0], $0x100  }
0x1ec: {  	[sflag:s0] =	ssyncset.done $0x0  }
0x1ed: {  	[sflag:s0] =	ssyncadd.s32 $0xFFFFFF00  }
0x1ee: {  	v3 =	vld.idx.msk [tilespmem:v2+s25+$0x0], $0xffff  }
.Ltmp35:
0x1ef: {  	(pc) =	sbr.rel @p4 .LBB2_47-.Ltmp35, $3  }
0x1f0: {  	_ =	sdelay $0x1  }
0x1f1: {  	s28 =	sadd.s32 $0x10, s28  }
0x1f2: {  	s29 =	sshrl.u32 s28, $0x3  }
.LBB2_48:
0x1f3: {  	s6 =	sadd.s32 s7, s29;
	[tilespmem:s10+$0x0] =	vst @p3 v3  }
0x1f4: {  	[tilespmem:s12], [sflag:$0x2] =	stream.linear.gather [hbm4b:s6+s5], $0x10, $0x38;
	[tilespmem:$0x1EC10] =	vst v63  }
0x1f5: {  	_ =	swait.ge [sflag:s0], $0x10  }
0x1f6: {  	[sflag:s0] =	ssyncset.done $0x0  }
0x1f7: {  	[sflag:s0] =	ssyncadd.s32 $0xFFFFFFF0  }
0x1f8: {  	[tilespmem:s25], [sflag:$0x2] =	stream.indirect.gather [spmem:s4], $0x10, s12, s13, $0xb8;
	[tilespmem:$0x1EC10] =	vst v63  }
0x1f9: {  	_ =	swait.ge [sflag:s0], $0x100  }
0x1fa: {  	[sflag:s0] =	ssyncset.done $0x0  }
0x1fb: {  	[sflag:s0] =	ssyncadd.s32 $0xFFFFFF00  }
0x1fc: {  	v3 =	vld.idx.msk [tilespmem:v2+s25+$0x0], $0xffff;
	_ =	sdelay $0x2  }
0x1fd: {  	s6 =	sadd.s32 @p3 $0x10, s10  }
0x1fe: {  	s8 =	smov.u32 @p3 s6  }
0x1ff: {  	s6 =	simm.s32 @p0 $0x0;
	s10 =	rddreg [dreg:$0xc];
	[tilespmem:s8+$0x0] =	vst v3;
	s8 =	simm.s32 @p0 $0x8A00  }
0x200: {  	[hbm4b:s10+s6] =	stream.linear.scatter @p0 [tilespmem:s8], [sflag:$0x2], $0x190, $0x38;
	[tilespmem:$0x1EC10] =	vst v63  }
0x201: {  	s6 =	simm.s32 @p0 $0x2  }
0x202: {  	_ =	swait.ge @p0 [sflag:s6], $0x190  }
0x203: {  	s8 =	simm.s32 @!p0 $0x8A00;
	[sflag:s6] =	ssyncset.done @p0 $0x0  }
0x204: {  	s10 =	rddreg [dreg:$0xb];
	[sflag:s6] =	ssyncadd.s32 @p0 $0xFFFFFE70;
	s6 =	simm.s32 @!p0 $0x0  }
0x205: {  	[hbm4b:s10+s6] =	stream.linear.scatter @!p0 [tilespmem:s8], [sflag:$0x2], $0x280, $0x38;
	[tilespmem:$0x1EC10] =	vst v63  }
0x206: {  	s6 =	simm.s32 @!p0 $0x2  }
0x207: {  	_ =	swait.ge @!p0 [sflag:s6], $0x280  }
0x208: {  	[sflag:s6] =	ssyncset.done @!p0 $0x0  }
0x209: {  	[sflag:s6] =	ssyncadd.s32 @!p0 $0xFFFFFD80  }
.LBB2_49:
.Ltmp36:
0x20a: {  	(pc) =	sbr.rel @!p2 .LBB2_52-.Ltmp36, $3  }
0x20b: {  	_ =	sdelay $0x1  }
0x20c: {  	[bflag:$0x0] =	sbarrier.arrive $0xFFFF  }
0x20d: {  	s26 =	sshrl.u32 s9, $0x3;
	p3 =	por $0x0, $0x0  }
0x20e: {  	s6 =	sadd.s32 s7, s26  }
0x20f: {  	[tilespmem:s31], [sflag:$0x2] =	stream.linear.gather [hbm4b:s6+s5], $0x50, $0x38;
	[tilespmem:$0x1EC10] =	vst v63  }
0x210: {  	_ =	swait.ge [sflag:s0], $0x50  }
0x211: {  	s30 =	rddreg [dreg:$0x17]  }
0x212: {  	p2 =	sne.s32 s30, $0x1  }
.Ltmp37:
0x213: {  	[sflag:s0] =	ssyncset.done $0x0;
	(pc) =	sbr.rel @!p2 .LBB2_52-.Ltmp37, $4  }
0x214: {  	[sflag:s0] =	ssyncadd.s32 $0xFFFFFFB0  }
0x215: {  	[spmem:s3] =	stream.indirect.scatter [tilespmem:s11], [sflag:$0x2], $0x80, s31, s2, $0xb8;
	[tilespmem:$0x1EC10] =	vst v63  }
0x216: {  	s10 =	sadd.s32 $0x50, s9;
	p3 =	por $0x1, $0x1;
	_ =	swait.ge [sflag:s0], $0x2800  }
0x217: {  	s26 =	sshrl.u32 s10, $0x3;
	s8 =	sadd.s32 $0xFFFFFFFF, s30;
	[sflag:s0] =	ssyncset.done $0x0  }
.LBB2_51:
0x218: {  	p2 =	sne.s32 s8, $0x1;
	s6 =	sadd.s32 s7, s26;
	[sflag:s0] =	ssyncadd.s32 $0xFFFFD800  }
0x219: {  	[tilespmem:s31], [sflag:$0x2] =	stream.linear.gather [hbm4b:s6+s5], $0x50, $0x38;
	[tilespmem:$0x1EC10] =	vst v63  }
0x21a: {  	s8 =	sadd.s32 $0xFFFFFFFF, s8;
	_ =	swait.ge [sflag:s0], $0x50  }
.Ltmp38:
0x21b: {  	[sflag:s0] =	ssyncset.done $0x0;
	(pc) =	sbr.rel @p2 .LBB2_51-.Ltmp38, $4  }
0x21c: {  	[sflag:s0] =	ssyncadd.s32 $0xFFFFFFB0  }
0x21d: {  	[spmem:s3] =	stream.indirect.scatter [tilespmem:s11], [sflag:$0x2], $0x80, s31, s2, $0xb8;
	[tilespmem:$0x1EC10] =	vst v63  }
0x21e: {  	s10 =	sadd.s32 $0x50, s10;
	_ =	swait.ge [sflag:s0], $0x2800  }
0x21f: {  	s26 =	sshrl.u32 s10, $0x3;
	[sflag:s0] =	ssyncset.done $0x0  }
.LBB2_52:
0x220: {  	s6 =	sadd.s32 s7, s26;
	[sflag:s0] =	ssyncadd.s32 @p3 $0xFFFFD800  }
0x221: {  	[tilespmem:s31], [sflag:$0x2] =	stream.linear.gather [hbm4b:s6+s5], $0x50, $0x38;
	[tilespmem:$0x1EC10] =	vst v63  }
0x222: {  	_ =	swait.ge [sflag:s0], $0x50  }
0x223: {  	[sflag:s0] =	ssyncset.done $0x0  }
.Ltmp39:
0x224: {  	[sflag:s0] =	ssyncadd.s32 $0xFFFFFFB0;
	(pc) =	sbr.rel @p1 .LBB2_57-.Ltmp39, $4  }
0x225: {  	[spmem:s3] =	stream.indirect.scatter [tilespmem:s11], [sflag:$0x2], $0x80, s31, s2, $0xb8;
	[tilespmem:$0x1EC10] =	vst v63  }
0x226: {  	_ =	swait.ge [sflag:s0], $0x2800  }
0x227: {  	[sflag:s0] =	ssyncset.done $0x0  }
0x228: {  	[sflag:s0] =	ssyncadd.s32 $0xFFFFD800  }
0x229: {  	s6 =	rddreg [dreg:$0x14]  }
0x22a: {  	p3 =	sne.s32 s6, $0x1  }
.Ltmp40:
0x22b: {  	_ = 	snop;
	(pc) =	sbr.rel @!p3 .LBB2_56-.Ltmp40, $2  }
0x22c: {  	_ =	sdelay $0x2  }
0x22d: {  	s26 =	sshrl.u32 s9, $0x3;
	p2 =	por $0x0, $0x0;
	s8 =	sadd.s32 $0xFFFFFFFF, s6  }
0x22e: {  	s6 =	sadd.s32 s7, s26  }
0x22f: {  	[tilespmem:s12], [sflag:$0x2] =	stream.linear.gather [hbm4b:s6+s5], $0x10, $0x38;
	[tilespmem:$0x1EC10] =	vst v63  }
0x230: {  	p3 =	sne.s32 s8, $0x1;
	_ =	swait.ge [sflag:s0], $0x10  }
.Ltmp41:
0x231: {  	[sflag:s0] =	ssyncset.done $0x0;
	(pc) =	sbr.rel @!p3 .LBB2_56-.Ltmp41, $4  }
0x232: {  	[sflag:s0] =	ssyncadd.s32 $0xFFFFFFF0  }
0x233: {  	[spmem:s4] =	stream.indirect.scatter [tilespmem:s14], [sflag:$0x2], $0x10, s12, s13, $0xb8;
	[tilespmem:$0x1EC10] =	vst v63  }
0x234: {  	s8 =	sadd.s32 $0xFFFFFFFF, s8;
	s10 =	sadd.s32 $0x10, s9;
	_ =	swait.ge [sflag:s0], $0x100  }
0x235: {  	p2 =	por $0x1, $0x1;
	s26 =	sshrl.u32 s10, $0x3;
	[sflag:s0] =	ssyncset.done $0x0  }
.LBB2_55:
0x236: {  	p3 =	sne.s32 s8, $0x1;
	s6 =	sadd.s32 s7, s26;
	[sflag:s0] =	ssyncadd.s32 $0xFFFFFF00  }
0x237: {  	[tilespmem:s12], [sflag:$0x2] =	stream.linear.gather [hbm4b:s6+s5], $0x10, $0x38;
	[tilespmem:$0x1EC10] =	vst v63  }
0x238: {  	s8 =	sadd.s32 $0xFFFFFFFF, s8;
	_ =	swait.ge [sflag:s0], $0x10  }
.Ltmp42:
0x239: {  	[sflag:s0] =	ssyncset.done $0x0;
	(pc) =	sbr.rel @p3 .LBB2_55-.Ltmp42, $4  }
0x23a: {  	[sflag:s0] =	ssyncadd.s32 $0xFFFFFFF0  }
0x23b: {  	[spmem:s4] =	stream.indirect.scatter [tilespmem:s14], [sflag:$0x2], $0x10, s12, s13, $0xb8;
	[tilespmem:$0x1EC10] =	vst v63  }
0x23c: {  	s10 =	sadd.s32 $0x10, s10;
	_ =	swait.ge [sflag:s0], $0x100  }
0x23d: {  	s26 =	sshrl.u32 s10, $0x3;
	[sflag:s0] =	ssyncset.done $0x0  }
.LBB2_56:
0x23e: {  	s6 =	sadd.s32 s7, s26;
	[sflag:s0] =	ssyncadd.s32 @p2 $0xFFFFFF00  }
0x23f: {  	[tilespmem:s12], [sflag:$0x2] =	stream.linear.gather [hbm4b:s6+s5], $0x10, $0x38;
	[tilespmem:$0x1EC10] =	vst v63  }
0x240: {  	_ =	swait.ge [sflag:s0], $0x10  }
0x241: {  	[sflag:s0] =	ssyncset.done $0x0  }
0x242: {  	[sflag:s0] =	ssyncadd.s32 $0xFFFFFFF0  }
0x243: {  	[spmem:s4] =	stream.indirect.scatter [tilespmem:s14], [sflag:$0x2], $0x10, s12, s13, $0xb8;
	[tilespmem:$0x1EC10] =	vst v63  }
0x244: {  	_ =	swait.ge [sflag:s0], $0x100  }
0x245: {  	[sflag:s0] =	ssyncset.done $0x0  }
0x246: {  	[sflag:s0] =	ssyncadd.s32 $0xFFFFFF00  }
.LBB2_57:
0x247: {  	[bflag:$0x0] =	sbarrier.arrive $0xFFFF;
	s6 =	sadd.s32 $0x0, s23  }
0x248: {  	[tilespmem:s5], [sflag:$0x3] =	stream.linear.gather [hbm4b:s6+s5], $0x50, $0x38;
	[tilespmem:$0x1EC10] =	vst v63  }
0x249: {  	_ =	swait.ge [sflag:s15], $0x50  }
0x24a: {  	[sflag:s15] =	ssyncset.done $0x0  }
0x24b: {  	s26 =	sadd.s32 $0x0, s22;
	[sflag:s15] =	ssyncadd.s32 $0xFFFFFFB0  }
0x24c: {  	[tilespmem:s16], [sflag:$0x3] =	stream.linear.gather [hbm4b:s26+s5], $0x50, $0x38;
	[tilespmem:$0x1EC10] =	vst v63  }
0x24d: {  	_ =	swait.ge [sflag:s15], $0x50  }
0x24e: {  	[sflag:s15] =	ssyncset.done $0x0  }
0x24f: {  	[sflag:s15] =	ssyncadd.s32 $0xFFFFFFB0  }
0x250: {  	[tilespmem:s17], [sflag:$0x1] =	stream.indirect.gather [hbm4b:s1+s2], $0x80, s5, s2, $0xb8;
	[tilespmem:$0x1EC10] =	vst v63  }
0x251: {  	_ =	swait.ge [sflag:s24], $0x2800  }
0x252: {  	[sflag:s24] =	ssyncset.done $0x0  }
0x253: {  	[sflag:s24] =	ssyncadd.s32 $0xFFFFD800  }
0x254: {  	[spmem:s3] =	stream.indirect.scatter.add.f32 [tilespmem:s17], [sflag:$0x3], $0x80, s16, s2, $0xb8;
	[tilespmem:$0x1EC10] =	vst v63  }
0x255: {  	_ =	swait.ge [sflag:s15], $0x2800  }
0x256: {  	s8 =	simm.s32 @!p1 $0x2;
	s28 =	simm.s32 @!p1 $0x5A00;
	[sflag:s15] =	ssyncset.done $0x0  }
0x257: {  	s29 =	simm.s32 @!p1 $0x50;
	s26 =	simm.s32 @!p1 $0x80;
	[sflag:s15] =	ssyncadd.s32 $0xFFFFD800  }
0x258: {  	[spmem:s4] =	stream.indirect.scatter.add.f32 @!p1 [tilespmem:s28], [sflag:$0x2], $0x10, s26, s29, $0xb8;
	[tilespmem:$0x1EC10] =	vst v63  }
0x259: {  	_ =	swait.ge @!p1 [sflag:s8], $0x500  }
0x25a: {  	s10 =	simm.s32 $0xA;
	s30 =	simm.s32 $0x14;
	[sflag:s8] =	ssyncset.done @!p1 $0x0  }
.LBB2_58:
0x25b: {  	s6 =	sadd.s32 s10, s23  }
0x25c: {  	[sflag:s8] =	ssyncadd.s32 @!p1 $0xFFFFFB00;
	s9 =	smov.u32 s30;
	s30 =	sadd.s32 $0xA, s30  }
0x25d: {  	[tilespmem:s5], [sflag:$0x3] =	stream.linear.gather [hbm4b:s6+s5], $0x50, $0x38;
	[tilespmem:$0x1EC10] =	vst v63  }
0x25e: {  	p2 =	sne.s32 s30, $0x4E2;
	_ =	swait.ge [sflag:s15], $0x50  }
0x25f: {  	[sflag:s15] =	ssyncset.done $0x0  }
0x260: {  	s6 =	sadd.s32 s10, s22;
	s10 =	smov.u32 s9;
	[sflag:s15] =	ssyncadd.s32 $0xFFFFFFB0  }
0x261: {  	[tilespmem:s16], [sflag:$0x3] =	stream.linear.gather [hbm4b:s6+s5], $0x50, $0x38;
	[tilespmem:$0x1EC10] =	vst v63  }
0x262: {  	_ =	swait.ge [sflag:s15], $0x50  }
0x263: {  	[sflag:s15] =	ssyncset.done $0x0  }
0x264: {  	[sflag:s15] =	ssyncadd.s32 $0xFFFFFFB0  }
0x265: {  	[tilespmem:s17], [sflag:$0x1] =	stream.indirect.gather [hbm4b:s1+s2], $0x80, s5, s2, $0xb8;
	[tilespmem:$0x1EC10] =	vst v63  }
0x266: {  	_ =	swait.ge [sflag:s24], $0x2800  }
0x267: {  	[sflag:s24] =	ssyncset.done $0x0  }
0x268: {  	[sflag:s24] =	ssyncadd.s32 $0xFFFFD800  }
0x269: {  	[spmem:s3] =	stream.indirect.scatter.add.f32 [tilespmem:s17], [sflag:$0x3], $0x80, s16, s2, $0xb8;
	[tilespmem:$0x1EC10] =	vst v63  }
0x26a: {  	_ =	swait.ge [sflag:s15], $0x2800  }
.Ltmp43:
0x26b: {  	[sflag:s15] =	ssyncset.done $0x0;
	(pc) =	sbr.rel @p2 .LBB2_58-.Ltmp43, $4  }
0x26c: {  	[sflag:s15] =	ssyncadd.s32 $0xFFFFD800  }
0x26d: {  	[spmem:s4] =	stream.indirect.scatter.add.f32 @!p1 [tilespmem:s28], [sflag:$0x2], $0x10, s26, s29, $0xb8;
	[tilespmem:$0x1EC10] =	vst v63  }
0x26e: {  	_ =	swait.ge @!p1 [sflag:s8], $0x500  }
0x26f: {  	[sflag:s8] =	ssyncset.done @!p1 $0x0  }
0x270: {  	s6 =	sadd.s32 s10, s23;
	[sflag:s8] =	ssyncadd.s32 @!p1 $0xFFFFFB00  }
0x271: {  	[tilespmem:s5], [sflag:$0x3] =	stream.linear.gather [hbm4b:s6+s5], $0x50, $0x38;
	[tilespmem:$0x1EC10] =	vst v63  }
0x272: {  	_ =	swait.ge [sflag:s15], $0x50  }
0x273: {  	[sflag:s15] =	ssyncset.done $0x0  }
0x274: {  	s29 =	sadd.s32 s10, s22;
	[sflag:s15] =	ssyncadd.s32 $0xFFFFFFB0  }
0x275: {  	[tilespmem:s16], [sflag:$0x3] =	stream.linear.gather [hbm4b:s29+s5], $0x50, $0x38;
	[tilespmem:$0x1EC10] =	vst v63  }
0x276: {  	_ =	swait.ge [sflag:s15], $0x50  }
0x277: {  	[sflag:s15] =	ssyncset.done $0x0  }
0x278: {  	[sflag:s15] =	ssyncadd.s32 $0xFFFFFFB0  }
0x279: {  	[tilespmem:s17], [sflag:$0x1] =	stream.indirect.gather [hbm4b:s1+s2], $0x80, s5, s2, $0xb8;
	[tilespmem:$0x1EC10] =	vst v63  }
0x27a: {  	_ =	swait.ge [sflag:s24], $0x2800  }
0x27b: {  	[sflag:s24] =	ssyncset.done $0x0  }
0x27c: {  	[sflag:s24] =	ssyncadd.s32 $0xFFFFD800  }
0x27d: {  	[spmem:s3] =	stream.indirect.scatter.add.f32 [tilespmem:s17], [sflag:$0x3], $0x80, s16, s2, $0xb8;
	[tilespmem:$0x1EC10] =	vst v63  }
0x27e: {  	_ =	swait.ge [sflag:s15], $0x2800  }
0x27f: {  	s8 =	simm.s32 @!p1 $0x5A00;
	s9 =	simm.s32 @!p1 $0x50;
	[sflag:s15] =	ssyncset.done $0x0  }
0x280: {  	s10 =	simm.s32 @!p1 $0x80;
	s6 =	simm.s32 @!p1 $0x2;
	[sflag:s15] =	ssyncadd.s32 $0xFFFFD800  }
0x281: {  	[spmem:s4] =	stream.indirect.scatter.add.f32 @!p1 [tilespmem:s8], [sflag:$0x2], $0x10, s10, s9, $0xb8;
	[tilespmem:$0x1EC10] =	vst v63  }
0x282: {  	_ =	swait.ge @!p1 [sflag:s6], $0x500  }
0x283: {  	[sflag:s6] =	ssyncset.done @!p1 $0x0  }
0x284: {  	[sflag:s6] =	ssyncadd.s32 @!p1 $0xFFFFFB00  }
.Ltmp44:
0x285: {  	[bflag:$0x0] =	sbarrier.arrive $0xFFFF;
	(pc) =	sbr.rel .LBB2_60-.Ltmp44, $4  }
0x286: {  	s30 =	rddreg [dreg:$0x5]  }
0x287: {  	s10 =	rddreg [dreg:$0x13]  }
0x288: {  	s26 =	rddreg [dreg:$0x15]  }
0x289: {  	s9 =	rddreg [dreg:$0x7];
	s8 =	smov.u32 s30  }
.LBB2_64:
0x28a: {  	s6 =	sshrl.u32 s10, $0x3  }
.Ltmp45:
0x28b: {  	s6 =	sadd.s32 s9, s6;
	(pc) =	sbr.rel @p2 .LBB2_70-.Ltmp45, $4  }
0x28c: {  	[hbm4b:s6+s5] =	stream.linear.scatter [tilespmem:s17], [sflag:$0x2], $0x2800, $0x38;
	[tilespmem:$0x1EC10] =	vst v63  }
0x28d: {  	_ =	swait.ge [sflag:s0], $0x2800  }
0x28e: {  	[sflag:s0] =	ssyncset.done $0x0  }
0x28f: {  	[sflag:s0] =	ssyncadd.s32 $0xFFFFD800  }
.LBB2_65:
0x290: {  	s26 =	sadd.s32 $0xFFFFFFFF, s26;
	s10 =	sadd.s32 $0x2800, s10;
	s8 =	sadd.s32 $0x50, s8  }
.LBB2_60:
0x291: {  	s6 =	sshrl.u32 s8, $0x3  }
0x292: {  	s6 =	sadd.s32 s7, s6  }
0x293: {  	[tilespmem:s31], [sflag:$0x3] =	stream.linear.gather [hbm4b:s6+s5], $0x50, $0x38;
	[tilespmem:$0x1EC10] =	vst v63  }
0x294: {  	_ =	swait.ge [sflag:s15], $0x50  }
0x295: {  	[sflag:s15] =	ssyncset.done $0x0  }
.Ltmp46:
0x296: {  	[sflag:s15] =	ssyncadd.s32 $0xFFFFFFB0;
	(pc) =	sbr.rel @p1 .LBB2_64-.Ltmp46, $4  }
0x297: {  	[tilespmem:s17], [sflag:$0x3] =	stream.indirect.gather [spmem:s3], $0x80, s31, s2, $0xb8;
	[tilespmem:$0x1EC10] =	vst v63  }
0x298: {  	_ =	swait.ge [sflag:s15], $0x2800  }
0x299: {  	[sflag:s15] =	ssyncset.done $0x0  }
0x29a: {  	p2 =	seq.s32 s26, $0x0;
	[sflag:s15] =	ssyncadd.s32 $0xFFFFD800  }
0x29b: {  	s6 =	sadd.s32 $0xFFEC7800, s10  }
0x29c: {  	s6 =	sshrl.u32 s6, $0x3  }
.Ltmp47:
0x29d: {  	s6 =	sadd.s32 s9, s6;
	(pc) =	sbr.rel @!p2 .LBB2_65-.Ltmp47, $4  }
0x29e: {  	[hbm4b:s6+s5] =	stream.linear.scatter [tilespmem:s17], [sflag:$0x3], $0x2800, $0x38;
	[tilespmem:$0x1EC10] =	vst v63  }
0x29f: {  	_ =	swait.ge [sflag:s15], $0x2800  }
0x2a0: {  	[sflag:s15] =	ssyncset.done $0x0  }
0x2a1: {  	[sflag:s15] =	ssyncadd.s32 $0xFFFFD800  }
0x2a2: {  	s6 =	rddreg [dreg:$0x14]  }
0x2a3: {  	p3 =	sne.s32 s6, $0x1  }
.Ltmp48:
0x2a4: {  	_ = 	snop;
	(pc) =	sbr.rel @!p3 .LBB2_63-.Ltmp48, $3  }
0x2a5: {  	_ =	sdelay $0x1  }
0x2a6: {  	s8 =	simm.s32 $0x8A00  }
0x2a7: {  	s29 =	sshrl.u32 s30, $0x3;
	p2 =	por $0x0, $0x0;
	s10 =	sadd.s32 $0xFFFFFFFF, s6  }
0x2a8: {  	s6 =	sadd.s32 s7, s29  }
0x2a9: {  	[tilespmem:s12], [sflag:$0x2] =	stream.linear.gather [hbm4b:s6+s5], $0x10, $0x38;
	[tilespmem:$0x1EC10] =	vst v63  }
0x2aa: {  	_ =	swait.ge [sflag:s0], $0x10  }
0x2ab: {  	[sflag:s0] =	ssyncset.done $0x0  }
0x2ac: {  	[sflag:s0] =	ssyncadd.s32 $0xFFFFFFF0  }
0x2ad: {  	[tilespmem:s25], [sflag:$0x2] =	stream.indirect.gather [spmem:s4], $0x10, s12, s13, $0xb8;
	[tilespmem:$0x1EC10] =	vst v63  }
0x2ae: {  	_ =	swait.ge [sflag:s0], $0x100  }
0x2af: {  	[sflag:s0] =	ssyncset.done $0x0  }
0x2b0: {  	p3 =	sne.s32 s10, $0x1;
	[sflag:s0] =	ssyncadd.s32 $0xFFFFFF00  }
.Ltmp49:
0x2b1: {  	v3 =	vld.idx.msk [tilespmem:v2+s25+$0x0], $0xffff;
	(pc) =	sbr.rel @!p3 .LBB2_67-.Ltmp49, $3  }
0x2b2: {  	_ =	sdelay $0x1  }
0x2b3: {  	s26 =	sadd.s32 $0xFFFFFFFF, s10;
	s28 =	sadd.s32 $0x10, s30  }
0x2b4: {  	p2 =	por $0x1, $0x1;
	s10 =	simm.s32 $0x8A00;
	s29 =	sshrl.u32 s28, $0x3  }
.LBB2_68:
0x2b5: {  	p3 =	sne.s32 s26, $0x1;
	s6 =	sadd.s32 s7, s29;
	[tilespmem:s10+$0x0] =	vst v3;
	s10 =	sadd.s32 $0x10, s10  }
0x2b6: {  	[tilespmem:s12], [sflag:$0x2] =	stream.linear.gather [hbm4b:s6+s5], $0x10, $0x38;
	[tilespmem:$0x1EC10] =	vst v63  }
0x2b7: {  	s26 =	sadd.s32 $0xFFFFFFFF, s26;
	_ =	swait.ge [sflag:s0], $0x10  }
0x2b8: {  	[sflag:s0] =	ssyncset.done $0x0  }
0x2b9: {  	[sflag:s0] =	ssyncadd.s32 $0xFFFFFFF0  }
0x2ba: {  	[tilespmem:s25], [sflag:$0x2] =	stream.indirect.gather [spmem:s4], $0x10, s12, s13, $0xb8;
	[tilespmem:$0x1EC10] =	vst v63  }
0x2bb: {  	_ =	swait.ge [sflag:s0], $0x100  }
0x2bc: {  	[sflag:s0] =	ssyncset.done $0x0  }
0x2bd: {  	[sflag:s0] =	ssyncadd.s32 $0xFFFFFF00  }
0x2be: {  	v3 =	vld.idx.msk [tilespmem:v2+s25+$0x0], $0xffff  }
.Ltmp50:
0x2bf: {  	(pc) =	sbr.rel @p3 .LBB2_68-.Ltmp50, $3  }
0x2c0: {  	_ =	sdelay $0x1  }
0x2c1: {  	s28 =	sadd.s32 $0x10, s28  }
0x2c2: {  	s29 =	sshrl.u32 s28, $0x3  }
.Ltmp51:
0x2c3: {  	_ = 	snop;
	(pc) =	sbr.rel .LBB2_69-.Ltmp51, $1  }
0x2c4: {  	_ =	sdelay $0x3  }
.LBB2_23:
.Ltmp52:
0x2c5: {  	(pc) =	sbr.rel .LBB2_27-.Ltmp52, $2  }
0x2c6: {  	_ =	sdelay $0x2  }
0x2c7: {  	s10 =	simm.s32 $0x8A00  }
.LBB2_42:
.Ltmp53:
0x2c8: {  	(pc) =	sbr.rel .LBB2_48-.Ltmp53, $2  }
0x2c9: {  	_ =	sdelay $0x2  }
0x2ca: {  	s10 =	simm.s32 $0x8A00  }
.LBB2_25:
.Ltmp54:
0x2cb: {  	(pc) =	sbr.rel .LBB2_27-.Ltmp54, $2  }
0x2cc: {  	_ =	sdelay $0x2  }
0x2cd: {  	s10 =	simm.s32 $0x8A00  }
.LBB2_46:
.Ltmp55:
0x2ce: {  	(pc) =	sbr.rel .LBB2_48-.Ltmp55, $2  }
0x2cf: {  	_ =	sdelay $0x2  }
0x2d0: {  	s10 =	simm.s32 $0x8A00  }
.LBB2_67:
.Ltmp56:
0x2d1: {  	(pc) =	sbr.rel .LBB2_69-.Ltmp56, $2  }
0x2d2: {  	_ =	sdelay $0x2  }
0x2d3: {  	s10 =	simm.s32 $0x8A00  }
.LBB2_71:
0x2d4: {  	_ =	sfence.sel $0x180000  }
0x2d5: {  	[bflag:$0x0] =	sbarrier.arrive $0xFFFF  }
0x2d6: {  	_ =	strace $0x90000047  }
0x2d7: {  	s0 =	stileid.u32;
	[bflag:$0x2] =	sbarrier.arrive $0xFFFF  }
0x2d8: {  	p0 =	sne.s32 s0, $0x0;
	s0 =	rddreg [dreg:$0x4]  }
0x2d9: {  	s0 =	sadd.s32 @!p0 $0x100000, s0  }
0x2da: {  	[sflag:s0] =	ssyncadd.tile.s32 @!p0 $0x1;
	_ =	shalt  }
.Lfunc_end2:
_tile_overlayer_lowered:
.L_overlay_start_2:
0x2db: {  	(tag) =	ssettag $0x2  }
0x2dc: {  	s0 =	rddreg [dreg:$0x0];
	s2 =	stileid.u32  }
0x2dd: {  	s1 =	rddreg [dreg:$0x1];
	p0 =	sne.s32 s2, $0x0  }
0x2de: {  	s3 =	rddreg [dreg:$0x2];
	[bflag:$0x3] =	sbarrier.arrive $0xFFFF;
	s2 =	simm.s32 @!p0 $0x1C02  }
0x2df: {  	[timem:s3], [sflag:s2] =	dma.local @!p0 [hbm:s0], s1  }
0x2e0: {  	s0 =	simm.s32 @!p0 $0x2  }
0x2e1: {  	_ =	swait.ge @!p0 [sflag:s0], s1  }
0x2e2: {  	s1 =	ssub.s32 @!p0 $0x0, s1;
	[sflag:s0] =	ssyncset.done @!p0 $0x0  }
0x2e3: {  	[sflag:s0] =	ssyncadd.s32 @!p0 s1  }
0x2e4: {  	[bflag:$0x3] =	sbarrier.arrive $0xFFFF  }
0x2e5: {  	_ =	shalt  }

// kernel: kernel.8.cloned.1.call-start
scs
__scs_entry_jumppad:
0x0: {  	(pc) =	sbr.rel $0x88, $3  }
0x1: {  	(tag) =	ssettag $0x0;
	lr =	simm.s32 $0x1  }
0x2: {  	[smem:$0x3F98] =	sst lr;
	_ =	strace $0xD0000000  }
0x3: {  	_ = 	snop  }
0x4: {  	_ = 	snop  }
0x5: {  	_ = 	snop  }
0x6: {  	_ = 	snop  }
0x7: {  	_ = 	snop  }
__scs_overlays_trampoline_lowered:
0x8: {  	[smem:$0x3FA7] =	sst s0  }
0x9: {  	[smem:$0x3FA8] =	sst s1  }
0xa: {  	[smem:$0x3FA9] =	sst s2  }
0xb: {  	[smem:$0x3FAA] =	sst s3  }
0xc: {  	[smem:$0x3FAB] =	sst s4  }
0xd: {  	[smem:$0x3FAC] =	sst s5  }
0xe: {  	[smem:$0x3FAD] =	sst s6  }
0xf: {  	[smem:$0x3FAE] =	sst s7  }
0x10: {  	[smem:$0x3FAF] =	sst s8  }
0x11: {  	[smem:$0x3FB0] =	sst s9;
	s0 =	simm.s32 @!p0 $0x0  }
0x12: {  	s1 =	sld [smem:$0x3F96];
	s0 =	simm.s32 @p0 $0x1  }
0x13: {  	[smem:$0x3FB1] =	sst s0;
	s0 =	simm.s32 @!p1 $0x0  }
0x14: {  	s2 =	sld [smem:$0x3F95];
	s0 =	simm.s32 @p1 $0x1  }
0x15: {  	[smem:$0x3FB2] =	sst s0;
	s0 =	simm.s32 @!p2 $0x0  }
0x16: {  	s3 =	sld [smem:$0x3FDB];
	s0 =	simm.s32 @p2 $0x1  }
0x17: {  	s4 =	simm.s32 $0x1BF5;
	[smem:$0x3FB4] =	sst s0  }
0x18: {  	s0 =	sld [smem:$0x3F97];
	_ =	swait.ge [sflag:s4], $0x0  }
0x19: {  	s7 =	sld [smem:$0x3F98]  }
0x1a: {  	s8 =	sadd.s32 $0xFFFFE003, lr  }
0x1b: {  	s9 =	sadd.s32 $0xFFFFFEF7, lr;
	s5 =	simm.s32 $0xFFFFFFFF;
	p2 =	slt.u32 s8, $0xFFFFF086  }
0x1c: {  	p1 =	slt.u32 s9, $0xF7A;
	s5 =	simm.s32 @!p2 $0x0  }
0x1d: {  	s5 =	simm.s32 @p1 $0x1;
	p0 =	seq.s32 s7, s2  }
0x1e: {  	s7 =	smul.u32 @!p0 $0xF7A, s2;
	p2 =	seq.s32 @!p0 s5, $0x0  }
0x1f: {  	s9 =	smul.u32 $0xF7A, s1;
	s8 =	simm.s32 @!p0 $0x1BF5;
	p2 =	por !p2, p0  }
0x20: {  	[sflag:s8] =	ssyncset.s32 @!p0 $0xFFFFF086;
	s6 =	sadd.s32 @!p0 s3, s7;
	s7 =	simm.s32 @!p0 $0x108  }
0x21: {  	s3 =	sadd.s32 s3, s9;
	s6 =	sadd.s32 @!p0 $0x88, s6;
	s7 =	simm.s32 @p2 $0x1082  }
0x22: {  	[simem:s7], [sflag:s8] =	dma.local @!p0 [hbm:s6], $0xF7A  }
0x23: {  	s9 =	sor.u32 $0xD0000000, s2;
	s6 =	simm.s32 $0x108;
	_ =	swait.ge @!p0 [sflag:s8], $0x0  }
0x24: {  	s3 =	sadd.s32 $0x88, s3;
	s6 =	simm.s32 @!p1 $0x1082;
	[sflag:s4] =	ssyncset.s32 $0xFFFFF086  }
0x25: {  	[simem:s6], [sflag:s4] =	dma.local [hbm:s3], $0xF7A  }
0x26: {  	[smem:$0x3F98] =	sst s1;
	(tag) =	ssettag s2;
	_ =	strace s9  }
0x27: {  	s1 =	sld [smem:$0x3FA8]  }
0x28: {  	s2 =	sld [smem:$0x3FA9]  }
0x29: {  	s4 =	sld [smem:$0x3FAB]  }
0x2a: {  	p0 =	seq.s32 s5, $0x0;
	s5 =	sld [smem:$0x3FAC]  }
0x2b: {  	s6 =	sld [smem:$0x3FAD]  }
0x2c: {  	s7 =	sld [smem:$0x3FAE]  }
0x2d: {  	s3 =	simm.s32 $0x108;
	s8 =	sld [smem:$0x3FAF]  }
0x2e: {  	s3 =	simm.s32 @!p0 $0x1082;
	s9 =	sld [smem:$0x3FB0]  }
0x2f: {  	lr =	sadd.s32 s0, s3;
	s0 =	sld [smem:$0x3FA7]  }
0x30: {  	s3 =	sld [smem:$0x3FAA]  }
0x31: {  	[smem:$0x3FB3] =	sst s10  }
0x32: {  	s10 =	sld [smem:$0x3FB1];
	_ =	sdelay $0x3  }
0x33: {  	p0 =	seq.s32 s10, $0x1;
	s10 =	sld [smem:$0x3FB3];
	_ =	sdelay $0x3  }
0x34: {  	[smem:$0x3FB3] =	sst s10  }
0x35: {  	s10 =	sld [smem:$0x3FB2];
	_ =	sdelay $0x3  }
0x36: {  	p1 =	seq.s32 s10, $0x1;
	s10 =	sld [smem:$0x3FB3];
	_ =	sdelay $0x3  }
0x37: {  	[smem:$0x3FB3] =	sst s10  }
0x38: {  	s10 =	sld [smem:$0x3FB4]  }
0x39: {  	_ = 	snop;
	(pc) =	sbr.ind lr, $3  }
0x3a: {  	_ = 	snop  }
0x3b: {  	_ = 	snop  }
0x3c: {  	p2 =	seq.s32 s10, $0x1;
	s10 =	sld [smem:$0x3FB3]  }
0x3d: {  	_ =	shalt  }
0x3e: {  	_ =	shalt  }
0x3f: {  	_ =	shalt  }
0x40: {  	_ =	shalt  }
0x41: {  	_ =	shalt  }
0x42: {  	_ =	shalt  }
0x43: {  	_ =	shalt  }
0x44: {  	_ =	shalt  }
0x45: {  	_ =	shalt  }
0x46: {  	_ =	shalt  }
0x47: {  	_ =	shalt  }
0x48: {  	_ =	shalt  }
0x49: {  	_ =	shalt  }
0x4a: {  	_ =	shalt  }
0x4b: {  	_ =	shalt  }
0x4c: {  	_ =	shalt  }
0x4d: {  	_ =	shalt  }
0x4e: {  	_ =	shalt  }
0x4f: {  	_ =	shalt  }
0x50: {  	_ =	shalt  }
0x51: {  	_ =	shalt  }
0x52: {  	_ =	shalt  }
0x53: {  	_ =	shalt  }
0x54: {  	_ =	shalt  }
0x55: {  	_ =	shalt  }
0x56: {  	_ =	shalt  }
0x57: {  	_ =	shalt  }
0x58: {  	_ =	shalt  }
0x59: {  	_ =	shalt  }
0x5a: {  	_ =	shalt  }
0x5b: {  	_ =	shalt  }
0x5c: {  	_ =	shalt  }
0x5d: {  	_ =	shalt  }
0x5e: {  	_ =	shalt  }
0x5f: {  	_ =	shalt  }
0x60: {  	_ =	shalt  }
0x61: {  	_ =	shalt  }
0x62: {  	_ =	shalt  }
0x63: {  	_ =	shalt  }
0x64: {  	_ =	shalt  }
0x65: {  	_ =	shalt  }
0x66: {  	_ =	shalt  }
0x67: {  	_ =	shalt  }
0x68: {  	_ =	shalt  }
0x69: {  	_ =	shalt  }
0x6a: {  	_ =	shalt  }
0x6b: {  	_ =	shalt  }
0x6c: {  	_ =	shalt  }
0x6d: {  	_ =	shalt  }
0x6e: {  	_ =	shalt  }
0x6f: {  	_ =	shalt  }
0x70: {  	_ =	shalt  }
0x71: {  	_ =	shalt  }
0x72: {  	_ =	shalt  }
0x73: {  	_ =	shalt  }
0x74: {  	_ =	shalt  }
0x75: {  	_ =	shalt  }
0x76: {  	_ =	shalt  }
0x77: {  	_ =	shalt  }
0x78: {  	_ =	shalt  }
0x79: {  	_ =	shalt  }
0x7a: {  	_ =	shalt  }
0x7b: {  	_ =	shalt  }
0x7c: {  	_ =	shalt  }
0x7d: {  	_ =	shalt  }
0x7e: {  	_ =	shalt  }
0x7f: {  	_ =	shalt  }
0x80: {  	_ =	shalt  }
0x81: {  	_ =	shalt  }
0x82: {  	_ =	shalt  }
0x83: {  	_ =	shalt  }
0x84: {  	_ =	shalt  }
0x85: {  	_ =	shalt  }
0x86: {  	_ =	shalt  }
0x87: {  	_ =	shalt  }
.Lfunc_end0:
.L_simem_size_0:
called_computation.1_lowered:
.L_overlay_start_0:
0x88: {  	s2 =	sld [smem:$0x3FD9]  }
0x89: {  	s3 =	sld [smem:$0x3FFE];
	_ =	sdelay $0x1  }
0x8a: {  	s1 =	srdreg.scid  }
0x8b: {  	s0 =	sand.u32 $0x1, s1  }
0x8c: {  	s17 =	sshll.u32 s0, $0xA;
	s2 =	sadd.s32 s3, s2  }
0x8d: {  	s2 =	sadd.s32 s2, s17  }
0x8e: {  	[smem:$0x3FBF] =	sst s2  }
0x8f: {  	_ = 	snop  }
0x90: {  	s2 =	sld [smem:$0x3FD0];
	(tm) =	ssettm $0x1  }
0x91: {  	s18 =	sld [smem:$0x3FFB];
	_ =	sdelay $0x3  }
0x92: {  	_ =	strace s18  }
0x93: {  	s3 =	sld [smem:$0x3FFC];
	_ =	sdelay $0x3  }
0x94: {  	_ =	strace s3  }
0x95: {  	s3 =	sld [smem:$0x3FFD];
	_ =	sdelay $0x3  }
0x96: {  	_ =	strace s3  }
0x97: {  	_ =	strace $0x8FFFFFFF  }
0x98: {  	s19 =	sld [smem:$0x3FDB];
	_ =	sdelay $0x1  }
0x99: {  	s4 =	simm.s32 $_scs_section_size  }
0x9a: {  	s5 =	simm.s32 $_size__tile_overlayer_lowered;
	s6 =	simm.s32 $_tile_overlayer_lowered  }
0x9b: {  	s22 =	simm.s32 $0x1BFF;
	s21 =	sshll.u32 s6, $0x1;
	s3 =	sadd.s32 s4, s19  }
0x9c: {  	s7 =	simm.s32 $0x0;
	s20 =	sshll.u32 s5, $0x1;
	s5 =	sadd.s32 s21, s3  }
0x9d: {  	[timem:s7], [sflag:s22] =	dma.local [hbm:s5], s20  }
0x9e: {  	_ =	swait.ge [sflag:s22], s20  }
0x9f: {  	s4 =	ssub.s32 $0x0, s20;
	[sflag:s22] =	ssyncset.done $0x0  }
0xa0: {  	[sflag:s22] =	ssyncadd.s32 s4;
	_ =	sdelay $0x1  }
0xa1: {  	s23 =	simm.s32 $0x1B8B  }
0xa2: {  	_ =	swait.ge [sflag:s23], $0x1  }
0xa3: {  	[sflag:s23] =	ssyncset.done $0x0  }
0xa4: {  	s25 =	simm.s32 $0x1B8E;
	s24 =	sld [smem:$0x3FFE];
	[sflag:s23] =	ssyncadd.s32 $0xFFFFFFFF  }
0xa5: {  	s26 =	simm.s32 $execute0_lowered;
	[smem:$0x3FD2] =	sst s25  }
0xa6: {  	s5 =	sshll.u32 s26, $0x1;
	_ =	strace $0x80000049;
	[dreg:$0x1] =	wrdreg $0xFFFFFFFF  }
0xa7: {  	s28 =	simm.s32 $_size_execute0_lowered;
	s3 =	sadd.s32 s3, s5;
	[dreg:$0x0] =	wrdreg $0x0  }
0xa8: {  	s5 =	sshll.u32 s28, $0x1;
	[dreg:$0x2] =	wrdreg s3  }
0xa9: {  	[dreg:$0x3] =	wrdreg s5  }
0xaa: {  	[dreg:$0x4] =	wrdreg $0xC0  }
0xab: {  	_ =	task [dreg:s7], $0x5FFFF  }
0xac: {  	[dreg:$0x1] =	wrdreg $0xFFFFFFFF  }
0xad: {  	[dreg:$0x0] =	wrdreg $0x60  }
0xae: {  	[dreg:$0x2] =	wrdreg s2  }
0xaf: {  	[dreg:$0x3] =	wrdreg s24  }
0xb0: {  	[dreg:$0x4] =	wrdreg $0x9  }
0xb1: {  	_ =	task.clear_ibuf [dreg:s7], $0x5FFFF;
	_ =	strace $0x90000049  }
0xb2: {  	s29 =	simm.s32 $0x9;
	_ =	strace $0x8000004B  }
0xb3: {  	_ =	swait.ge [sflag:s29], $0x1  }
0xb4: {  	[sflag:s29] =	ssyncadd.s32 $0xFFFFFFFF  }
0xb5: {  	_ =	strace $0x9000004B  }
0xb6: {  	_ =	sfence  }
0xb7: {  	s30 =	sld [smem:$0x0];
	_ =	sdelay $0x2  }
0xb8: {  	s31 =	sshll.u32 s1, $0xD;
	s1 =	sshrl.u32 s1, $0x2  }
0xb9: {  	s3 =	sand.u32 $0x4000, s31;
	s1 =	sadd.s32 s1, s30  }
0xba: {  	s0 =	sor.u32 s3, s0;
	s1 =	sshll.u32 s1, $0x11  }
0xbb: {  	s0 =	sor.u32 s1, s0  }
0xbc: {  	s0 =	sadd.s32 $0x8F2B, s0  }
0xbd: {  	[sflag:s0] =	ssyncadd.remote.s32 $0x1  }
0xbe: {  	_ =	sfence.sel $0xFFFF  }
0xbf: {  	[dreg:$0x0] =	wrdreg $0xFFFFFFFF;
	(pc) =	sbr.abs _section_cstart, $3  }
0xc0: {  	[dreg:$0x1] =	wrdreg $0xFFFFFFFF  }
0xc1: {  	_ =	task.clear_ibuf [dreg:s7], $0x2FFFF;
	_ =	strace $0x9FFFFFFF  }
0xc2: {  	(tm) =	ssettm $0x7FFFFFFF  }
0xc3: {  	_ =	shalt  }
tec
execute0_lowered:
.L_overlay_start_1:
0x0: {  	(tag) =	ssettag $0x1  }
0x1: {  	s2 =	rddreg [dreg:$0x0];
	s1 =	srdreg.scid  }
0x2: {  	s0 =	stileid.u32;
	s4 =	rddreg [dreg:$0x1];
	s3 =	simm.s32 $0x0  }
0x3: {  	s10 =	simm.s32 $0x1;
	s11 =	simm.s32 $0x0;
	s6 =	smul.u32 $0xC40, s0  }
0x4: {  	s5 =	sand.u32 $0x1, s1;
	s1 =	rddreg [dreg:$0x2];
	s8 =	smul.u32 $0xC400, s0  }
0x5: {  	[smem:$0x7FF] =	sst s3;
	s7 =	smul.u32 $0x620, s5;
	s9 =	ssub.s32 $0x2, s5  }
0x6: {  	_ =	strace $0x8000004A;
	s5 =	smul.u32 $0x6200, s5;
	s31 =	sshrl.u32 s9, $0x1  }
0x7: {  	s30 =	sadd.s32 s8, s4;
	s6 =	sadd.s32 s7, s6;
	s8 =	ssub.s32 s9, s31  }
0x8: {  	s5 =	sadd.s32 s5, s30;
	s7 =	simm.s32 $0x2;
	s6 =	sshrl.u32 s6, $0x3  }
0x9: {  	s9 =	simm.s32 $0x80;
	s5 =	sadd.s32 $0x1000, s5;
	s6 =	sadd.s32 s6, s4  }
0xa: {  	s4 =	smax.u32 s8, $0x1;
	s8 =	simm.s32 $0x70;
	s6 =	sadd.s32 $0x131600, s6  }
.LBB2_1:
0xb: {  	s12 =	sadd.s32 $0x0, s6  }
0xc: {  	[tilespmem:s3], [sflag:$0x2] =	stream.linear.gather [hbm4b:s12+s3], $0x70, $0x38;
	[tilespmem:$0x3880] =	vst v63  }
0xd: {  	_ =	swait.ge [sflag:s7], $0x70  }
0xe: {  	[sflag:s7] =	ssyncset.done $0x0  }
0xf: {  	[sflag:s7] =	ssyncadd.s32 $0xFFFFFF90  }
0x10: {  	[tilespmem:s9], [sflag:$0x1] =	stream.indirect.gather [hbm4b:s2+s8], $0x80, s3, s8, $0xb8;
	[tilespmem:$0x3880] =	vst v63  }
0x11: {  	_ =	swait.ge [sflag:s10], $0x3800  }
0x12: {  	[sflag:s10] =	ssyncset.done $0x0  }
0x13: {  	[sflag:s10] =	ssyncadd.s32 $0xFFFFC800  }
0x14: {  	[hbm4b:s5+s3] =	stream.linear.scatter [tilespmem:s9], [sflag:$0x2], $0x3800, $0x38;
	[tilespmem:$0x3880] =	vst v63  }
0x15: {  	s13 =	simm.s32 $0xE;
	_ =	swait.ge [sflag:s7], $0x3800  }
0x16: {  	s14 =	simm.s32 $0x1C;
	s12 =	sadd.s32 $0x700, s5;
	[sflag:s7] =	ssyncset.done $0x0  }
.LBB2_2:
0x17: {  	s15 =	sadd.s32 s13, s6  }
0x18: {  	[sflag:s7] =	ssyncadd.s32 $0xFFFFC800;
	s13 =	smov.u32 s14;
	s16 =	sadd.s32 $0xE, s14  }
0x19: {  	[tilespmem:s3], [sflag:$0x2] =	stream.linear.gather [hbm4b:s15+s3], $0x70, $0x38;
	[tilespmem:$0x3880] =	vst v63  }
0x1a: {  	p0 =	sne.s32 s14, $0xB6;
	_ =	swait.ge [sflag:s7], $0x70  }
0x1b: {  	[sflag:s7] =	ssyncset.done $0x0  }
0x1c: {  	[sflag:s7] =	ssyncadd.s32 $0xFFFFFF90  }
0x1d: {  	[tilespmem:s9], [sflag:$0x1] =	stream.indirect.gather [hbm4b:s2+s8], $0x80, s3, s8, $0xb8;
	[tilespmem:$0x3880] =	vst v63  }
0x1e: {  	_ =	swait.ge [sflag:s10], $0x3800  }
.Ltmp0:
0x1f: {  	[sflag:s10] =	ssyncset.done $0x0;
	(pc) =	sbr.rel @p0 .LBB2_2-.Ltmp0, $4  }
0x20: {  	[sflag:s10] =	ssyncadd.s32 $0xFFFFC800  }
0x21: {  	[hbm4b:s12+s3] =	stream.linear.scatter [tilespmem:s9], [sflag:$0x2], $0x3800, $0x38;
	[tilespmem:$0x3880] =	vst v63  }
0x22: {  	_ =	swait.ge [sflag:s7], $0x3800  }
0x23: {  	s14 =	smov.u32 s16;
	s12 =	sadd.s32 $0x700, s12;
	[sflag:s7] =	ssyncset.done $0x0  }
0x24: {  	s13 =	sadd.s32 s13, s6;
	[sflag:s7] =	ssyncadd.s32 $0xFFFFC800  }
0x25: {  	[tilespmem:s3], [sflag:$0x2] =	stream.linear.gather [hbm4b:s13+s3], $0x70, $0x38;
	[tilespmem:$0x3880] =	vst v63  }
0x26: {  	_ =	swait.ge [sflag:s7], $0x70  }
0x27: {  	[sflag:s7] =	ssyncset.done $0x0  }
0x28: {  	[sflag:s7] =	ssyncadd.s32 $0xFFFFFF90  }
0x29: {  	[tilespmem:s9], [sflag:$0x1] =	stream.indirect.gather [hbm4b:s2+s8], $0x80, s3, s8, $0xb8;
	[tilespmem:$0x3880] =	vst v63  }
0x2a: {  	s11 =	sadd.s32 $0x1, s11;
	_ =	swait.ge [sflag:s10], $0x3800  }
0x2b: {  	p0 =	sne.s32 s11, s4;
	[sflag:s10] =	ssyncset.done $0x0  }
.Ltmp1:
0x2c: {  	[sflag:s10] =	ssyncadd.s32 $0xFFFFC800;
	(pc) =	sbr.rel @p0 .LBB2_1-.Ltmp1, $4  }
0x2d: {  	[hbm4b:s12+s3] =	stream.linear.scatter [tilespmem:s9], [sflag:$0x2], $0x3800, $0x38;
	[tilespmem:$0x3880] =	vst v63  }
0x2e: {  	_ =	swait.ge [sflag:s7], $0x3800  }
0x2f: {  	[sflag:s7] =	ssyncset.done $0x0  }
0x30: {  	[sflag:s7] =	ssyncadd.s32 $0xFFFFC800  }
0x31: {  	_ =	sfence.sel $0x180000  }
0x32: {  	[bflag:$0x0] =	sbarrier.arrive $0xFFFF  }
0x33: {  	p0 =	sne.s32 s0, $0x0;
	_ =	strace $0x9000004A  }
0x34: {  	s0 =	sadd.s32 @!p0 $0x100000, s1;
	[bflag:$0x2] =	sbarrier.arrive $0xFFFF  }
0x35: {  	[sflag:s0] =	ssyncadd.tile.s32 @!p0 $0x1;
	_ =	shalt  }
.Lfunc_end2:
_tile_overlayer_lowered:
.L_overlay_start_2:
0x36: {  	(tag) =	ssettag $0x2  }
0x37: {  	s0 =	rddreg [dreg:$0x0];
	s2 =	stileid.u32  }
0x38: {  	s1 =	rddreg [dreg:$0x1];
	p0 =	sne.s32 s2, $0x0  }
0x39: {  	s3 =	rddreg [dreg:$0x2];
	[bflag:$0x3] =	sbarrier.arrive $0xFFFF;
	s2 =	simm.s32 @!p0 $0x1C02  }
0x3a: {  	[timem:s3], [sflag:s2] =	dma.local @!p0 [hbm:s0], s1  }
0x3b: {  	s0 =	simm.s32 @!p0 $0x2  }
0x3c: {  	_ =	swait.ge @!p0 [sflag:s0], s1  }
0x3d: {  	s1 =	ssub.s32 @!p0 $0x0, s1;
	[sflag:s0] =	ssyncset.done @!p0 $0x0  }
0x3e: {  	[sflag:s0] =	ssyncadd.s32 @!p0 s1  }
0x3f: {  	[bflag:$0x3] =	sbarrier.arrive $0xFFFF  }
0x40: {  	_ =	shalt  }

</sc_bundles>
